<compile_context>
chip_gen: v7x
topology: tpu7x:2x2x1
jax: 0.10.2.dev20260603
libtpu: 0.0.44.dev20260713+nightly
codegen_flags: <defaults>
</compile_context>

<pallas_src>
import functools

import jax
import jax.numpy as jnp
from jax import lax
from jax.experimental import pallas as pl
from jax.experimental.pallas import tpu as pltpu
from jax.experimental.pallas import tpu_sc as plsc

_B = 128
_K = 5
_NC = 2
_NS = 16


@functools.lru_cache(maxsize=None)
def _make_scatter(N, E, D):
    NW = _NC * _NS
    n_units = E // (_K * _B)
    assert E % (_K * _B) == 0
    per_tile = n_units // NW // 2 * 2
    extra = n_units - per_tile * NW
    assert extra < NW
    half = per_tile // 2
    rpt = (((N + _NS - 1) // _NS) + 7) // 8 * 8
    Npad = rpt * _NS

    mesh = plsc.VectorSubcoreMesh(core_axis_name="c", subcore_axis_name="s")

    @functools.partial(
        pl.kernel,
        out_type=jax.ShapeDtypeStruct((_NC, Npad, D), jnp.float32),
        mesh=mesh,
        compiler_params=pltpu.CompilerParams(use_tc_tiling_on_sc=False),
        scratch_types=[
            pltpu.VMEM((2, _K * _B), jnp.int32),
            pltpu.VMEM((2, _K * _B), jnp.int32),
            pltpu.VMEM((2, _K * _B, D), jnp.float32),
            pltpu.VMEM_SHARED((Npad, D), jnp.float32),
            pltpu.SemaphoreType.DMA,
            pltpu.SemaphoreType.DMA,
            pltpu.SemaphoreType.DMA,
            pltpu.SemaphoreType.DMA,
            pltpu.SemaphoreType.DMA,
        ],
    )
    def scatter_kernel(x_hbm, e_hbm, z_hbm, out_hbm, src_v, dst_v, rows_v, acc,
                       sem_i, sem_g0, sem_g1, sem_s0, sem_s1):
        c = lax.axis_index("c")
        s = lax.axis_index("s")
        wid = c * _NS + s

        def fire_gathers(p, sem):
            pltpu.async_copy(x_hbm.at[src_v.at[p]], rows_v.at[p], sem)

        def drain_gathers(p, sem):
            pltpu.make_async_copy(x_hbm.at[src_v.at[p]], rows_v.at[p], sem).wait()

        def fire_scatters(p, sem):
            pltpu.async_copy(rows_v.at[p], acc.at[dst_v.at[p]], sem, add=True)

        def drain_scatters(p, sem):
            pltpu.make_async_copy(rows_v.at[p], acc.at[dst_v.at[p]], sem).wait()

        def load_idx(p, u):
            off = u * (_K * _B)
            d0 = pltpu.async_copy(e_hbm.at[0, pl.ds(off, _K * _B)], src_v.at[p], sem_i)
            d1 = pltpu.async_copy(e_hbm.at[1, pl.ds(off, _K * _B)], dst_v.at[p], sem_i)
            return d0, d1

        r0 = s * rpt
        pltpu.sync_copy(z_hbm, acc.at[pl.ds(r0, rpt)])
        plsc.subcore_barrier()

        base = wid * per_tile

        for d in load_idx(0, base):
            d.wait()
        fire_gathers(0, sem_g0)

        def pair_body(i, carry):
            u0 = base + 2 * i
            drain_gathers(0, sem_g0)

            @pl.when(i > 0)
            def _():
                drain_scatters(1, sem_s1)

            di = load_idx(1, u0 + 1)
            fire_scatters(0, sem_s0)
            for d in di:
                d.wait()
            fire_gathers(1, sem_g1)

            drain_gathers(1, sem_g1)
            drain_scatters(0, sem_s0)
            fire_scatters(1, sem_s1)

            @pl.when(i < half - 1)
            def _():
                di2 = load_idx(0, u0 + 2)
                for d in di2:
                    d.wait()
                fire_gathers(0, sem_g0)

            return carry

        lax.fori_loop(0, half, pair_body, 0)
        drain_scatters(1, sem_s1)

        @pl.when(wid < extra)
        def _():
            for d in load_idx(0, NW * per_tile + wid):
                d.wait()
            fire_gathers(0, sem_g0)
            drain_gathers(0, sem_g0)
            fire_scatters(0, sem_s0)
            drain_scatters(0, sem_s0)

        plsc.subcore_barrier()

        pltpu.sync_copy(acc.at[pl.ds(r0, rpt)], out_hbm.at[c, pl.ds(r0, rpt)])

    return scatter_kernel, Npad, rpt


@functools.lru_cache(maxsize=None)
def _make_combine(N, Npad, D, relu):
    NW = _NC * _NS
    rows_per_tile = Npad // NW
    assert Npad % NW == 0
    CH = rows_per_tile // 4
    assert rows_per_tile % CH == 0

    mesh = plsc.VectorSubcoreMesh(core_axis_name="c", subcore_axis_name="s")

    n_chunks = rows_per_tile // CH
    tail = N - ((_NC * _NS - 1) * rows_per_tile + (n_chunks - 1) * CH)
    assert 0 < tail <= CH

    @functools.partial(
        pl.kernel,
        out_type=jax.ShapeDtypeStruct((N, D), jnp.float32),
        mesh=mesh,
        compiler_params=pltpu.CompilerParams(use_tc_tiling_on_sc=False,
                                             needs_layout_passes=False),
        scratch_types=[
            pltpu.VMEM((CH, D), jnp.float32),
            pltpu.VMEM((CH, D), jnp.float32),
            pltpu.VMEM((CH, D), jnp.float32),
            pltpu.VMEM((D, D), jnp.float32),
            pltpu.VMEM((D,), jnp.float32),
        ],
    )
    def combine_kernel(p_hbm, w_hbm, b_hbm, h_hbm, p0v, p1v, hv, wv, bv):
        c = lax.axis_index("c")
        s = lax.axis_index("s")
        wid = c * _NS + s
        base = wid * rows_per_tile

        pltpu.sync_copy(w_hbm, wv)
        pltpu.sync_copy(b_hbm, bv)
        wrows = [wv[k, :] for k in range(D)]
        brow = bv[...]
        idxk = [jnp.full((16,), k, jnp.int32) for k in range(D)]

        def chunk(ci, carry):
            r0 = base + ci * CH
            pltpu.sync_copy(p_hbm.at[0, pl.ds(r0, CH)], p0v)
            pltpu.sync_copy(p_hbm.at[1, pl.ds(r0, CH)], p1v)

            def row(r, carry2):
                rs = p0v[r, :] + p1v[r, :]
                acc = brow
                for k in range(D):
                    bk = rs.at[idxk[k]].get(mode="promise_in_bounds")
                    acc = acc + bk * wrows[k]
                hv[r, :] = jnp.maximum(acc, 0.0) if relu else acc
                return carry2

            lax.fori_loop(0, CH, row, 0)
            last = (wid == _NC * _NS - 1) & (ci == n_chunks - 1)

            @pl.when(~last)
            def _():
                pltpu.sync_copy(hv, h_hbm.at[pl.ds(r0, CH)])

            @pl.when(last)
            def _():
                pltpu.sync_copy(hv.at[pl.ds(0, tail)], h_hbm.at[pl.ds(r0, tail)])

            return carry

        lax.fori_loop(0, n_chunks, chunk, 0)

    return combine_kernel


def kernel(x, edge_index, W1, b1, W2, b2):
    N, D = x.shape
    E = edge_index.shape[1]

    scatter, Npad, rpt = _make_scatter(N, E, D)
    zeros = jnp.zeros((rpt, D), jnp.float32)

    p1 = scatter(x, edge_index, zeros)
    h1 = _make_combine(N, Npad, D, True)(p1, W1, b1)
    p2 = scatter(h1, edge_index, zeros)
    return _make_combine(N, Npad, D, False)(p2, W2, b2)

# --- scband reference (transcript-rebuilt; emitter-appended) ---
"""Pipeline reference for scband-gnn-32993938768095 (READ-ONLY COPY).

The authoritative reference and input builder live on the scoring server;
editing this copy changes nothing except your own understanding.
"""

import jax, jax.numpy as jnp
import numpy as np

N = 100000
E = 3200000
D = 16


def setup_inputs(seed: int = 0) -> dict:
    key = jax.random.key(seed)
    k1, k2, k3, k4 = jax.random.split(key, 4)
    x = jax.random.normal(k1, (N, D), dtype=jnp.float32)  # entity_embeddings (xavier-like)
    edge_index = jax.random.randint(k2, (2, E), 0, N, dtype=jnp.int32)
    scale = 1.0 / np.sqrt(D)
    W1 = jax.random.normal(k3, (D, D), dtype=jnp.float32) * scale
    b1 = jnp.zeros((D,), dtype=jnp.float32)
    W2 = jax.random.normal(k4, (D, D), dtype=jnp.float32) * scale
    b2 = jnp.zeros((D,), dtype=jnp.float32)
    return {"x": x, "edge_index": edge_index, "W1": W1, "b1": b1, "W2": W2, "b2": b2}


def reference(x, edge_index, W1, b1, W2, b2):
    # Vanilla GCNConv path: add_self_loops=False, normalize=False ->
    # out_i = sum_{j in N(i)} (x_j @ W) + b, for each of num_layers=2 layers.
    # ReLU between layers (relu_between_gcn_layers=True); dropout is identity in eval mode.
    src = edge_index[0]
    dst = edge_index[1]

    # layer 1
    h = x @ W1
    msg = jnp.take(h, src, axis=0)
    agg = jnp.zeros_like(h).at[dst].add(msg)
    h1 = agg + b1
    h1 = jax.nn.relu(h1)

    # layer 2 (no relu after final layer)
    h = h1 @ W2
    msg = jnp.take(h, src, axis=0)
    agg = jnp.zeros_like(h).at[dst].add(msg)
    out = agg + b2
    return out

if __name__ == "__main__":
    import jax
    _d = setup_inputs()
    print(jax.jit(kernel)(*tuple(_d.values())))

</pallas_src>

<mosaic_0001>
#map = affine_map<(d0, d1) -> (0, 0)>
#map1 = affine_map<(d0, d1) -> (0, 0, 0)>
module attributes {stable_mosaic.version = 14 : i64} {
  func.func @scatter_kernel(%arg0: i32, %arg1: i32, %arg2: memref<100000x16xf32, #tpu.memory_space<hbm>>, %arg3: memref<2x3200000xi32, #tpu.memory_space<hbm>>, %arg4: memref<6256x16xf32, #tpu.memory_space<hbm>>, %arg5: memref<2x100096x16xf32, #tpu.memory_space<hbm>>, %arg6: memref<2x640xi32, #tpu.memory_space<vmem>>, %arg7: memref<2x640xi32, #tpu.memory_space<vmem>>, %arg8: memref<2x640x16xf32, #tpu.memory_space<vmem>>, %arg9: memref<100096x16xf32, #tpu.memory_space<vmem_shared>>, %arg10: memref<!tpu.dma_semaphore, #tpu.memory_space<semaphore_mem>>, %arg11: memref<!tpu.dma_semaphore, #tpu.memory_space<semaphore_mem>>, %arg12: memref<!tpu.dma_semaphore, #tpu.memory_space<semaphore_mem>>, %arg13: memref<!tpu.dma_semaphore, #tpu.memory_space<semaphore_mem>>, %arg14: memref<!tpu.dma_semaphore, #tpu.memory_space<semaphore_mem>>) attributes {dimension_semantics = [#tpu.dimension_semantics<core_parallel>, #tpu.dimension_semantics<subcore_parallel>], iteration_bounds = array<i64: 2, 16>, scalar_prefetch = 0 : i64, scratch_operands = 9 : i64, tpu.core_type = #tpu.core_type<sc_vector_subcore>, window_params = [{transform_indices = #map}, {transform_indices = #map}, {transform_indices = #map}, {transform_indices = #map1}]} {
    %mul3A = arith.constant 16 : i32
    %mul3A_0 = arith.muli %arg0, %mul3A : i32
    %add3A = arith.addi %mul3A_0, %arg1 : i32
    %mul3A_1 = arith.constant 6256 : i32
    %mul3A_2 = arith.muli %arg1, %mul3A_1 : i32
    "tpu.region"() ({
      %run_scoped3A = tpu.sem_alloc : memref<!tpu.dma_semaphore, #tpu.memory_space<semaphore_mem>>
      %dma_start3A_85 = arith.constant 0 : i32
      %dma_start3A_86 = tpu.memref_slice %arg9[%mul3A_2, %dma_start3A_85] : memref<100096x16xf32, #tpu.memory_space<vmem_shared>> -> memref<6256x16xf32, #tpu.memory_space<vmem_shared>>
      tpu.enqueue_dma source(%arg4 : memref<6256x16xf32, #tpu.memory_space<hbm>>) target(%dma_start3A_86 : memref<6256x16xf32, #tpu.memory_space<vmem_shared>>) target_semaphore(%run_scoped3A : memref<!tpu.dma_semaphore, #tpu.memory_space<semaphore_mem>>)
      %dma_wait3A_87 = arith.constant 0 : i32
      %dma_wait3A_88 = tpu.memref_slice %arg9[%mul3A_2, %dma_wait3A_87] : memref<100096x16xf32, #tpu.memory_space<vmem_shared>> -> memref<6256x16xf32, #tpu.memory_space<vmem_shared>>
      tpu.wait_dma2 semaphore(%run_scoped3A : memref<!tpu.dma_semaphore, #tpu.memory_space<semaphore_mem>>) src(%arg4 : memref<6256x16xf32, #tpu.memory_space<hbm>>) dst(%dma_wait3A_88 : memref<6256x16xf32, #tpu.memory_space<vmem_shared>>)
      tpu.yield
    }) : () -> ()
    %barrier3A = arith.constant 0 : index
    tpu.barrier barrier_id(%barrier3A)
    %mul3A_3 = arith.constant 156 : i32
    %mul3A_4 = arith.muli %add3A, %mul3A_3 : i32
    %mul3A_5 = arith.constant 640 : i32
    %mul3A_6 = arith.muli %mul3A_4, %mul3A_5 : i32
    %dma_start3A = arith.constant 0 : i32
    %dma_start3A_7 = arith.constant 0 : i32
    %dma_start3A_8 = arith.constant 0 : i32
    %dma_start3A_9 = tpu.memref_slice %arg6[%dma_start3A_7, %dma_start3A_8] : memref<2x640xi32, #tpu.memory_space<vmem>> -> memref<1x640xi32, #tpu.memory_space<vmem>>
    %dma_start3A_10 = tpu.memref_squeeze %dma_start3A_9 : memref<1x640xi32, #tpu.memory_space<vmem>> -> memref<640xi32, #tpu.memory_space<vmem>>
    %dma_start3A_11 = tpu.memref_slice %arg3[%dma_start3A, %mul3A_6] : memref<2x3200000xi32, #tpu.memory_space<hbm>> -> memref<1x640xi32, #tpu.memory_space<hbm>>
    %dma_start3A_12 = tpu.memref_squeeze %dma_start3A_11 : memref<1x640xi32, #tpu.memory_space<hbm>> -> memref<640xi32, #tpu.memory_space<hbm>>
    %dma_start3A_13 = arith.constant 0 : i32
    %dma_start3A_14 = tpu.memref_slice %arg6[%dma_start3A_7, %dma_start3A_13] : memref<2x640xi32, #tpu.memory_space<vmem>> -> memref<1x640xi32, #tpu.memory_space<vmem>>
    %dma_start3A_15 = tpu.memref_squeeze %dma_start3A_14 : memref<1x640xi32, #tpu.memory_space<vmem>> -> memref<640xi32, #tpu.memory_space<vmem>>
    %dma_start3A_16 = tpu.memref_slice %arg3[%dma_start3A, %mul3A_6] : memref<2x3200000xi32, #tpu.memory_space<hbm>> -> memref<1x640xi32, #tpu.memory_space<hbm>>
    %dma_start3A_17 = tpu.memref_squeeze %dma_start3A_16 : memref<1x640xi32, #tpu.memory_space<hbm>> -> memref<640xi32, #tpu.memory_space<hbm>>
    tpu.enqueue_dma source(%dma_start3A_17 : memref<640xi32, #tpu.memory_space<hbm>>) target(%dma_start3A_15 : memref<640xi32, #tpu.memory_space<vmem>>) target_semaphore(%arg10 : memref<!tpu.dma_semaphore, #tpu.memory_space<semaphore_mem>>)
    %dma_start3A_18 = arith.constant 1 : i32
    %dma_start3A_19 = arith.constant 0 : i32
    %dma_start3A_20 = arith.constant 0 : i32
    %dma_start3A_21 = tpu.memref_slice %arg7[%dma_start3A_19, %dma_start3A_20] : memref<2x640xi32, #tpu.memory_space<vmem>> -> memref<1x640xi32, #tpu.memory_space<vmem>>
    %dma_start3A_22 = tpu.memref_squeeze %dma_start3A_21 : memref<1x640xi32, #tpu.memory_space<vmem>> -> memref<640xi32, #tpu.memory_space<vmem>>
    %dma_start3A_23 = tpu.memref_slice %arg3[%dma_start3A_18, %mul3A_6] : memref<2x3200000xi32, #tpu.memory_space<hbm>> -> memref<1x640xi32, #tpu.memory_space<hbm>>
    %dma_start3A_24 = tpu.memref_squeeze %dma_start3A_23 : memref<1x640xi32, #tpu.memory_space<hbm>> -> memref<640xi32, #tpu.memory_space<hbm>>
    %dma_start3A_25 = arith.constant 0 : i32
    %dma_start3A_26 = tpu.memref_slice %arg7[%dma_start3A_19, %dma_start3A_25] : memref<2x640xi32, #tpu.memory_space<vmem>> -> memref<1x640xi32, #tpu.memory_space<vmem>>
    %dma_start3A_27 = tpu.memref_squeeze %dma_start3A_26 : memref<1x640xi32, #tpu.memory_space<vmem>> -> memref<640xi32, #tpu.memory_space<vmem>>
    %dma_start3A_28 = tpu.memref_slice %arg3[%dma_start3A_18, %mul3A_6] : memref<2x3200000xi32, #tpu.memory_space<hbm>> -> memref<1x640xi32, #tpu.memory_space<hbm>>
    %dma_start3A_29 = tpu.memref_squeeze %dma_start3A_28 : memref<1x640xi32, #tpu.memory_space<hbm>> -> memref<640xi32, #tpu.memory_space<hbm>>
    tpu.enqueue_dma source(%dma_start3A_29 : memref<640xi32, #tpu.memory_space<hbm>>) target(%dma_start3A_27 : memref<640xi32, #tpu.memory_space<vmem>>) target_semaphore(%arg10 : memref<!tpu.dma_semaphore, #tpu.memory_space<semaphore_mem>>)
    %dma_wait3A = arith.constant 0 : i32
    %dma_wait3A_30 = arith.constant 0 : i32
    %dma_wait3A_31 = arith.constant 0 : i32
    %dma_wait3A_32 = tpu.memref_slice %arg6[%dma_wait3A_30, %dma_wait3A_31] : memref<2x640xi32, #tpu.memory_space<vmem>> -> memref<1x640xi32, #tpu.memory_space<vmem>>
    %dma_wait3A_33 = tpu.memref_squeeze %dma_wait3A_32 : memref<1x640xi32, #tpu.memory_space<vmem>> -> memref<640xi32, #tpu.memory_space<vmem>>
    %dma_wait3A_34 = tpu.memref_slice %arg3[%dma_wait3A, %mul3A_6] : memref<2x3200000xi32, #tpu.memory_space<hbm>> -> memref<1x640xi32, #tpu.memory_space<hbm>>
    %dma_wait3A_35 = tpu.memref_squeeze %dma_wait3A_34 : memref<1x640xi32, #tpu.memory_space<hbm>> -> memref<640xi32, #tpu.memory_space<hbm>>
    %dma_wait3A_36 = arith.constant 0 : i32
    %dma_wait3A_37 = tpu.memref_slice %arg6[%dma_wait3A_30, %dma_wait3A_36] : memref<2x640xi32, #tpu.memory_space<vmem>> -> memref<1x640xi32, #tpu.memory_space<vmem>>
    %dma_wait3A_38 = tpu.memref_squeeze %dma_wait3A_37 : memref<1x640xi32, #tpu.memory_space<vmem>> -> memref<640xi32, #tpu.memory_space<vmem>>
    %dma_wait3A_39 = tpu.memref_slice %arg3[%dma_wait3A, %mul3A_6] : memref<2x3200000xi32, #tpu.memory_space<hbm>> -> memref<1x640xi32, #tpu.memory_space<hbm>>
    %dma_wait3A_40 = tpu.memref_squeeze %dma_wait3A_39 : memref<1x640xi32, #tpu.memory_space<hbm>> -> memref<640xi32, #tpu.memory_space<hbm>>
    tpu.wait_dma2 semaphore(%arg10 : memref<!tpu.dma_semaphore, #tpu.memory_space<semaphore_mem>>) src(%dma_wait3A_40 : memref<640xi32, #tpu.memory_space<hbm>>) dst(%dma_wait3A_38 : memref<640xi32, #tpu.memory_space<vmem>>)
    %dma_wait3A_41 = arith.constant 1 : i32
    %dma_wait3A_42 = arith.constant 0 : i32
    %dma_wait3A_43 = arith.constant 0 : i32
    %dma_wait3A_44 = tpu.memref_slice %arg7[%dma_wait3A_42, %dma_wait3A_43] : memref<2x640xi32, #tpu.memory_space<vmem>> -> memref<1x640xi32, #tpu.memory_space<vmem>>
    %dma_wait3A_45 = tpu.memref_squeeze %dma_wait3A_44 : memref<1x640xi32, #tpu.memory_space<vmem>> -> memref<640xi32, #tpu.memory_space<vmem>>
    %dma_wait3A_46 = tpu.memref_slice %arg3[%dma_wait3A_41, %mul3A_6] : memref<2x3200000xi32, #tpu.memory_space<hbm>> -> memref<1x640xi32, #tpu.memory_space<hbm>>
    %dma_wait3A_47 = tpu.memref_squeeze %dma_wait3A_46 : memref<1x640xi32, #tpu.memory_space<hbm>> -> memref<640xi32, #tpu.memory_space<hbm>>
    %dma_wait3A_48 = arith.constant 0 : i32
    %dma_wait3A_49 = tpu.memref_slice %arg7[%dma_wait3A_42, %dma_wait3A_48] : memref<2x640xi32, #tpu.memory_space<vmem>> -> memref<1x640xi32, #tpu.memory_space<vmem>>
    %dma_wait3A_50 = tpu.memref_squeeze %dma_wait3A_49 : memref<1x640xi32, #tpu.memory_space<vmem>> -> memref<640xi32, #tpu.memory_space<vmem>>
    %dma_wait3A_51 = tpu.memref_slice %arg3[%dma_wait3A_41, %mul3A_6] : memref<2x3200000xi32, #tpu.memory_space<hbm>> -> memref<1x640xi32, #tpu.memory_space<hbm>>
    %dma_wait3A_52 = tpu.memref_squeeze %dma_wait3A_51 : memref<1x640xi32, #tpu.memory_space<hbm>> -> memref<640xi32, #tpu.memory_space<hbm>>
    tpu.wait_dma2 semaphore(%arg10 : memref<!tpu.dma_semaphore, #tpu.memory_space<semaphore_mem>>) src(%dma_wait3A_52 : memref<640xi32, #tpu.memory_space<hbm>>) dst(%dma_wait3A_50 : memref<640xi32, #tpu.memory_space<vmem>>)
    %dma_start3A_53 = arith.constant 0 : i32
    %dma_start3A_54 = arith.constant 0 : i32
    %dma_start3A_55 = arith.constant 0 : i32
    %dma_start3A_56 = arith.constant 0 : i32
    %dma_start3A_57 = tpu.memref_slice %arg8[%dma_start3A_54, %dma_start3A_55, %dma_start3A_56] : memref<2x640x16xf32, #tpu.memory_space<vmem>> -> memref<1x640x16xf32, #tpu.memory_space<vmem>>
    %dma_start3A_58 = tpu.memref_squeeze %dma_start3A_57 : memref<1x640x16xf32, #tpu.memory_space<vmem>> -> memref<640x16xf32, #tpu.memory_space<vmem>>
    %dma_start3A_59 = arith.constant 0 : i32
    %dma_start3A_60 = tpu.memref_slice %arg6[%dma_start3A_53, %dma_start3A_59] : memref<2x640xi32, #tpu.memory_space<vmem>> -> memref<1x640xi32, #tpu.memory_space<vmem>>
    %dma_start3A_61 = tpu.memref_squeeze %dma_start3A_60 : memref<1x640xi32, #tpu.memory_space<vmem>> -> memref<640xi32, #tpu.memory_space<vmem>>
    %dma_start3A_62 = arith.constant 0 : i32
    %dma_start3A_63 = arith.constant 0 : i32
    %dma_start3A_64 = tpu.memref_slice %arg2[%dma_start3A_62, %dma_start3A_63] : memref<100000x16xf32, #tpu.memory_space<hbm>> -> memref<100000x16xf32, #tpu.memory_space<hbm>>
    tpu.enqueue_indirect_dma source(%dma_start3A_64 : memref<100000x16xf32, #tpu.memory_space<hbm>>) target(%dma_start3A_58 : memref<640x16xf32, #tpu.memory_space<vmem>>) offsets(%dma_start3A_61 : memref<640xi32, #tpu.memory_space<vmem>>) semaphore(%arg11 : memref<!tpu.dma_semaphore, #tpu.memory_space<semaphore_mem>>)
    %scan3A = arith.constant 0 : i32
    %scan3A_65 = arith.constant 0 : i32
    %scan3A_66 = arith.constant 78 : i32
    %scan3A_67 = arith.addi %scan3A_65, %scan3A_66 : i32
    %scan3A_68 = arith.constant 1 : i32
    scf.for %scan3A_85 = %scan3A_65 to %scan3A_67 step %scan3A_68  : i32 {
      %mul3A_86 = arith.constant 2 : i32
      %mul3A_87 = arith.muli %mul3A_86, %scan3A_85 : i32
      %add3A_88 = arith.addi %mul3A_4, %mul3A_87 : i32
      %dma_wait3A_89 = arith.constant 0 : i32
      %dma_wait3A_90 = arith.constant 0 : i32
      %dma_wait3A_91 = arith.constant 0 : i32
      %dma_wait3A_92 = arith.constant 0 : i32
      %dma_wait3A_93 = tpu.memref_slice %arg8[%dma_wait3A_90, %dma_wait3A_91, %dma_wait3A_92] : memref<2x640x16xf32, #tpu.memory_space<vmem>> -> memref<1x640x16xf32, #tpu.memory_space<vmem>>
      %dma_wait3A_94 = tpu.memref_squeeze %dma_wait3A_93 : memref<1x640x16xf32, #tpu.memory_space<vmem>> -> memref<640x16xf32, #tpu.memory_space<vmem>>
      %dma_wait3A_95 = arith.constant 0 : i32
      %dma_wait3A_96 = tpu.memref_slice %arg6[%dma_wait3A_89, %dma_wait3A_95] : memref<2x640xi32, #tpu.memory_space<vmem>> -> memref<1x640xi32, #tpu.memory_space<vmem>>
      %dma_wait3A_97 = tpu.memref_squeeze %dma_wait3A_96 : memref<1x640xi32, #tpu.memory_space<vmem>> -> memref<640xi32, #tpu.memory_space<vmem>>
      %dma_wait3A_98 = arith.constant 0 : i32
      %dma_wait3A_99 = arith.constant 0 : i32
      %dma_wait3A_100 = tpu.memref_slice %arg2[%dma_wait3A_98, %dma_wait3A_99] : memref<100000x16xf32, #tpu.memory_space<hbm>> -> memref<100000x16xf32, #tpu.memory_space<hbm>>
      tpu.wait_indirect_dma semaphore(%arg11 : memref<!tpu.dma_semaphore, #tpu.memory_space<semaphore_mem>>) src(%dma_wait3A_100 : memref<100000x16xf32, #tpu.memory_space<hbm>>) dst(%dma_wait3A_94 : memref<640x16xf32, #tpu.memory_space<vmem>>)
      %gt3A = arith.constant 0 : i32
      %gt3A_101 = arith.cmpi sgt, %scan3A_85, %gt3A : i32
      %convert_element_type3A_102 = arith.extui %gt3A_101 : i1 to i32
      %cond3A_103 = arith.constant 0 : i32
      %cond3A_104 = arith.cmpi ne, %convert_element_type3A_102, %cond3A_103 : i32
      scf.if %cond3A_104 {
        %dma_wait3A_222 = arith.constant 1 : i32
        %dma_wait3A_223 = arith.constant 1 : i32
        %dma_wait3A_224 = arith.constant 0 : i32
        %dma_wait3A_225 = arith.constant 0 : i32
        %dma_wait3A_226 = tpu.memref_slice %arg8[%dma_wait3A_222, %dma_wait3A_224, %dma_wait3A_225] : memref<2x640x16xf32, #tpu.memory_space<vmem>> -> memref<1x640x16xf32, #tpu.memory_space<vmem>>
        %dma_wait3A_227 = tpu.memref_squeeze %dma_wait3A_226 : memref<1x640x16xf32, #tpu.memory_space<vmem>> -> memref<640x16xf32, #tpu.memory_space<vmem>>
        %dma_wait3A_228 = arith.constant 0 : i32
        %dma_wait3A_229 = tpu.memref_slice %arg7[%dma_wait3A_223, %dma_wait3A_228] : memref<2x640xi32, #tpu.memory_space<vmem>> -> memref<1x640xi32, #tpu.memory_space<vmem>>
        %dma_wait3A_230 = tpu.memref_squeeze %dma_wait3A_229 : memref<1x640xi32, #tpu.memory_space<vmem>> -> memref<640xi32, #tpu.memory_space<vmem>>
        %dma_wait3A_231 = arith.constant 0 : i32
        %dma_wait3A_232 = arith.constant 0 : i32
        %dma_wait3A_233 = tpu.memref_slice %arg9[%dma_wait3A_231, %dma_wait3A_232] : memref<100096x16xf32, #tpu.memory_space<vmem_shared>> -> memref<100096x16xf32, #tpu.memory_space<vmem_shared>>
        tpu.wait_indirect_dma semaphore(%arg14 : memref<!tpu.dma_semaphore, #tpu.memory_space<semaphore_mem>>) src(%dma_wait3A_227 : memref<640x16xf32, #tpu.memory_space<vmem>>) dst(%dma_wait3A_233 : memref<100096x16xf32, #tpu.memory_space<vmem_shared>>)
      } else {
      }
      %add3A_105 = arith.constant 1 : i32
      %add3A_106 = arith.addi %add3A_88, %add3A_105 : i32
      %mul3A_107 = arith.constant 640 : i32
      %mul3A_108 = arith.muli %add3A_106, %mul3A_107 : i32
      %dma_start3A_109 = arith.constant 0 : i32
      %dma_start3A_110 = arith.constant 1 : i32
      %dma_start3A_111 = arith.constant 0 : i32
      %dma_start3A_112 = tpu.memref_slice %arg6[%dma_start3A_110, %dma_start3A_111] : memref<2x640xi32, #tpu.memory_space<vmem>> -> memref<1x640xi32, #tpu.memory_space<vmem>>
      %dma_start3A_113 = tpu.memref_squeeze %dma_start3A_112 : memref<1x640xi32, #tpu.memory_space<vmem>> -> memref<640xi32, #tpu.memory_space<vmem>>
      %dma_start3A_114 = tpu.memref_slice %arg3[%dma_start3A_109, %mul3A_108] : memref<2x3200000xi32, #tpu.memory_space<hbm>> -> memref<1x640xi32, #tpu.memory_space<hbm>>
      %dma_start3A_115 = tpu.memref_squeeze %dma_start3A_114 : memref<1x640xi32, #tpu.memory_space<hbm>> -> memref<640xi32, #tpu.memory_space<hbm>>
      %dma_start3A_116 = arith.constant 0 : i32
      %dma_start3A_117 = tpu.memref_slice %arg6[%dma_start3A_110, %dma_start3A_116] : memref<2x640xi32, #tpu.memory_space<vmem>> -> memref<1x640xi32, #tpu.memory_space<vmem>>
      %dma_start3A_118 = tpu.memref_squeeze %dma_start3A_117 : memref<1x640xi32, #tpu.memory_space<vmem>> -> memref<640xi32, #tpu.memory_space<vmem>>
      %dma_start3A_119 = tpu.memref_slice %arg3[%dma_start3A_109, %mul3A_108] : memref<2x3200000xi32, #tpu.memory_space<hbm>> -> memref<1x640xi32, #tpu.memory_space<hbm>>
      %dma_start3A_120 = tpu.memref_squeeze %dma_start3A_119 : memref<1x640xi32, #tpu.memory_space<hbm>> -> memref<640xi32, #tpu.memory_space<hbm>>
      tpu.enqueue_dma source(%dma_start3A_120 : memref<640xi32, #tpu.memory_space<hbm>>) target(%dma_start3A_118 : memref<640xi32, #tpu.memory_space<vmem>>) target_semaphore(%arg10 : memref<!tpu.dma_semaphore, #tpu.memory_space<semaphore_mem>>)
      %dma_start3A_121 = arith.constant 1 : i32
      %dma_start3A_122 = arith.constant 1 : i32
      %dma_start3A_123 = arith.constant 0 : i32
      %dma_start3A_124 = tpu.memref_slice %arg7[%dma_start3A_122, %dma_start3A_123] : memref<2x640xi32, #tpu.memory_space<vmem>> -> memref<1x640xi32, #tpu.memory_space<vmem>>
      %dma_start3A_125 = tpu.memref_squeeze %dma_start3A_124 : memref<1x640xi32, #tpu.memory_space<vmem>> -> memref<640xi32, #tpu.memory_space<vmem>>
      %dma_start3A_126 = tpu.memref_slice %arg3[%dma_start3A_121, %mul3A_108] : memref<2x3200000xi32, #tpu.memory_space<hbm>> -> memref<1x640xi32, #tpu.memory_space<hbm>>
      %dma_start3A_127 = tpu.memref_squeeze %dma_start3A_126 : memref<1x640xi32, #tpu.memory_space<hbm>> -> memref<640xi32, #tpu.memory_space<hbm>>
      %dma_start3A_128 = arith.constant 0 : i32
      %dma_start3A_129 = tpu.memref_slice %arg7[%dma_start3A_122, %dma_start3A_128] : memref<2x640xi32, #tpu.memory_space<vmem>> -> memref<1x640xi32, #tpu.memory_space<vmem>>
      %dma_start3A_130 = tpu.memref_squeeze %dma_start3A_129 : memref<1x640xi32, #tpu.memory_space<vmem>> -> memref<640xi32, #tpu.memory_space<vmem>>
      %dma_start3A_131 = tpu.memref_slice %arg3[%dma_start3A_121, %mul3A_108] : memref<2x3200000xi32, #tpu.memory_space<hbm>> -> memref<1x640xi32, #tpu.memory_space<hbm>>
      %dma_start3A_132 = tpu.memref_squeeze %dma_start3A_131 : memref<1x640xi32, #tpu.memory_space<hbm>> -> memref<640xi32, #tpu.memory_space<hbm>>
      tpu.enqueue_dma source(%dma_start3A_132 : memref<640xi32, #tpu.memory_space<hbm>>) target(%dma_start3A_130 : memref<640xi32, #tpu.memory_space<vmem>>) target_semaphore(%arg10 : memref<!tpu.dma_semaphore, #tpu.memory_space<semaphore_mem>>)
      %dma_start3A_133 = arith.constant 0 : i32
      %dma_start3A_134 = arith.constant 0 : i32
      %dma_start3A_135 = arith.constant 0 : i32
      %dma_start3A_136 = arith.constant 0 : i32
      %dma_start3A_137 = tpu.memref_slice %arg8[%dma_start3A_133, %dma_start3A_135, %dma_start3A_136] : memref<2x640x16xf32, #tpu.memory_space<vmem>> -> memref<1x640x16xf32, #tpu.memory_space<vmem>>
      %dma_start3A_138 = tpu.memref_squeeze %dma_start3A_137 : memref<1x640x16xf32, #tpu.memory_space<vmem>> -> memref<640x16xf32, #tpu.memory_space<vmem>>
      %dma_start3A_139 = arith.constant 0 : i32
      %dma_start3A_140 = tpu.memref_slice %arg7[%dma_start3A_134, %dma_start3A_139] : memref<2x640xi32, #tpu.memory_space<vmem>> -> memref<1x640xi32, #tpu.memory_space<vmem>>
      %dma_start3A_141 = tpu.memref_squeeze %dma_start3A_140 : memref<1x640xi32, #tpu.memory_space<vmem>> -> memref<640xi32, #tpu.memory_space<vmem>>
      %dma_start3A_142 = arith.constant 0 : i32
      %dma_start3A_143 = arith.constant 0 : i32
      %dma_start3A_144 = tpu.memref_slice %arg9[%dma_start3A_142, %dma_start3A_143] : memref<100096x16xf32, #tpu.memory_space<vmem_shared>> -> memref<100096x16xf32, #tpu.memory_space<vmem_shared>>
      tpu.enqueue_indirect_dma source(%dma_start3A_138 : memref<640x16xf32, #tpu.memory_space<vmem>>) target(%dma_start3A_144 : memref<100096x16xf32, #tpu.memory_space<vmem_shared>>) offsets(%dma_start3A_141 : memref<640xi32, #tpu.memory_space<vmem>>) semaphore(%arg13 : memref<!tpu.dma_semaphore, #tpu.memory_space<semaphore_mem>>) {add = true}
      %dma_wait3A_145 = arith.constant 0 : i32
      %dma_wait3A_146 = arith.constant 1 : i32
      %dma_wait3A_147 = arith.constant 0 : i32
      %dma_wait3A_148 = tpu.memref_slice %arg6[%dma_wait3A_146, %dma_wait3A_147] : memref<2x640xi32, #tpu.memory_space<vmem>> -> memref<1x640xi32, #tpu.memory_space<vmem>>
      %dma_wait3A_149 = tpu.memref_squeeze %dma_wait3A_148 : memref<1x640xi32, #tpu.memory_space<vmem>> -> memref<640xi32, #tpu.memory_space<vmem>>
      %dma_wait3A_150 = tpu.memref_slice %arg3[%dma_wait3A_145, %mul3A_108] : memref<2x3200000xi32, #tpu.memory_space<hbm>> -> memref<1x640xi32, #tpu.memory_space<hbm>>
      %dma_wait3A_151 = tpu.memref_squeeze %dma_wait3A_150 : memref<1x640xi32, #tpu.memory_space<hbm>> -> memref<640xi32, #tpu.memory_space<hbm>>
      %dma_wait3A_152 = arith.constant 0 : i32
      %dma_wait3A_153 = tpu.memref_slice %arg6[%dma_wait3A_146, %dma_wait3A_152] : memref<2x640xi32, #tpu.memory_space<vmem>> -> memref<1x640xi32, #tpu.memory_space<vmem>>
      %dma_wait3A_154 = tpu.memref_squeeze %dma_wait3A_153 : memref<1x640xi32, #tpu.memory_space<vmem>> -> memref<640xi32, #tpu.memory_space<vmem>>
      %dma_wait3A_155 = tpu.memref_slice %arg3[%dma_wait3A_145, %mul3A_108] : memref<2x3200000xi32, #tpu.memory_space<hbm>> -> memref<1x640xi32, #tpu.memory_space<hbm>>
      %dma_wait3A_156 = tpu.memref_squeeze %dma_wait3A_155 : memref<1x640xi32, #tpu.memory_space<hbm>> -> memref<640xi32, #tpu.memory_space<hbm>>
      tpu.wait_dma2 semaphore(%arg10 : memref<!tpu.dma_semaphore, #tpu.memory_space<semaphore_mem>>) src(%dma_wait3A_156 : memref<640xi32, #tpu.memory_space<hbm>>) dst(%dma_wait3A_154 : memref<640xi32, #tpu.memory_space<vmem>>)
      %dma_wait3A_157 = arith.constant 1 : i32
      %dma_wait3A_158 = arith.constant 1 : i32
      %dma_wait3A_159 = arith.constant 0 : i32
      %dma_wait3A_160 = tpu.memref_slice %arg7[%dma_wait3A_158, %dma_wait3A_159] : memref<2x640xi32, #tpu.memory_space<vmem>> -> memref<1x640xi32, #tpu.memory_space<vmem>>
      %dma_wait3A_161 = tpu.memref_squeeze %dma_wait3A_160 : memref<1x640xi32, #tpu.memory_space<vmem>> -> memref<640xi32, #tpu.memory_space<vmem>>
      %dma_wait3A_162 = tpu.memref_slice %arg3[%dma_wait3A_157, %mul3A_108] : memref<2x3200000xi32, #tpu.memory_space<hbm>> -> memref<1x640xi32, #tpu.memory_space<hbm>>
      %dma_wait3A_163 = tpu.memref_squeeze %dma_wait3A_162 : memref<1x640xi32, #tpu.memory_space<hbm>> -> memref<640xi32, #tpu.memory_space<hbm>>
      %dma_wait3A_164 = arith.constant 0 : i32
      %dma_wait3A_165 = tpu.memref_slice %arg7[%dma_wait3A_158, %dma_wait3A_164] : memref<2x640xi32, #tpu.memory_space<vmem>> -> memref<1x640xi32, #tpu.memory_space<vmem>>
      %dma_wait3A_166 = tpu.memref_squeeze %dma_wait3A_165 : memref<1x640xi32, #tpu.memory_space<vmem>> -> memref<640xi32, #tpu.memory_space<vmem>>
      %dma_wait3A_167 = tpu.memref_slice %arg3[%dma_wait3A_157, %mul3A_108] : memref<2x3200000xi32, #tpu.memory_space<hbm>> -> memref<1x640xi32, #tpu.memory_space<hbm>>
      %dma_wait3A_168 = tpu.memref_squeeze %dma_wait3A_167 : memref<1x640xi32, #tpu.memory_space<hbm>> -> memref<640xi32, #tpu.memory_space<hbm>>
      tpu.wait_dma2 semaphore(%arg10 : memref<!tpu.dma_semaphore, #tpu.memory_space<semaphore_mem>>) src(%dma_wait3A_168 : memref<640xi32, #tpu.memory_space<hbm>>) dst(%dma_wait3A_166 : memref<640xi32, #tpu.memory_space<vmem>>)
      %dma_start3A_169 = arith.constant 1 : i32
      %dma_start3A_170 = arith.constant 1 : i32
      %dma_start3A_171 = arith.constant 0 : i32
      %dma_start3A_172 = arith.constant 0 : i32
      %dma_start3A_173 = tpu.memref_slice %arg8[%dma_start3A_170, %dma_start3A_171, %dma_start3A_172] : memref<2x640x16xf32, #tpu.memory_space<vmem>> -> memref<1x640x16xf32, #tpu.memory_space<vmem>>
      %dma_start3A_174 = tpu.memref_squeeze %dma_start3A_173 : memref<1x640x16xf32, #tpu.memory_space<vmem>> -> memref<640x16xf32, #tpu.memory_space<vmem>>
      %dma_start3A_175 = arith.constant 0 : i32
      %dma_start3A_176 = tpu.memref_slice %arg6[%dma_start3A_169, %dma_start3A_175] : memref<2x640xi32, #tpu.memory_space<vmem>> -> memref<1x640xi32, #tpu.memory_space<vmem>>
      %dma_start3A_177 = tpu.memref_squeeze %dma_start3A_176 : memref<1x640xi32, #tpu.memory_space<vmem>> -> memref<640xi32, #tpu.memory_space<vmem>>
      %dma_start3A_178 = arith.constant 0 : i32
      %dma_start3A_179 = arith.constant 0 : i32
      %dma_start3A_180 = tpu.memref_slice %arg2[%dma_start3A_178, %dma_start3A_179] : memref<100000x16xf32, #tpu.memory_space<hbm>> -> memref<100000x16xf32, #tpu.memory_space<hbm>>
      tpu.enqueue_indirect_dma source(%dma_start3A_180 : memref<100000x16xf32, #tpu.memory_space<hbm>>) target(%dma_start3A_174 : memref<640x16xf32, #tpu.memory_space<vmem>>) offsets(%dma_start3A_177 : memref<640xi32, #tpu.memory_space<vmem>>) semaphore(%arg12 : memref<!tpu.dma_semaphore, #tpu.memory_space<semaphore_mem>>)
      %dma_wait3A_181 = arith.constant 1 : i32
      %dma_wait3A_182 = arith.constant 1 : i32
      %dma_wait3A_183 = arith.constant 0 : i32
      %dma_wait3A_184 = arith.constant 0 : i32
      %dma_wait3A_185 = tpu.memref_slice %arg8[%dma_wait3A_182, %dma_wait3A_183, %dma_wait3A_184] : memref<2x640x16xf32, #tpu.memory_space<vmem>> -> memref<1x640x16xf32, #tpu.memory_space<vmem>>
      %dma_wait3A_186 = tpu.memref_squeeze %dma_wait3A_185 : memref<1x640x16xf32, #tpu.memory_space<vmem>> -> memref<640x16xf32, #tpu.memory_space<vmem>>
      %dma_wait3A_187 = arith.constant 0 : i32
      %dma_wait3A_188 = tpu.memref_slice %arg6[%dma_wait3A_181, %dma_wait3A_187] : memref<2x640xi32, #tpu.memory_space<vmem>> -> memref<1x640xi32, #tpu.memory_space<vmem>>
      %dma_wait3A_189 = tpu.memref_squeeze %dma_wait3A_188 : memref<1x640xi32, #tpu.memory_space<vmem>> -> memref<640xi32, #tpu.memory_space<vmem>>
      %dma_wait3A_190 = arith.constant 0 : i32
      %dma_wait3A_191 = arith.constant 0 : i32
      %dma_wait3A_192 = tpu.memref_slice %arg2[%dma_wait3A_190, %dma_wait3A_191] : memref<100000x16xf32, #tpu.memory_space<hbm>> -> memref<100000x16xf32, #tpu.memory_space<hbm>>
      tpu.wait_indirect_dma semaphore(%arg12 : memref<!tpu.dma_semaphore, #tpu.memory_space<semaphore_mem>>) src(%dma_wait3A_192 : memref<100000x16xf32, #tpu.memory_space<hbm>>) dst(%dma_wait3A_186 : memref<640x16xf32, #tpu.memory_space<vmem>>)
      %dma_wait3A_193 = arith.constant 0 : i32
      %dma_wait3A_194 = arith.constant 0 : i32
      %dma_wait3A_195 = arith.constant 0 : i32
      %dma_wait3A_196 = arith.constant 0 : i32
      %dma_wait3A_197 = tpu.memref_slice %arg8[%dma_wait3A_193, %dma_wait3A_195, %dma_wait3A_196] : memref<2x640x16xf32, #tpu.memory_space<vmem>> -> memref<1x640x16xf32, #tpu.memory_space<vmem>>
      %dma_wait3A_198 = tpu.memref_squeeze %dma_wait3A_197 : memref<1x640x16xf32, #tpu.memory_space<vmem>> -> memref<640x16xf32, #tpu.memory_space<vmem>>
      %dma_wait3A_199 = arith.constant 0 : i32
      %dma_wait3A_200 = tpu.memref_slice %arg7[%dma_wait3A_194, %dma_wait3A_199] : memref<2x640xi32, #tpu.memory_space<vmem>> -> memref<1x640xi32, #tpu.memory_space<vmem>>
      %dma_wait3A_201 = tpu.memref_squeeze %dma_wait3A_200 : memref<1x640xi32, #tpu.memory_space<vmem>> -> memref<640xi32, #tpu.memory_space<vmem>>
      %dma_wait3A_202 = arith.constant 0 : i32
      %dma_wait3A_203 = arith.constant 0 : i32
      %dma_wait3A_204 = tpu.memref_slice %arg9[%dma_wait3A_202, %dma_wait3A_203] : memref<100096x16xf32, #tpu.memory_space<vmem_shared>> -> memref<100096x16xf32, #tpu.memory_space<vmem_shared>>
      tpu.wait_indirect_dma semaphore(%arg13 : memref<!tpu.dma_semaphore, #tpu.memory_space<semaphore_mem>>) src(%dma_wait3A_198 : memref<640x16xf32, #tpu.memory_space<vmem>>) dst(%dma_wait3A_204 : memref<100096x16xf32, #tpu.memory_space<vmem_shared>>)
      %dma_start3A_205 = arith.constant 1 : i32
      %dma_start3A_206 = arith.constant 1 : i32
      %dma_start3A_207 = arith.constant 0 : i32
      %dma_start3A_208 = arith.constant 0 : i32
      %dma_start3A_209 = tpu.memref_slice %arg8[%dma_start3A_205, %dma_start3A_207, %dma_start3A_208] : memref<2x640x16xf32, #tpu.memory_space<vmem>> -> memref<1x640x16xf32, #tpu.memory_space<vmem>>
      %dma_start3A_210 = tpu.memref_squeeze %dma_start3A_209 : memref<1x640x16xf32, #tpu.memory_space<vmem>> -> memref<640x16xf32, #tpu.memory_space<vmem>>
      %dma_start3A_211 = arith.constant 0 : i32
      %dma_start3A_212 = tpu.memref_slice %arg7[%dma_start3A_206, %dma_start3A_211] : memref<2x640xi32, #tpu.memory_space<vmem>> -> memref<1x640xi32, #tpu.memory_space<vmem>>
      %dma_start3A_213 = tpu.memref_squeeze %dma_start3A_212 : memref<1x640xi32, #tpu.memory_space<vmem>> -> memref<640xi32, #tpu.memory_space<vmem>>
      %dma_start3A_214 = arith.constant 0 : i32
      %dma_start3A_215 = arith.constant 0 : i32
      %dma_start3A_216 = tpu.memref_slice %arg9[%dma_start3A_214, %dma_start3A_215] : memref<100096x16xf32, #tpu.memory_space<vmem_shared>> -> memref<100096x16xf32, #tpu.memory_space<vmem_shared>>
      tpu.enqueue_indirect_dma source(%dma_start3A_210 : memref<640x16xf32, #tpu.memory_space<vmem>>) target(%dma_start3A_216 : memref<100096x16xf32, #tpu.memory_space<vmem_shared>>) offsets(%dma_start3A_213 : memref<640xi32, #tpu.memory_space<vmem>>) semaphore(%arg14 : memref<!tpu.dma_semaphore, #tpu.memory_space<semaphore_mem>>) {add = true}
      %lt3A_217 = arith.constant 77 : i32
      %lt3A_218 = arith.cmpi slt, %scan3A_85, %lt3A_217 : i32
      %convert_element_type3A_219 = arith.extui %lt3A_218 : i1 to i32
      %cond3A_220 = arith.constant 0 : i32
      %cond3A_221 = arith.cmpi ne, %convert_element_type3A_219, %cond3A_220 : i32
      scf.if %cond3A_221 {
        %add3A_222 = arith.constant 2 : i32
        %add3A_223 = arith.addi %add3A_88, %add3A_222 : i32
        %mul3A_224 = arith.constant 640 : i32
        %mul3A_225 = arith.muli %add3A_223, %mul3A_224 : i32
        %dma_start3A_226 = arith.constant 0 : i32
        %dma_start3A_227 = arith.constant 0 : i32
        %dma_start3A_228 = arith.constant 0 : i32
        %dma_start3A_229 = tpu.memref_slice %arg6[%dma_start3A_227, %dma_start3A_228] : memref<2x640xi32, #tpu.memory_space<vmem>> -> memref<1x640xi32, #tpu.memory_space<vmem>>
        %dma_start3A_230 = tpu.memref_squeeze %dma_start3A_229 : memref<1x640xi32, #tpu.memory_space<vmem>> -> memref<640xi32, #tpu.memory_space<vmem>>
        %dma_start3A_231 = tpu.memref_slice %arg3[%dma_start3A_226, %mul3A_225] : memref<2x3200000xi32, #tpu.memory_space<hbm>> -> memref<1x640xi32, #tpu.memory_space<hbm>>
        %dma_start3A_232 = tpu.memref_squeeze %dma_start3A_231 : memref<1x640xi32, #tpu.memory_space<hbm>> -> memref<640xi32, #tpu.memory_space<hbm>>
        %dma_start3A_233 = arith.constant 0 : i32
        %dma_start3A_234 = tpu.memref_slice %arg6[%dma_start3A_227, %dma_start3A_233] : memref<2x640xi32, #tpu.memory_space<vmem>> -> memref<1x640xi32, #tpu.memory_space<vmem>>
        %dma_start3A_235 = tpu.memref_squeeze %dma_start3A_234 : memref<1x640xi32, #tpu.memory_space<vmem>> -> memref<640xi32, #tpu.memory_space<vmem>>
        %dma_start3A_236 = tpu.memref_slice %arg3[%dma_start3A_226, %mul3A_225] : memref<2x3200000xi32, #tpu.memory_space<hbm>> -> memref<1x640xi32, #tpu.memory_space<hbm>>
        %dma_start3A_237 = tpu.memref_squeeze %dma_start3A_236 : memref<1x640xi32, #tpu.memory_space<hbm>> -> memref<640xi32, #tpu.memory_space<hbm>>
        tpu.enqueue_dma source(%dma_start3A_237 : memref<640xi32, #tpu.memory_space<hbm>>) target(%dma_start3A_235 : memref<640xi32, #tpu.memory_space<vmem>>) target_semaphore(%arg10 : memref<!tpu.dma_semaphore, #tpu.memory_space<semaphore_mem>>)
        %dma_start3A_238 = arith.constant 1 : i32
        %dma_start3A_239 = arith.constant 0 : i32
        %dma_start3A_240 = arith.constant 0 : i32
        %dma_start3A_241 = tpu.memref_slice %arg7[%dma_start3A_239, %dma_start3A_240] : memref<2x640xi32, #tpu.memory_space<vmem>> -> memref<1x640xi32, #tpu.memory_space<vmem>>
        %dma_start3A_242 = tpu.memref_squeeze %dma_start3A_241 : memref<1x640xi32, #tpu.memory_space<vmem>> -> memref<640xi32, #tpu.memory_space<vmem>>
        %dma_start3A_243 = tpu.memref_slice %arg3[%dma_start3A_238, %mul3A_225] : memref<2x3200000xi32, #tpu.memory_space<hbm>> -> memref<1x640xi32, #tpu.memory_space<hbm>>
        %dma_start3A_244 = tpu.memref_squeeze %dma_start3A_243 : memref<1x640xi32, #tpu.memory_space<hbm>> -> memref<640xi32, #tpu.memory_space<hbm>>
        %dma_start3A_245 = arith.constant 0 : i32
        %dma_start3A_246 = tpu.memref_slice %arg7[%dma_start3A_239, %dma_start3A_245] : memref<2x640xi32, #tpu.memory_space<vmem>> -> memref<1x640xi32, #tpu.memory_space<vmem>>
        %dma_start3A_247 = tpu.memref_squeeze %dma_start3A_246 : memref<1x640xi32, #tpu.memory_space<vmem>> -> memref<640xi32, #tpu.memory_space<vmem>>
        %dma_start3A_248 = tpu.memref_slice %arg3[%dma_start3A_238, %mul3A_225] : memref<2x3200000xi32, #tpu.memory_space<hbm>> -> memref<1x640xi32, #tpu.memory_space<hbm>>
        %dma_start3A_249 = tpu.memref_squeeze %dma_start3A_248 : memref<1x640xi32, #tpu.memory_space<hbm>> -> memref<640xi32, #tpu.memory_space<hbm>>
        tpu.enqueue_dma source(%dma_start3A_249 : memref<640xi32, #tpu.memory_space<hbm>>) target(%dma_start3A_247 : memref<640xi32, #tpu.memory_space<vmem>>) target_semaphore(%arg10 : memref<!tpu.dma_semaphore, #tpu.memory_space<semaphore_mem>>)
        %dma_wait3A_250 = arith.constant 0 : i32
        %dma_wait3A_251 = arith.constant 0 : i32
        %dma_wait3A_252 = arith.constant 0 : i32
        %dma_wait3A_253 = tpu.memref_slice %arg6[%dma_wait3A_251, %dma_wait3A_252] : memref<2x640xi32, #tpu.memory_space<vmem>> -> memref<1x640xi32, #tpu.memory_space<vmem>>
        %dma_wait3A_254 = tpu.memref_squeeze %dma_wait3A_253 : memref<1x640xi32, #tpu.memory_space<vmem>> -> memref<640xi32, #tpu.memory_space<vmem>>
        %dma_wait3A_255 = tpu.memref_slice %arg3[%dma_wait3A_250, %mul3A_225] : memref<2x3200000xi32, #tpu.memory_space<hbm>> -> memref<1x640xi32, #tpu.memory_space<hbm>>
        %dma_wait3A_256 = tpu.memref_squeeze %dma_wait3A_255 : memref<1x640xi32, #tpu.memory_space<hbm>> -> memref<640xi32, #tpu.memory_space<hbm>>
        %dma_wait3A_257 = arith.constant 0 : i32
        %dma_wait3A_258 = tpu.memref_slice %arg6[%dma_wait3A_251, %dma_wait3A_257] : memref<2x640xi32, #tpu.memory_space<vmem>> -> memref<1x640xi32, #tpu.memory_space<vmem>>
        %dma_wait3A_259 = tpu.memref_squeeze %dma_wait3A_258 : memref<1x640xi32, #tpu.memory_space<vmem>> -> memref<640xi32, #tpu.memory_space<vmem>>
        %dma_wait3A_260 = tpu.memref_slice %arg3[%dma_wait3A_250, %mul3A_225] : memref<2x3200000xi32, #tpu.memory_space<hbm>> -> memref<1x640xi32, #tpu.memory_space<hbm>>
        %dma_wait3A_261 = tpu.memref_squeeze %dma_wait3A_260 : memref<1x640xi32, #tpu.memory_space<hbm>> -> memref<640xi32, #tpu.memory_space<hbm>>
        tpu.wait_dma2 semaphore(%arg10 : memref<!tpu.dma_semaphore, #tpu.memory_space<semaphore_mem>>) src(%dma_wait3A_261 : memref<640xi32, #tpu.memory_space<hbm>>) dst(%dma_wait3A_259 : memref<640xi32, #tpu.memory_space<vmem>>)
        %dma_wait3A_262 = arith.constant 1 : i32
        %dma_wait3A_263 = arith.constant 0 : i32
        %dma_wait3A_264 = arith.constant 0 : i32
        %dma_wait3A_265 = tpu.memref_slice %arg7[%dma_wait3A_263, %dma_wait3A_264] : memref<2x640xi32, #tpu.memory_space<vmem>> -> memref<1x640xi32, #tpu.memory_space<vmem>>
        %dma_wait3A_266 = tpu.memref_squeeze %dma_wait3A_265 : memref<1x640xi32, #tpu.memory_space<vmem>> -> memref<640xi32, #tpu.memory_space<vmem>>
        %dma_wait3A_267 = tpu.memref_slice %arg3[%dma_wait3A_262, %mul3A_225] : memref<2x3200000xi32, #tpu.memory_space<hbm>> -> memref<1x640xi32, #tpu.memory_space<hbm>>
        %dma_wait3A_268 = tpu.memref_squeeze %dma_wait3A_267 : memref<1x640xi32, #tpu.memory_space<hbm>> -> memref<640xi32, #tpu.memory_space<hbm>>
        %dma_wait3A_269 = arith.constant 0 : i32
        %dma_wait3A_270 = tpu.memref_slice %arg7[%dma_wait3A_263, %dma_wait3A_269] : memref<2x640xi32, #tpu.memory_space<vmem>> -> memref<1x640xi32, #tpu.memory_space<vmem>>
        %dma_wait3A_271 = tpu.memref_squeeze %dma_wait3A_270 : memref<1x640xi32, #tpu.memory_space<vmem>> -> memref<640xi32, #tpu.memory_space<vmem>>
        %dma_wait3A_272 = tpu.memref_slice %arg3[%dma_wait3A_262, %mul3A_225] : memref<2x3200000xi32, #tpu.memory_space<hbm>> -> memref<1x640xi32, #tpu.memory_space<hbm>>
        %dma_wait3A_273 = tpu.memref_squeeze %dma_wait3A_272 : memref<1x640xi32, #tpu.memory_space<hbm>> -> memref<640xi32, #tpu.memory_space<hbm>>
        tpu.wait_dma2 semaphore(%arg10 : memref<!tpu.dma_semaphore, #tpu.memory_space<semaphore_mem>>) src(%dma_wait3A_273 : memref<640xi32, #tpu.memory_space<hbm>>) dst(%dma_wait3A_271 : memref<640xi32, #tpu.memory_space<vmem>>)
        %dma_start3A_274 = arith.constant 0 : i32
        %dma_start3A_275 = arith.constant 0 : i32
        %dma_start3A_276 = arith.constant 0 : i32
        %dma_start3A_277 = arith.constant 0 : i32
        %dma_start3A_278 = tpu.memref_slice %arg8[%dma_start3A_275, %dma_start3A_276, %dma_start3A_277] : memref<2x640x16xf32, #tpu.memory_space<vmem>> -> memref<1x640x16xf32, #tpu.memory_space<vmem>>
        %dma_start3A_279 = tpu.memref_squeeze %dma_start3A_278 : memref<1x640x16xf32, #tpu.memory_space<vmem>> -> memref<640x16xf32, #tpu.memory_space<vmem>>
        %dma_start3A_280 = arith.constant 0 : i32
        %dma_start3A_281 = tpu.memref_slice %arg6[%dma_start3A_274, %dma_start3A_280] : memref<2x640xi32, #tpu.memory_space<vmem>> -> memref<1x640xi32, #tpu.memory_space<vmem>>
        %dma_start3A_282 = tpu.memref_squeeze %dma_start3A_281 : memref<1x640xi32, #tpu.memory_space<vmem>> -> memref<640xi32, #tpu.memory_space<vmem>>
        %dma_start3A_283 = arith.constant 0 : i32
        %dma_start3A_284 = arith.constant 0 : i32
        %dma_start3A_285 = tpu.memref_slice %arg2[%dma_start3A_283, %dma_start3A_284] : memref<100000x16xf32, #tpu.memory_space<hbm>> -> memref<100000x16xf32, #tpu.memory_space<hbm>>
        tpu.enqueue_indirect_dma source(%dma_start3A_285 : memref<100000x16xf32, #tpu.memory_space<hbm>>) target(%dma_start3A_279 : memref<640x16xf32, #tpu.memory_space<vmem>>) offsets(%dma_start3A_282 : memref<640xi32, #tpu.memory_space<vmem>>) semaphore(%arg11 : memref<!tpu.dma_semaphore, #tpu.memory_space<semaphore_mem>>)
      } else {
      }
    }
    %scan3A_69 = arith.constant 78 : i32
    %dma_wait3A_70 = arith.constant 1 : i32
    %dma_wait3A_71 = arith.constant 1 : i32
    %dma_wait3A_72 = arith.constant 0 : i32
    %dma_wait3A_73 = arith.constant 0 : i32
    %dma_wait3A_74 = tpu.memref_slice %arg8[%dma_wait3A_70, %dma_wait3A_72, %dma_wait3A_73] : memref<2x640x16xf32, #tpu.memory_space<vmem>> -> memref<1x640x16xf32, #tpu.memory_space<vmem>>
    %dma_wait3A_75 = tpu.memref_squeeze %dma_wait3A_74 : memref<1x640x16xf32, #tpu.memory_space<vmem>> -> memref<640x16xf32, #tpu.memory_space<vmem>>
    %dma_wait3A_76 = arith.constant 0 : i32
    %dma_wait3A_77 = tpu.memref_slice %arg7[%dma_wait3A_71, %dma_wait3A_76] : memref<2x640xi32, #tpu.memory_space<vmem>> -> memref<1x640xi32, #tpu.memory_space<vmem>>
    %dma_wait3A_78 = tpu.memref_squeeze %dma_wait3A_77 : memref<1x640xi32, #tpu.memory_space<vmem>> -> memref<640xi32, #tpu.memory_space<vmem>>
    %dma_wait3A_79 = arith.constant 0 : i32
    %dma_wait3A_80 = arith.constant 0 : i32
    %dma_wait3A_81 = tpu.memref_slice %arg9[%dma_wait3A_79, %dma_wait3A_80] : memref<100096x16xf32, #tpu.memory_space<vmem_shared>> -> memref<100096x16xf32, #tpu.memory_space<vmem_shared>>
    tpu.wait_indirect_dma semaphore(%arg14 : memref<!tpu.dma_semaphore, #tpu.memory_space<semaphore_mem>>) src(%dma_wait3A_75 : memref<640x16xf32, #tpu.memory_space<vmem>>) dst(%dma_wait3A_81 : memref<100096x16xf32, #tpu.memory_space<vmem_shared>>)
    %lt3A = arith.constant 8 : i32
    %lt3A_82 = arith.cmpi slt, %add3A, %lt3A : i32
    %convert_element_type3A = arith.extui %lt3A_82 : i1 to i32
    %cond3A = arith.constant 0 : i32
    %cond3A_83 = arith.cmpi ne, %convert_element_type3A, %cond3A : i32
    scf.if %cond3A_83 {
      %add3A_85 = arith.constant 4992 : i32
      %add3A_86 = arith.addi %add3A_85, %add3A : i32
      %mul3A_87 = arith.constant 640 : i32
      %mul3A_88 = arith.muli %add3A_86, %mul3A_87 : i32
      %dma_start3A_89 = arith.constant 0 : i32
      %dma_start3A_90 = arith.constant 0 : i32
      %dma_start3A_91 = arith.constant 0 : i32
      %dma_start3A_92 = tpu.memref_slice %arg6[%dma_start3A_90, %dma_start3A_91] : memref<2x640xi32, #tpu.memory_space<vmem>> -> memref<1x640xi32, #tpu.memory_space<vmem>>
      %dma_start3A_93 = tpu.memref_squeeze %dma_start3A_92 : memref<1x640xi32, #tpu.memory_space<vmem>> -> memref<640xi32, #tpu.memory_space<vmem>>
      %dma_start3A_94 = tpu.memref_slice %arg3[%dma_start3A_89, %mul3A_88] : memref<2x3200000xi32, #tpu.memory_space<hbm>> -> memref<1x640xi32, #tpu.memory_space<hbm>>
      %dma_start3A_95 = tpu.memref_squeeze %dma_start3A_94 : memref<1x640xi32, #tpu.memory_space<hbm>> -> memref<640xi32, #tpu.memory_space<hbm>>
      %dma_start3A_96 = arith.constant 0 : i32
      %dma_start3A_97 = tpu.memref_slice %arg6[%dma_start3A_90, %dma_start3A_96] : memref<2x640xi32, #tpu.memory_space<vmem>> -> memref<1x640xi32, #tpu.memory_space<vmem>>
      %dma_start3A_98 = tpu.memref_squeeze %dma_start3A_97 : memref<1x640xi32, #tpu.memory_space<vmem>> -> memref<640xi32, #tpu.memory_space<vmem>>
      %dma_start3A_99 = tpu.memref_slice %arg3[%dma_start3A_89, %mul3A_88] : memref<2x3200000xi32, #tpu.memory_space<hbm>> -> memref<1x640xi32, #tpu.memory_space<hbm>>
      %dma_start3A_100 = tpu.memref_squeeze %dma_start3A_99 : memref<1x640xi32, #tpu.memory_space<hbm>> -> memref<640xi32, #tpu.memory_space<hbm>>
      tpu.enqueue_dma source(%dma_start3A_100 : memref<640xi32, #tpu.memory_space<hbm>>) target(%dma_start3A_98 : memref<640xi32, #tpu.memory_space<vmem>>) target_semaphore(%arg10 : memref<!tpu.dma_semaphore, #tpu.memory_space<semaphore_mem>>)
      %dma_start3A_101 = arith.constant 1 : i32
      %dma_start3A_102 = arith.constant 0 : i32
      %dma_start3A_103 = arith.constant 0 : i32
      %dma_start3A_104 = tpu.memref_slice %arg7[%dma_start3A_102, %dma_start3A_103] : memref<2x640xi32, #tpu.memory_space<vmem>> -> memref<1x640xi32, #tpu.memory_space<vmem>>
      %dma_start3A_105 = tpu.memref_squeeze %dma_start3A_104 : memref<1x640xi32, #tpu.memory_space<vmem>> -> memref<640xi32, #tpu.memory_space<vmem>>
      %dma_start3A_106 = tpu.memref_slice %arg3[%dma_start3A_101, %mul3A_88] : memref<2x3200000xi32, #tpu.memory_space<hbm>> -> memref<1x640xi32, #tpu.memory_space<hbm>>
      %dma_start3A_107 = tpu.memref_squeeze %dma_start3A_106 : memref<1x640xi32, #tpu.memory_space<hbm>> -> memref<640xi32, #tpu.memory_space<hbm>>
      %dma_start3A_108 = arith.constant 0 : i32
      %dma_start3A_109 = tpu.memref_slice %arg7[%dma_start3A_102, %dma_start3A_108] : memref<2x640xi32, #tpu.memory_space<vmem>> -> memref<1x640xi32, #tpu.memory_space<vmem>>
      %dma_start3A_110 = tpu.memref_squeeze %dma_start3A_109 : memref<1x640xi32, #tpu.memory_space<vmem>> -> memref<640xi32, #tpu.memory_space<vmem>>
      %dma_start3A_111 = tpu.memref_slice %arg3[%dma_start3A_101, %mul3A_88] : memref<2x3200000xi32, #tpu.memory_space<hbm>> -> memref<1x640xi32, #tpu.memory_space<hbm>>
      %dma_start3A_112 = tpu.memref_squeeze %dma_start3A_111 : memref<1x640xi32, #tpu.memory_space<hbm>> -> memref<640xi32, #tpu.memory_space<hbm>>
      tpu.enqueue_dma source(%dma_start3A_112 : memref<640xi32, #tpu.memory_space<hbm>>) target(%dma_start3A_110 : memref<640xi32, #tpu.memory_space<vmem>>) target_semaphore(%arg10 : memref<!tpu.dma_semaphore, #tpu.memory_space<semaphore_mem>>)
      %dma_wait3A_113 = arith.constant 0 : i32
      %dma_wait3A_114 = arith.constant 0 : i32
      %dma_wait3A_115 = arith.constant 0 : i32
      %dma_wait3A_116 = tpu.memref_slice %arg6[%dma_wait3A_114, %dma_wait3A_115] : memref<2x640xi32, #tpu.memory_space<vmem>> -> memref<1x640xi32, #tpu.memory_space<vmem>>
      %dma_wait3A_117 = tpu.memref_squeeze %dma_wait3A_116 : memref<1x640xi32, #tpu.memory_space<vmem>> -> memref<640xi32, #tpu.memory_space<vmem>>
      %dma_wait3A_118 = tpu.memref_slice %arg3[%dma_wait3A_113, %mul3A_88] : memref<2x3200000xi32, #tpu.memory_space<hbm>> -> memref<1x640xi32, #tpu.memory_space<hbm>>
      %dma_wait3A_119 = tpu.memref_squeeze %dma_wait3A_118 : memref<1x640xi32, #tpu.memory_space<hbm>> -> memref<640xi32, #tpu.memory_space<hbm>>
      %dma_wait3A_120 = arith.constant 0 : i32
      %dma_wait3A_121 = tpu.memref_slice %arg6[%dma_wait3A_114, %dma_wait3A_120] : memref<2x640xi32, #tpu.memory_space<vmem>> -> memref<1x640xi32, #tpu.memory_space<vmem>>
      %dma_wait3A_122 = tpu.memref_squeeze %dma_wait3A_121 : memref<1x640xi32, #tpu.memory_space<vmem>> -> memref<640xi32, #tpu.memory_space<vmem>>
      %dma_wait3A_123 = tpu.memref_slice %arg3[%dma_wait3A_113, %mul3A_88] : memref<2x3200000xi32, #tpu.memory_space<hbm>> -> memref<1x640xi32, #tpu.memory_space<hbm>>
      %dma_wait3A_124 = tpu.memref_squeeze %dma_wait3A_123 : memref<1x640xi32, #tpu.memory_space<hbm>> -> memref<640xi32, #tpu.memory_space<hbm>>
      tpu.wait_dma2 semaphore(%arg10 : memref<!tpu.dma_semaphore, #tpu.memory_space<semaphore_mem>>) src(%dma_wait3A_124 : memref<640xi32, #tpu.memory_space<hbm>>) dst(%dma_wait3A_122 : memref<640xi32, #tpu.memory_space<vmem>>)
      %dma_wait3A_125 = arith.constant 1 : i32
      %dma_wait3A_126 = arith.constant 0 : i32
      %dma_wait3A_127 = arith.constant 0 : i32
      %dma_wait3A_128 = tpu.memref_slice %arg7[%dma_wait3A_126, %dma_wait3A_127] : memref<2x640xi32, #tpu.memory_space<vmem>> -> memref<1x640xi32, #tpu.memory_space<vmem>>
      %dma_wait3A_129 = tpu.memref_squeeze %dma_wait3A_128 : memref<1x640xi32, #tpu.memory_space<vmem>> -> memref<640xi32, #tpu.memory_space<vmem>>
      %dma_wait3A_130 = tpu.memref_slice %arg3[%dma_wait3A_125, %mul3A_88] : memref<2x3200000xi32, #tpu.memory_space<hbm>> -> memref<1x640xi32, #tpu.memory_space<hbm>>
      %dma_wait3A_131 = tpu.memref_squeeze %dma_wait3A_130 : memref<1x640xi32, #tpu.memory_space<hbm>> -> memref<640xi32, #tpu.memory_space<hbm>>
      %dma_wait3A_132 = arith.constant 0 : i32
      %dma_wait3A_133 = tpu.memref_slice %arg7[%dma_wait3A_126, %dma_wait3A_132] : memref<2x640xi32, #tpu.memory_space<vmem>> -> memref<1x640xi32, #tpu.memory_space<vmem>>
      %dma_wait3A_134 = tpu.memref_squeeze %dma_wait3A_133 : memref<1x640xi32, #tpu.memory_space<vmem>> -> memref<640xi32, #tpu.memory_space<vmem>>
      %dma_wait3A_135 = tpu.memref_slice %arg3[%dma_wait3A_125, %mul3A_88] : memref<2x3200000xi32, #tpu.memory_space<hbm>> -> memref<1x640xi32, #tpu.memory_space<hbm>>
      %dma_wait3A_136 = tpu.memref_squeeze %dma_wait3A_135 : memref<1x640xi32, #tpu.memory_space<hbm>> -> memref<640xi32, #tpu.memory_space<hbm>>
      tpu.wait_dma2 semaphore(%arg10 : memref<!tpu.dma_semaphore, #tpu.memory_space<semaphore_mem>>) src(%dma_wait3A_136 : memref<640xi32, #tpu.memory_space<hbm>>) dst(%dma_wait3A_134 : memref<640xi32, #tpu.memory_space<vmem>>)
      %dma_start3A_137 = arith.constant 0 : i32
      %dma_start3A_138 = arith.constant 0 : i32
      %dma_start3A_139 = arith.constant 0 : i32
      %dma_start3A_140 = arith.constant 0 : i32
      %dma_start3A_141 = tpu.memref_slice %arg8[%dma_start3A_138, %dma_start3A_139, %dma_start3A_140] : memref<2x640x16xf32, #tpu.memory_space<vmem>> -> memref<1x640x16xf32, #tpu.memory_space<vmem>>
      %dma_start3A_142 = tpu.memref_squeeze %dma_start3A_141 : memref<1x640x16xf32, #tpu.memory_space<vmem>> -> memref<640x16xf32, #tpu.memory_space<vmem>>
      %dma_start3A_143 = arith.constant 0 : i32
      %dma_start3A_144 = tpu.memref_slice %arg6[%dma_start3A_137, %dma_start3A_143] : memref<2x640xi32, #tpu.memory_space<vmem>> -> memref<1x640xi32, #tpu.memory_space<vmem>>
      %dma_start3A_145 = tpu.memref_squeeze %dma_start3A_144 : memref<1x640xi32, #tpu.memory_space<vmem>> -> memref<640xi32, #tpu.memory_space<vmem>>
      %dma_start3A_146 = arith.constant 0 : i32
      %dma_start3A_147 = arith.constant 0 : i32
      %dma_start3A_148 = tpu.memref_slice %arg2[%dma_start3A_146, %dma_start3A_147] : memref<100000x16xf32, #tpu.memory_space<hbm>> -> memref<100000x16xf32, #tpu.memory_space<hbm>>
      tpu.enqueue_indirect_dma source(%dma_start3A_148 : memref<100000x16xf32, #tpu.memory_space<hbm>>) target(%dma_start3A_142 : memref<640x16xf32, #tpu.memory_space<vmem>>) offsets(%dma_start3A_145 : memref<640xi32, #tpu.memory_space<vmem>>) semaphore(%arg11 : memref<!tpu.dma_semaphore, #tpu.memory_space<semaphore_mem>>)
      %dma_wait3A_149 = arith.constant 0 : i32
      %dma_wait3A_150 = arith.constant 0 : i32
      %dma_wait3A_151 = arith.constant 0 : i32
      %dma_wait3A_152 = arith.constant 0 : i32
      %dma_wait3A_153 = tpu.memref_slice %arg8[%dma_wait3A_150, %dma_wait3A_151, %dma_wait3A_152] : memref<2x640x16xf32, #tpu.memory_space<vmem>> -> memref<1x640x16xf32, #tpu.memory_space<vmem>>
      %dma_wait3A_154 = tpu.memref_squeeze %dma_wait3A_153 : memref<1x640x16xf32, #tpu.memory_space<vmem>> -> memref<640x16xf32, #tpu.memory_space<vmem>>
      %dma_wait3A_155 = arith.constant 0 : i32
      %dma_wait3A_156 = tpu.memref_slice %arg6[%dma_wait3A_149, %dma_wait3A_155] : memref<2x640xi32, #tpu.memory_space<vmem>> -> memref<1x640xi32, #tpu.memory_space<vmem>>
      %dma_wait3A_157 = tpu.memref_squeeze %dma_wait3A_156 : memref<1x640xi32, #tpu.memory_space<vmem>> -> memref<640xi32, #tpu.memory_space<vmem>>
      %dma_wait3A_158 = arith.constant 0 : i32
      %dma_wait3A_159 = arith.constant 0 : i32
      %dma_wait3A_160 = tpu.memref_slice %arg2[%dma_wait3A_158, %dma_wait3A_159] : memref<100000x16xf32, #tpu.memory_space<hbm>> -> memref<100000x16xf32, #tpu.memory_space<hbm>>
      tpu.wait_indirect_dma semaphore(%arg11 : memref<!tpu.dma_semaphore, #tpu.memory_space<semaphore_mem>>) src(%dma_wait3A_160 : memref<100000x16xf32, #tpu.memory_space<hbm>>) dst(%dma_wait3A_154 : memref<640x16xf32, #tpu.memory_space<vmem>>)
      %dma_start3A_161 = arith.constant 0 : i32
      %dma_start3A_162 = arith.constant 0 : i32
      %dma_start3A_163 = arith.constant 0 : i32
      %dma_start3A_164 = arith.constant 0 : i32
      %dma_start3A_165 = tpu.memref_slice %arg8[%dma_start3A_161, %dma_start3A_163, %dma_start3A_164] : memref<2x640x16xf32, #tpu.memory_space<vmem>> -> memref<1x640x16xf32, #tpu.memory_space<vmem>>
      %dma_start3A_166 = tpu.memref_squeeze %dma_start3A_165 : memref<1x640x16xf32, #tpu.memory_space<vmem>> -> memref<640x16xf32, #tpu.memory_space<vmem>>
      %dma_start3A_167 = arith.constant 0 : i32
      %dma_start3A_168 = tpu.memref_slice %arg7[%dma_start3A_162, %dma_start3A_167] : memref<2x640xi32, #tpu.memory_space<vmem>> -> memref<1x640xi32, #tpu.memory_space<vmem>>
      %dma_start3A_169 = tpu.memref_squeeze %dma_start3A_168 : memref<1x640xi32, #tpu.memory_space<vmem>> -> memref<640xi32, #tpu.memory_space<vmem>>
      %dma_start3A_170 = arith.constant 0 : i32
      %dma_start3A_171 = arith.constant 0 : i32
      %dma_start3A_172 = tpu.memref_slice %arg9[%dma_start3A_170, %dma_start3A_171] : memref<100096x16xf32, #tpu.memory_space<vmem_shared>> -> memref<100096x16xf32, #tpu.memory_space<vmem_shared>>
      tpu.enqueue_indirect_dma source(%dma_start3A_166 : memref<640x16xf32, #tpu.memory_space<vmem>>) target(%dma_start3A_172 : memref<100096x16xf32, #tpu.memory_space<vmem_shared>>) offsets(%dma_start3A_169 : memref<640xi32, #tpu.memory_space<vmem>>) semaphore(%arg13 : memref<!tpu.dma_semaphore, #tpu.memory_space<semaphore_mem>>) {add = true}
      %dma_wait3A_173 = arith.constant 0 : i32
      %dma_wait3A_174 = arith.constant 0 : i32
      %dma_wait3A_175 = arith.constant 0 : i32
      %dma_wait3A_176 = arith.constant 0 : i32
      %dma_wait3A_177 = tpu.memref_slice %arg8[%dma_wait3A_173, %dma_wait3A_175, %dma_wait3A_176] : memref<2x640x16xf32, #tpu.memory_space<vmem>> -> memref<1x640x16xf32, #tpu.memory_space<vmem>>
      %dma_wait3A_178 = tpu.memref_squeeze %dma_wait3A_177 : memref<1x640x16xf32, #tpu.memory_space<vmem>> -> memref<640x16xf32, #tpu.memory_space<vmem>>
      %dma_wait3A_179 = arith.constant 0 : i32
      %dma_wait3A_180 = tpu.memref_slice %arg7[%dma_wait3A_174, %dma_wait3A_179] : memref<2x640xi32, #tpu.memory_space<vmem>> -> memref<1x640xi32, #tpu.memory_space<vmem>>
      %dma_wait3A_181 = tpu.memref_squeeze %dma_wait3A_180 : memref<1x640xi32, #tpu.memory_space<vmem>> -> memref<640xi32, #tpu.memory_space<vmem>>
      %dma_wait3A_182 = arith.constant 0 : i32
      %dma_wait3A_183 = arith.constant 0 : i32
      %dma_wait3A_184 = tpu.memref_slice %arg9[%dma_wait3A_182, %dma_wait3A_183] : memref<100096x16xf32, #tpu.memory_space<vmem_shared>> -> memref<100096x16xf32, #tpu.memory_space<vmem_shared>>
      tpu.wait_indirect_dma semaphore(%arg13 : memref<!tpu.dma_semaphore, #tpu.memory_space<semaphore_mem>>) src(%dma_wait3A_178 : memref<640x16xf32, #tpu.memory_space<vmem>>) dst(%dma_wait3A_184 : memref<100096x16xf32, #tpu.memory_space<vmem_shared>>)
    } else {
    }
    %barrier3A_84 = arith.constant 0 : index
    tpu.barrier barrier_id(%barrier3A_84)
    "tpu.region"() ({
      %run_scoped3A = tpu.sem_alloc : memref<!tpu.dma_semaphore, #tpu.memory_space<semaphore_mem>>
      %dma_start3A_85 = arith.constant 0 : i32
      %dma_start3A_86 = tpu.memref_slice %arg5[%arg0, %mul3A_2, %dma_start3A_85] : memref<2x100096x16xf32, #tpu.memory_space<hbm>> -> memref<1x6256x16xf32, #tpu.memory_space<hbm>>
      %dma_start3A_87 = tpu.memref_squeeze %dma_start3A_86 : memref<1x6256x16xf32, #tpu.memory_space<hbm>> -> memref<6256x16xf32, #tpu.memory_space<hbm>>
      %dma_start3A_88 = arith.constant 0 : i32
      %dma_start3A_89 = tpu.memref_slice %arg9[%mul3A_2, %dma_start3A_88] : memref<100096x16xf32, #tpu.memory_space<vmem_shared>> -> memref<6256x16xf32, #tpu.memory_space<vmem_shared>>
      tpu.enqueue_dma source(%dma_start3A_89 : memref<6256x16xf32, #tpu.memory_space<vmem_shared>>) target(%dma_start3A_87 : memref<6256x16xf32, #tpu.memory_space<hbm>>) target_semaphore(%run_scoped3A : memref<!tpu.dma_semaphore, #tpu.memory_space<semaphore_mem>>)
      %dma_wait3A_90 = arith.constant 0 : i32
      %dma_wait3A_91 = tpu.memref_slice %arg5[%arg0, %mul3A_2, %dma_wait3A_90] : memref<2x100096x16xf32, #tpu.memory_space<hbm>> -> memref<1x6256x16xf32, #tpu.memory_space<hbm>>
      %dma_wait3A_92 = tpu.memref_squeeze %dma_wait3A_91 : memref<1x6256x16xf32, #tpu.memory_space<hbm>> -> memref<6256x16xf32, #tpu.memory_space<hbm>>
      %dma_wait3A_93 = arith.constant 0 : i32
      %dma_wait3A_94 = tpu.memref_slice %arg9[%mul3A_2, %dma_wait3A_93] : memref<100096x16xf32, #tpu.memory_space<vmem_shared>> -> memref<6256x16xf32, #tpu.memory_space<vmem_shared>>
      tpu.wait_dma2 semaphore(%run_scoped3A : memref<!tpu.dma_semaphore, #tpu.memory_space<semaphore_mem>>) src(%dma_wait3A_94 : memref<6256x16xf32, #tpu.memory_space<vmem_shared>>) dst(%dma_wait3A_92 : memref<6256x16xf32, #tpu.memory_space<hbm>>)
      tpu.yield
    }) : () -> ()
    return
  }
}

#map = affine_map<(d0, d1) -> (0, 0, 0)>
#map1 = affine_map<(d0, d1) -> (0, 0)>
#map2 = affine_map<(d0, d1) -> (0)>
module attributes {stable_mosaic.version = 14 : i64} {
  func.func @combine_kernel(%arg0: i32, %arg1: i32, %arg2: memref<2x100096x16xf32, #tpu.memory_space<hbm>>, %arg3: memref<16x16xf32, #tpu.memory_space<hbm>>, %arg4: memref<16xf32, #tpu.memory_space<hbm>>, %arg5: memref<100000x16xf32, #tpu.memory_space<hbm>>, %arg6: memref<782x16xf32, #tpu.memory_space<vmem>>, %arg7: memref<782x16xf32, #tpu.memory_space<vmem>>, %arg8: memref<782x16xf32, #tpu.memory_space<vmem>>, %arg9: memref<16x16xf32, #tpu.memory_space<vmem>>, %arg10: memref<16xf32, #tpu.memory_space<vmem>>) attributes {dimension_semantics = [#tpu.dimension_semantics<core_parallel>, #tpu.dimension_semantics<subcore_parallel>], iteration_bounds = array<i64: 2, 16>, scalar_prefetch = 0 : i64, scratch_operands = 5 : i64, tpu.core_type = #tpu.core_type<sc_vector_subcore>, window_params = [{transform_indices = #map}, {transform_indices = #map1}, {transform_indices = #map2}, {transform_indices = #map1}]} {
    %mul3A = arith.constant 16 : i32
    %mul3A_0 = arith.muli %arg0, %mul3A : i32
    %add3A = arith.addi %mul3A_0, %arg1 : i32
    %mul3A_1 = arith.constant 3128 : i32
    %mul3A_2 = arith.muli %add3A, %mul3A_1 : i32
    "tpu.region"() ({
      %run_scoped3A = tpu.sem_alloc : memref<!tpu.dma_semaphore, #tpu.memory_space<semaphore_mem>>
      tpu.enqueue_dma source(%arg3 : memref<16x16xf32, #tpu.memory_space<hbm>>) target(%arg9 : memref<16x16xf32, #tpu.memory_space<vmem>>) target_semaphore(%run_scoped3A : memref<!tpu.dma_semaphore, #tpu.memory_space<semaphore_mem>>)
      tpu.wait_dma2 semaphore(%run_scoped3A : memref<!tpu.dma_semaphore, #tpu.memory_space<semaphore_mem>>) src(%arg3 : memref<16x16xf32, #tpu.memory_space<hbm>>) dst(%arg9 : memref<16x16xf32, #tpu.memory_space<vmem>>)
      tpu.yield
    }) : () -> ()
    "tpu.region"() ({
      %run_scoped3A = tpu.sem_alloc : memref<!tpu.dma_semaphore, #tpu.memory_space<semaphore_mem>>
      tpu.enqueue_dma source(%arg4 : memref<16xf32, #tpu.memory_space<hbm>>) target(%arg10 : memref<16xf32, #tpu.memory_space<vmem>>) target_semaphore(%run_scoped3A : memref<!tpu.dma_semaphore, #tpu.memory_space<semaphore_mem>>)
      tpu.wait_dma2 semaphore(%run_scoped3A : memref<!tpu.dma_semaphore, #tpu.memory_space<semaphore_mem>>) src(%arg4 : memref<16xf32, #tpu.memory_space<hbm>>) dst(%arg10 : memref<16xf32, #tpu.memory_space<vmem>>)
      tpu.yield
    }) : () -> ()
    %get3A = arith.constant 0 : i32
    %get3A_3 = arith.index_cast %get3A : i32 to index
    %get3A_4 = arith.constant 0 : index
    %get3A_5 = tpu.vector_load %arg9[%get3A_3, %get3A_4] {strides = array<i32>} : memref<16x16xf32, #tpu.memory_space<vmem>>, vector<16xf32>,
    %get3A_6 = arith.constant 1 : i32
    %get3A_7 = arith.index_cast %get3A_6 : i32 to index
    %get3A_8 = arith.constant 0 : index
    %get3A_9 = tpu.vector_load %arg9[%get3A_7, %get3A_8] {strides = array<i32>} : memref<16x16xf32, #tpu.memory_space<vmem>>, vector<16xf32>,
    %get3A_10 = arith.constant 2 : i32
    %get3A_11 = arith.index_cast %get3A_10 : i32 to index
    %get3A_12 = arith.constant 0 : index
    %get3A_13 = tpu.vector_load %arg9[%get3A_11, %get3A_12] {strides = array<i32>} : memref<16x16xf32, #tpu.memory_space<vmem>>, vector<16xf32>,
    %get3A_14 = arith.constant 3 : i32
    %get3A_15 = arith.index_cast %get3A_14 : i32 to index
    %get3A_16 = arith.constant 0 : index
    %get3A_17 = tpu.vector_load %arg9[%get3A_15, %get3A_16] {strides = array<i32>} : memref<16x16xf32, #tpu.memory_space<vmem>>, vector<16xf32>,
    %get3A_18 = arith.constant 4 : i32
    %get3A_19 = arith.index_cast %get3A_18 : i32 to index
    %get3A_20 = arith.constant 0 : index
    %get3A_21 = tpu.vector_load %arg9[%get3A_19, %get3A_20] {strides = array<i32>} : memref<16x16xf32, #tpu.memory_space<vmem>>, vector<16xf32>,
    %get3A_22 = arith.constant 5 : i32
    %get3A_23 = arith.index_cast %get3A_22 : i32 to index
    %get3A_24 = arith.constant 0 : index
    %get3A_25 = tpu.vector_load %arg9[%get3A_23, %get3A_24] {strides = array<i32>} : memref<16x16xf32, #tpu.memory_space<vmem>>, vector<16xf32>,
    %get3A_26 = arith.constant 6 : i32
    %get3A_27 = arith.index_cast %get3A_26 : i32 to index
    %get3A_28 = arith.constant 0 : index
    %get3A_29 = tpu.vector_load %arg9[%get3A_27, %get3A_28] {strides = array<i32>} : memref<16x16xf32, #tpu.memory_space<vmem>>, vector<16xf32>,
    %get3A_30 = arith.constant 7 : i32
    %get3A_31 = arith.index_cast %get3A_30 : i32 to index
    %get3A_32 = arith.constant 0 : index
    %get3A_33 = tpu.vector_load %arg9[%get3A_31, %get3A_32] {strides = array<i32>} : memref<16x16xf32, #tpu.memory_space<vmem>>, vector<16xf32>,
    %get3A_34 = arith.constant 8 : i32
    %get3A_35 = arith.index_cast %get3A_34 : i32 to index
    %get3A_36 = arith.constant 0 : index
    %get3A_37 = tpu.vector_load %arg9[%get3A_35, %get3A_36] {strides = array<i32>} : memref<16x16xf32, #tpu.memory_space<vmem>>, vector<16xf32>,
    %get3A_38 = arith.constant 9 : i32
    %get3A_39 = arith.index_cast %get3A_38 : i32 to index
    %get3A_40 = arith.constant 0 : index
    %get3A_41 = tpu.vector_load %arg9[%get3A_39, %get3A_40] {strides = array<i32>} : memref<16x16xf32, #tpu.memory_space<vmem>>, vector<16xf32>,
    %get3A_42 = arith.constant 10 : i32
    %get3A_43 = arith.index_cast %get3A_42 : i32 to index
    %get3A_44 = arith.constant 0 : index
    %get3A_45 = tpu.vector_load %arg9[%get3A_43, %get3A_44] {strides = array<i32>} : memref<16x16xf32, #tpu.memory_space<vmem>>, vector<16xf32>,
    %get3A_46 = arith.constant 11 : i32
    %get3A_47 = arith.index_cast %get3A_46 : i32 to index
    %get3A_48 = arith.constant 0 : index
    %get3A_49 = tpu.vector_load %arg9[%get3A_47, %get3A_48] {strides = array<i32>} : memref<16x16xf32, #tpu.memory_space<vmem>>, vector<16xf32>,
    %get3A_50 = arith.constant 12 : i32
    %get3A_51 = arith.index_cast %get3A_50 : i32 to index
    %get3A_52 = arith.constant 0 : index
    %get3A_53 = tpu.vector_load %arg9[%get3A_51, %get3A_52] {strides = array<i32>} : memref<16x16xf32, #tpu.memory_space<vmem>>, vector<16xf32>,
    %get3A_54 = arith.constant 13 : i32
    %get3A_55 = arith.index_cast %get3A_54 : i32 to index
    %get3A_56 = arith.constant 0 : index
    %get3A_57 = tpu.vector_load %arg9[%get3A_55, %get3A_56] {strides = array<i32>} : memref<16x16xf32, #tpu.memory_space<vmem>>, vector<16xf32>,
    %get3A_58 = arith.constant 14 : i32
    %get3A_59 = arith.index_cast %get3A_58 : i32 to index
    %get3A_60 = arith.constant 0 : index
    %get3A_61 = tpu.vector_load %arg9[%get3A_59, %get3A_60] {strides = array<i32>} : memref<16x16xf32, #tpu.memory_space<vmem>>, vector<16xf32>,
    %get3A_62 = arith.constant 15 : i32
    %get3A_63 = arith.index_cast %get3A_62 : i32 to index
    %get3A_64 = arith.constant 0 : index
    %get3A_65 = tpu.vector_load %arg9[%get3A_63, %get3A_64] {strides = array<i32>} : memref<16x16xf32, #tpu.memory_space<vmem>>, vector<16xf32>,
    %get3A_66 = arith.constant 0 : index
    %get3A_67 = tpu.vector_load %arg10[%get3A_66] {strides = array<i32>} : memref<16xf32, #tpu.memory_space<vmem>>, vector<16xf32>,
    %broadcast_in_dim3A = arith.constant 0 : i32
    %broadcast_in_dim3A_68 = vector.broadcast %broadcast_in_dim3A : i32 to vector<16xi32>
    %broadcast_in_dim3A_69 = arith.constant 1 : i32
    %broadcast_in_dim3A_70 = vector.broadcast %broadcast_in_dim3A_69 : i32 to vector<16xi32>
    %broadcast_in_dim3A_71 = arith.constant 2 : i32
    %broadcast_in_dim3A_72 = vector.broadcast %broadcast_in_dim3A_71 : i32 to vector<16xi32>
    %broadcast_in_dim3A_73 = arith.constant 3 : i32
    %broadcast_in_dim3A_74 = vector.broadcast %broadcast_in_dim3A_73 : i32 to vector<16xi32>
    %broadcast_in_dim3A_75 = arith.constant 4 : i32
    %broadcast_in_dim3A_76 = vector.broadcast %broadcast_in_dim3A_75 : i32 to vector<16xi32>
    %broadcast_in_dim3A_77 = arith.constant 5 : i32
    %broadcast_in_dim3A_78 = vector.broadcast %broadcast_in_dim3A_77 : i32 to vector<16xi32>
    %broadcast_in_dim3A_79 = arith.constant 6 : i32
    %broadcast_in_dim3A_80 = vector.broadcast %broadcast_in_dim3A_79 : i32 to vector<16xi32>
    %broadcast_in_dim3A_81 = arith.constant 7 : i32
    %broadcast_in_dim3A_82 = vector.broadcast %broadcast_in_dim3A_81 : i32 to vector<16xi32>
    %broadcast_in_dim3A_83 = arith.constant 8 : i32
    %broadcast_in_dim3A_84 = vector.broadcast %broadcast_in_dim3A_83 : i32 to vector<16xi32>
    %broadcast_in_dim3A_85 = arith.constant 9 : i32
    %broadcast_in_dim3A_86 = vector.broadcast %broadcast_in_dim3A_85 : i32 to vector<16xi32>
    %broadcast_in_dim3A_87 = arith.constant 10 : i32
    %broadcast_in_dim3A_88 = vector.broadcast %broadcast_in_dim3A_87 : i32 to vector<16xi32>
    %broadcast_in_dim3A_89 = arith.constant 11 : i32
    %broadcast_in_dim3A_90 = vector.broadcast %broadcast_in_dim3A_89 : i32 to vector<16xi32>
    %broadcast_in_dim3A_91 = arith.constant 12 : i32
    %broadcast_in_dim3A_92 = vector.broadcast %broadcast_in_dim3A_91 : i32 to vector<16xi32>
    %broadcast_in_dim3A_93 = arith.constant 13 : i32
    %broadcast_in_dim3A_94 = vector.broadcast %broadcast_in_dim3A_93 : i32 to vector<16xi32>
    %broadcast_in_dim3A_95 = arith.constant 14 : i32
    %broadcast_in_dim3A_96 = vector.broadcast %broadcast_in_dim3A_95 : i32 to vector<16xi32>
    %broadcast_in_dim3A_97 = arith.constant 15 : i32
    %broadcast_in_dim3A_98 = vector.broadcast %broadcast_in_dim3A_97 : i32 to vector<16xi32>
    %scan3A = arith.constant 0 : i32
    %scan3A_99 = arith.constant 0 : i32
    %scan3A_100 = arith.constant 4 : i32
    %scan3A_101 = arith.addi %scan3A_99, %scan3A_100 : i32
    %scan3A_102 = arith.constant 1 : i32
    scf.for %scan3A_104 = %scan3A_99 to %scan3A_101 step %scan3A_102  : i32 {
      %mul3A_105 = arith.constant 782 : i32
      %mul3A_106 = arith.muli %scan3A_104, %mul3A_105 : i32
      %add3A_107 = arith.addi %mul3A_2, %mul3A_106 : i32
      %run_scoped3A = arith.constant 0 : i32
      "tpu.region"() ({
        %run_scoped3A_123 = tpu.sem_alloc : memref<!tpu.dma_semaphore, #tpu.memory_space<semaphore_mem>>
        %dma_start3A = arith.constant 0 : i32
        %dma_start3A_124 = tpu.memref_slice %arg2[%run_scoped3A, %add3A_107, %dma_start3A] : memref<2x100096x16xf32, #tpu.memory_space<hbm>> -> memref<1x782x16xf32, #tpu.memory_space<hbm>>
        %dma_start3A_125 = tpu.memref_squeeze %dma_start3A_124 : memref<1x782x16xf32, #tpu.memory_space<hbm>> -> memref<782x16xf32, #tpu.memory_space<hbm>>
        %dma_start3A_126 = arith.constant 0 : i32
        %dma_start3A_127 = tpu.memref_slice %arg2[%run_scoped3A, %add3A_107, %dma_start3A_126] : memref<2x100096x16xf32, #tpu.memory_space<hbm>> -> memref<1x782x16xf32, #tpu.memory_space<hbm>>
        %dma_start3A_128 = tpu.memref_squeeze %dma_start3A_127 : memref<1x782x16xf32, #tpu.memory_space<hbm>> -> memref<782x16xf32, #tpu.memory_space<hbm>>
        tpu.enqueue_dma source(%dma_start3A_128 : memref<782x16xf32, #tpu.memory_space<hbm>>) target(%arg6 : memref<782x16xf32, #tpu.memory_space<vmem>>) target_semaphore(%run_scoped3A_123 : memref<!tpu.dma_semaphore, #tpu.memory_space<semaphore_mem>>)
        %dma_wait3A = arith.constant 0 : i32
        %dma_wait3A_129 = tpu.memref_slice %arg2[%run_scoped3A, %add3A_107, %dma_wait3A] : memref<2x100096x16xf32, #tpu.memory_space<hbm>> -> memref<1x782x16xf32, #tpu.memory_space<hbm>>
        %dma_wait3A_130 = tpu.memref_squeeze %dma_wait3A_129 : memref<1x782x16xf32, #tpu.memory_space<hbm>> -> memref<782x16xf32, #tpu.memory_space<hbm>>
        %dma_wait3A_131 = arith.constant 0 : i32
        %dma_wait3A_132 = tpu.memref_slice %arg2[%run_scoped3A, %add3A_107, %dma_wait3A_131] : memref<2x100096x16xf32, #tpu.memory_space<hbm>> -> memref<1x782x16xf32, #tpu.memory_space<hbm>>
        %dma_wait3A_133 = tpu.memref_squeeze %dma_wait3A_132 : memref<1x782x16xf32, #tpu.memory_space<hbm>> -> memref<782x16xf32, #tpu.memory_space<hbm>>
        tpu.wait_dma2 semaphore(%run_scoped3A_123 : memref<!tpu.dma_semaphore, #tpu.memory_space<semaphore_mem>>) src(%dma_wait3A_133 : memref<782x16xf32, #tpu.memory_space<hbm>>) dst(%arg6 : memref<782x16xf32, #tpu.memory_space<vmem>>)
        tpu.yield
      }) : () -> ()
      %run_scoped3A_108 = arith.constant 1 : i32
      "tpu.region"() ({
        %run_scoped3A_123 = tpu.sem_alloc : memref<!tpu.dma_semaphore, #tpu.memory_space<semaphore_mem>>
        %dma_start3A = arith.constant 0 : i32
        %dma_start3A_124 = tpu.memref_slice %arg2[%run_scoped3A_108, %add3A_107, %dma_start3A] : memref<2x100096x16xf32, #tpu.memory_space<hbm>> -> memref<1x782x16xf32, #tpu.memory_space<hbm>>
        %dma_start3A_125 = tpu.memref_squeeze %dma_start3A_124 : memref<1x782x16xf32, #tpu.memory_space<hbm>> -> memref<782x16xf32, #tpu.memory_space<hbm>>
        %dma_start3A_126 = arith.constant 0 : i32
        %dma_start3A_127 = tpu.memref_slice %arg2[%run_scoped3A_108, %add3A_107, %dma_start3A_126] : memref<2x100096x16xf32, #tpu.memory_space<hbm>> -> memref<1x782x16xf32, #tpu.memory_space<hbm>>
        %dma_start3A_128 = tpu.memref_squeeze %dma_start3A_127 : memref<1x782x16xf32, #tpu.memory_space<hbm>> -> memref<782x16xf32, #tpu.memory_space<hbm>>
        tpu.enqueue_dma source(%dma_start3A_128 : memref<782x16xf32, #tpu.memory_space<hbm>>) target(%arg7 : memref<782x16xf32, #tpu.memory_space<vmem>>) target_semaphore(%run_scoped3A_123 : memref<!tpu.dma_semaphore, #tpu.memory_space<semaphore_mem>>)
        %dma_wait3A = arith.constant 0 : i32
        %dma_wait3A_129 = tpu.memref_slice %arg2[%run_scoped3A_108, %add3A_107, %dma_wait3A] : memref<2x100096x16xf32, #tpu.memory_space<hbm>> -> memref<1x782x16xf32, #tpu.memory_space<hbm>>
        %dma_wait3A_130 = tpu.memref_squeeze %dma_wait3A_129 : memref<1x782x16xf32, #tpu.memory_space<hbm>> -> memref<782x16xf32, #tpu.memory_space<hbm>>
        %dma_wait3A_131 = arith.constant 0 : i32
        %dma_wait3A_132 = tpu.memref_slice %arg2[%run_scoped3A_108, %add3A_107, %dma_wait3A_131] : memref<2x100096x16xf32, #tpu.memory_space<hbm>> -> memref<1x782x16xf32, #tpu.memory_space<hbm>>
        %dma_wait3A_133 = tpu.memref_squeeze %dma_wait3A_132 : memref<1x782x16xf32, #tpu.memory_space<hbm>> -> memref<782x16xf32, #tpu.memory_space<hbm>>
        tpu.wait_dma2 semaphore(%run_scoped3A_123 : memref<!tpu.dma_semaphore, #tpu.memory_space<semaphore_mem>>) src(%dma_wait3A_133 : memref<782x16xf32, #tpu.memory_space<hbm>>) dst(%arg7 : memref<782x16xf32, #tpu.memory_space<vmem>>)
        tpu.yield
      }) : () -> ()
      %scan3A_109 = arith.constant 0 : i32
      %scan3A_110 = arith.constant 0 : i32
      %scan3A_111 = arith.constant 782 : i32
      %scan3A_112 = arith.addi %scan3A_110, %scan3A_111 : i32
      %scan3A_113 = arith.constant 1 : i32
      scf.for %scan3A_123 = %scan3A_110 to %scan3A_112 step %scan3A_113  : i32 {
        %get3A_124 = arith.index_cast %scan3A_123 : i32 to index
        %get3A_125 = arith.constant 0 : index
        %get3A_126 = tpu.vector_load %arg6[%get3A_124, %get3A_125] {strides = array<i32>} : memref<782x16xf32, #tpu.memory_space<vmem>>, vector<16xf32>,
        %get3A_127 = arith.index_cast %scan3A_123 : i32 to index
        %get3A_128 = arith.constant 0 : index
        %get3A_129 = tpu.vector_load %arg7[%get3A_127, %get3A_128] {strides = array<i32>} : memref<782x16xf32, #tpu.memory_space<vmem>>, vector<16xf32>,
        %add3A_130 = arith.addf %get3A_126, %get3A_129 : vector<16xf32>
        %lt3A = arith.constant 0 : i32
        %lt3A_131 = vector.broadcast %lt3A : i32 to vector<16xi32>
        %lt3A_132 = arith.cmpi slt, %broadcast_in_dim3A_68, %lt3A_131 : vector<16xi32>
        %add3A_133 = arith.constant 16 : i32
        %add3A_134 = vector.broadcast %add3A_133 : i32 to vector<16xi32>
        %add3A_135 = arith.addi %broadcast_in_dim3A_68, %add3A_134 : vector<16xi32>
        %select_n3A = arith.select %lt3A_132, %add3A_135, %broadcast_in_dim3A_68 : vector<16xi1>, vector<16xi32>
        %broadcast_in_dim3A_136 = vector.shape_cast %select_n3A : vector<16xi32> to vector<16x1xi32>
        %gather3A = vector.shape_cast %broadcast_in_dim3A_136 : vector<16x1xi32> to vector<16xi32>
        %gather3A_137 = tpu.dynamic_gather %add3A_130[%gather3A] in [0] : vector<16xf32>, vector<16xi32> -> vector<16xf32>
        %mul3A_138 = arith.mulf %gather3A_137, %get3A_5 : vector<16xf32>
        %add3A_139 = arith.addf %get3A_67, %mul3A_138 : vector<16xf32>
        %lt3A_140 = arith.constant 0 : i32
        %lt3A_141 = vector.broadcast %lt3A_140 : i32 to vector<16xi32>
        %lt3A_142 = arith.cmpi slt, %broadcast_in_dim3A_70, %lt3A_141 : vector<16xi32>
        %add3A_143 = arith.constant 16 : i32
        %add3A_144 = vector.broadcast %add3A_143 : i32 to vector<16xi32>
        %add3A_145 = arith.addi %broadcast_in_dim3A_70, %add3A_144 : vector<16xi32>
        %select_n3A_146 = arith.select %lt3A_142, %add3A_145, %broadcast_in_dim3A_70 : vector<16xi1>, vector<16xi32>
        %broadcast_in_dim3A_147 = vector.shape_cast %select_n3A_146 : vector<16xi32> to vector<16x1xi32>
        %gather3A_148 = vector.shape_cast %broadcast_in_dim3A_147 : vector<16x1xi32> to vector<16xi32>
        %gather3A_149 = tpu.dynamic_gather %add3A_130[%gather3A_148] in [0] : vector<16xf32>, vector<16xi32> -> vector<16xf32>
        %mul3A_150 = arith.mulf %gather3A_149, %get3A_9 : vector<16xf32>
        %add3A_151 = arith.addf %add3A_139, %mul3A_150 : vector<16xf32>
        %lt3A_152 = arith.constant 0 : i32
        %lt3A_153 = vector.broadcast %lt3A_152 : i32 to vector<16xi32>
        %lt3A_154 = arith.cmpi slt, %broadcast_in_dim3A_72, %lt3A_153 : vector<16xi32>
        %add3A_155 = arith.constant 16 : i32
        %add3A_156 = vector.broadcast %add3A_155 : i32 to vector<16xi32>
        %add3A_157 = arith.addi %broadcast_in_dim3A_72, %add3A_156 : vector<16xi32>
        %select_n3A_158 = arith.select %lt3A_154, %add3A_157, %broadcast_in_dim3A_72 : vector<16xi1>, vector<16xi32>
        %broadcast_in_dim3A_159 = vector.shape_cast %select_n3A_158 : vector<16xi32> to vector<16x1xi32>
        %gather3A_160 = vector.shape_cast %broadcast_in_dim3A_159 : vector<16x1xi32> to vector<16xi32>
        %gather3A_161 = tpu.dynamic_gather %add3A_130[%gather3A_160] in [0] : vector<16xf32>, vector<16xi32> -> vector<16xf32>
        %mul3A_162 = arith.mulf %gather3A_161, %get3A_13 : vector<16xf32>
        %add3A_163 = arith.addf %add3A_151, %mul3A_162 : vector<16xf32>
        %lt3A_164 = arith.constant 0 : i32
        %lt3A_165 = vector.broadcast %lt3A_164 : i32 to vector<16xi32>
        %lt3A_166 = arith.cmpi slt, %broadcast_in_dim3A_74, %lt3A_165 : vector<16xi32>
        %add3A_167 = arith.constant 16 : i32
        %add3A_168 = vector.broadcast %add3A_167 : i32 to vector<16xi32>
        %add3A_169 = arith.addi %broadcast_in_dim3A_74, %add3A_168 : vector<16xi32>
        %select_n3A_170 = arith.select %lt3A_166, %add3A_169, %broadcast_in_dim3A_74 : vector<16xi1>, vector<16xi32>
        %broadcast_in_dim3A_171 = vector.shape_cast %select_n3A_170 : vector<16xi32> to vector<16x1xi32>
        %gather3A_172 = vector.shape_cast %broadcast_in_dim3A_171 : vector<16x1xi32> to vector<16xi32>
        %gather3A_173 = tpu.dynamic_gather %add3A_130[%gather3A_172] in [0] : vector<16xf32>, vector<16xi32> -> vector<16xf32>
        %mul3A_174 = arith.mulf %gather3A_173, %get3A_17 : vector<16xf32>
        %add3A_175 = arith.addf %add3A_163, %mul3A_174 : vector<16xf32>
        %lt3A_176 = arith.constant 0 : i32
        %lt3A_177 = vector.broadcast %lt3A_176 : i32 to vector<16xi32>
        %lt3A_178 = arith.cmpi slt, %broadcast_in_dim3A_76, %lt3A_177 : vector<16xi32>
        %add3A_179 = arith.constant 16 : i32
        %add3A_180 = vector.broadcast %add3A_179 : i32 to vector<16xi32>
        %add3A_181 = arith.addi %broadcast_in_dim3A_76, %add3A_180 : vector<16xi32>
        %select_n3A_182 = arith.select %lt3A_178, %add3A_181, %broadcast_in_dim3A_76 : vector<16xi1>, vector<16xi32>
        %broadcast_in_dim3A_183 = vector.shape_cast %select_n3A_182 : vector<16xi32> to vector<16x1xi32>
        %gather3A_184 = vector.shape_cast %broadcast_in_dim3A_183 : vector<16x1xi32> to vector<16xi32>
        %gather3A_185 = tpu.dynamic_gather %add3A_130[%gather3A_184] in [0] : vector<16xf32>, vector<16xi32> -> vector<16xf32>
        %mul3A_186 = arith.mulf %gather3A_185, %get3A_21 : vector<16xf32>
        %add3A_187 = arith.addf %add3A_175, %mul3A_186 : vector<16xf32>
        %lt3A_188 = arith.constant 0 : i32
        %lt3A_189 = vector.broadcast %lt3A_188 : i32 to vector<16xi32>
        %lt3A_190 = arith.cmpi slt, %broadcast_in_dim3A_78, %lt3A_189 : vector<16xi32>
        %add3A_191 = arith.constant 16 : i32
        %add3A_192 = vector.broadcast %add3A_191 : i32 to vector<16xi32>
        %add3A_193 = arith.addi %broadcast_in_dim3A_78, %add3A_192 : vector<16xi32>
        %select_n3A_194 = arith.select %lt3A_190, %add3A_193, %broadcast_in_dim3A_78 : vector<16xi1>, vector<16xi32>
        %broadcast_in_dim3A_195 = vector.shape_cast %select_n3A_194 : vector<16xi32> to vector<16x1xi32>
        %gather3A_196 = vector.shape_cast %broadcast_in_dim3A_195 : vector<16x1xi32> to vector<16xi32>
        %gather3A_197 = tpu.dynamic_gather %add3A_130[%gather3A_196] in [0] : vector<16xf32>, vector<16xi32> -> vector<16xf32>
        %mul3A_198 = arith.mulf %gather3A_197, %get3A_25 : vector<16xf32>
        %add3A_199 = arith.addf %add3A_187, %mul3A_198 : vector<16xf32>
        %lt3A_200 = arith.constant 0 : i32
        %lt3A_201 = vector.broadcast %lt3A_200 : i32 to vector<16xi32>
        %lt3A_202 = arith.cmpi slt, %broadcast_in_dim3A_80, %lt3A_201 : vector<16xi32>
        %add3A_203 = arith.constant 16 : i32
        %add3A_204 = vector.broadcast %add3A_203 : i32 to vector<16xi32>
        %add3A_205 = arith.addi %broadcast_in_dim3A_80, %add3A_204 : vector<16xi32>
        %select_n3A_206 = arith.select %lt3A_202, %add3A_205, %broadcast_in_dim3A_80 : vector<16xi1>, vector<16xi32>
        %broadcast_in_dim3A_207 = vector.shape_cast %select_n3A_206 : vector<16xi32> to vector<16x1xi32>
        %gather3A_208 = vector.shape_cast %broadcast_in_dim3A_207 : vector<16x1xi32> to vector<16xi32>
        %gather3A_209 = tpu.dynamic_gather %add3A_130[%gather3A_208] in [0] : vector<16xf32>, vector<16xi32> -> vector<16xf32>
        %mul3A_210 = arith.mulf %gather3A_209, %get3A_29 : vector<16xf32>
        %add3A_211 = arith.addf %add3A_199, %mul3A_210 : vector<16xf32>
        %lt3A_212 = arith.constant 0 : i32
        %lt3A_213 = vector.broadcast %lt3A_212 : i32 to vector<16xi32>
        %lt3A_214 = arith.cmpi slt, %broadcast_in_dim3A_82, %lt3A_213 : vector<16xi32>
        %add3A_215 = arith.constant 16 : i32
        %add3A_216 = vector.broadcast %add3A_215 : i32 to vector<16xi32>
        %add3A_217 = arith.addi %broadcast_in_dim3A_82, %add3A_216 : vector<16xi32>
        %select_n3A_218 = arith.select %lt3A_214, %add3A_217, %broadcast_in_dim3A_82 : vector<16xi1>, vector<16xi32>
        %broadcast_in_dim3A_219 = vector.shape_cast %select_n3A_218 : vector<16xi32> to vector<16x1xi32>
        %gather3A_220 = vector.shape_cast %broadcast_in_dim3A_219 : vector<16x1xi32> to vector<16xi32>
        %gather3A_221 = tpu.dynamic_gather %add3A_130[%gather3A_220] in [0] : vector<16xf32>, vector<16xi32> -> vector<16xf32>
        %mul3A_222 = arith.mulf %gather3A_221, %get3A_33 : vector<16xf32>
        %add3A_223 = arith.addf %add3A_211, %mul3A_222 : vector<16xf32>
        %lt3A_224 = arith.constant 0 : i32
        %lt3A_225 = vector.broadcast %lt3A_224 : i32 to vector<16xi32>
        %lt3A_226 = arith.cmpi slt, %broadcast_in_dim3A_84, %lt3A_225 : vector<16xi32>
        %add3A_227 = arith.constant 16 : i32
        %add3A_228 = vector.broadcast %add3A_227 : i32 to vector<16xi32>
        %add3A_229 = arith.addi %broadcast_in_dim3A_84, %add3A_228 : vector<16xi32>
        %select_n3A_230 = arith.select %lt3A_226, %add3A_229, %broadcast_in_dim3A_84 : vector<16xi1>, vector<16xi32>
        %broadcast_in_dim3A_231 = vector.shape_cast %select_n3A_230 : vector<16xi32> to vector<16x1xi32>
        %gather3A_232 = vector.shape_cast %broadcast_in_dim3A_231 : vector<16x1xi32> to vector<16xi32>
        %gather3A_233 = tpu.dynamic_gather %add3A_130[%gather3A_232] in [0] : vector<16xf32>, vector<16xi32> -> vector<16xf32>
        %mul3A_234 = arith.mulf %gather3A_233, %get3A_37 : vector<16xf32>
        %add3A_235 = arith.addf %add3A_223, %mul3A_234 : vector<16xf32>
        %lt3A_236 = arith.constant 0 : i32
        %lt3A_237 = vector.broadcast %lt3A_236 : i32 to vector<16xi32>
        %lt3A_238 = arith.cmpi slt, %broadcast_in_dim3A_86, %lt3A_237 : vector<16xi32>
        %add3A_239 = arith.constant 16 : i32
        %add3A_240 = vector.broadcast %add3A_239 : i32 to vector<16xi32>
        %add3A_241 = arith.addi %broadcast_in_dim3A_86, %add3A_240 : vector<16xi32>
        %select_n3A_242 = arith.select %lt3A_238, %add3A_241, %broadcast_in_dim3A_86 : vector<16xi1>, vector<16xi32>
        %broadcast_in_dim3A_243 = vector.shape_cast %select_n3A_242 : vector<16xi32> to vector<16x1xi32>
        %gather3A_244 = vector.shape_cast %broadcast_in_dim3A_243 : vector<16x1xi32> to vector<16xi32>
        %gather3A_245 = tpu.dynamic_gather %add3A_130[%gather3A_244] in [0] : vector<16xf32>, vector<16xi32> -> vector<16xf32>
        %mul3A_246 = arith.mulf %gather3A_245, %get3A_41 : vector<16xf32>
        %add3A_247 = arith.addf %add3A_235, %mul3A_246 : vector<16xf32>
        %lt3A_248 = arith.constant 0 : i32
        %lt3A_249 = vector.broadcast %lt3A_248 : i32 to vector<16xi32>
        %lt3A_250 = arith.cmpi slt, %broadcast_in_dim3A_88, %lt3A_249 : vector<16xi32>
        %add3A_251 = arith.constant 16 : i32
        %add3A_252 = vector.broadcast %add3A_251 : i32 to vector<16xi32>
        %add3A_253 = arith.addi %broadcast_in_dim3A_88, %add3A_252 : vector<16xi32>
        %select_n3A_254 = arith.select %lt3A_250, %add3A_253, %broadcast_in_dim3A_88 : vector<16xi1>, vector<16xi32>
        %broadcast_in_dim3A_255 = vector.shape_cast %select_n3A_254 : vector<16xi32> to vector<16x1xi32>
        %gather3A_256 = vector.shape_cast %broadcast_in_dim3A_255 : vector<16x1xi32> to vector<16xi32>
        %gather3A_257 = tpu.dynamic_gather %add3A_130[%gather3A_256] in [0] : vector<16xf32>, vector<16xi32> -> vector<16xf32>
        %mul3A_258 = arith.mulf %gather3A_257, %get3A_45 : vector<16xf32>
        %add3A_259 = arith.addf %add3A_247, %mul3A_258 : vector<16xf32>
        %lt3A_260 = arith.constant 0 : i32
        %lt3A_261 = vector.broadcast %lt3A_260 : i32 to vector<16xi32>
        %lt3A_262 = arith.cmpi slt, %broadcast_in_dim3A_90, %lt3A_261 : vector<16xi32>
        %add3A_263 = arith.constant 16 : i32
        %add3A_264 = vector.broadcast %add3A_263 : i32 to vector<16xi32>
        %add3A_265 = arith.addi %broadcast_in_dim3A_90, %add3A_264 : vector<16xi32>
        %select_n3A_266 = arith.select %lt3A_262, %add3A_265, %broadcast_in_dim3A_90 : vector<16xi1>, vector<16xi32>
        %broadcast_in_dim3A_267 = vector.shape_cast %select_n3A_266 : vector<16xi32> to vector<16x1xi32>
        %gather3A_268 = vector.shape_cast %broadcast_in_dim3A_267 : vector<16x1xi32> to vector<16xi32>
        %gather3A_269 = tpu.dynamic_gather %add3A_130[%gather3A_268] in [0] : vector<16xf32>, vector<16xi32> -> vector<16xf32>
        %mul3A_270 = arith.mulf %gather3A_269, %get3A_49 : vector<16xf32>
        %add3A_271 = arith.addf %add3A_259, %mul3A_270 : vector<16xf32>
        %lt3A_272 = arith.constant 0 : i32
        %lt3A_273 = vector.broadcast %lt3A_272 : i32 to vector<16xi32>
        %lt3A_274 = arith.cmpi slt, %broadcast_in_dim3A_92, %lt3A_273 : vector<16xi32>
        %add3A_275 = arith.constant 16 : i32
        %add3A_276 = vector.broadcast %add3A_275 : i32 to vector<16xi32>
        %add3A_277 = arith.addi %broadcast_in_dim3A_92, %add3A_276 : vector<16xi32>
        %select_n3A_278 = arith.select %lt3A_274, %add3A_277, %broadcast_in_dim3A_92 : vector<16xi1>, vector<16xi32>
        %broadcast_in_dim3A_279 = vector.shape_cast %select_n3A_278 : vector<16xi32> to vector<16x1xi32>
        %gather3A_280 = vector.shape_cast %broadcast_in_dim3A_279 : vector<16x1xi32> to vector<16xi32>
        %gather3A_281 = tpu.dynamic_gather %add3A_130[%gather3A_280] in [0] : vector<16xf32>, vector<16xi32> -> vector<16xf32>
        %mul3A_282 = arith.mulf %gather3A_281, %get3A_53 : vector<16xf32>
        %add3A_283 = arith.addf %add3A_271, %mul3A_282 : vector<16xf32>
        %lt3A_284 = arith.constant 0 : i32
        %lt3A_285 = vector.broadcast %lt3A_284 : i32 to vector<16xi32>
        %lt3A_286 = arith.cmpi slt, %broadcast_in_dim3A_94, %lt3A_285 : vector<16xi32>
        %add3A_287 = arith.constant 16 : i32
        %add3A_288 = vector.broadcast %add3A_287 : i32 to vector<16xi32>
        %add3A_289 = arith.addi %broadcast_in_dim3A_94, %add3A_288 : vector<16xi32>
        %select_n3A_290 = arith.select %lt3A_286, %add3A_289, %broadcast_in_dim3A_94 : vector<16xi1>, vector<16xi32>
        %broadcast_in_dim3A_291 = vector.shape_cast %select_n3A_290 : vector<16xi32> to vector<16x1xi32>
        %gather3A_292 = vector.shape_cast %broadcast_in_dim3A_291 : vector<16x1xi32> to vector<16xi32>
        %gather3A_293 = tpu.dynamic_gather %add3A_130[%gather3A_292] in [0] : vector<16xf32>, vector<16xi32> -> vector<16xf32>
        %mul3A_294 = arith.mulf %gather3A_293, %get3A_57 : vector<16xf32>
        %add3A_295 = arith.addf %add3A_283, %mul3A_294 : vector<16xf32>
        %lt3A_296 = arith.constant 0 : i32
        %lt3A_297 = vector.broadcast %lt3A_296 : i32 to vector<16xi32>
        %lt3A_298 = arith.cmpi slt, %broadcast_in_dim3A_96, %lt3A_297 : vector<16xi32>
        %add3A_299 = arith.constant 16 : i32
        %add3A_300 = vector.broadcast %add3A_299 : i32 to vector<16xi32>
        %add3A_301 = arith.addi %broadcast_in_dim3A_96, %add3A_300 : vector<16xi32>
        %select_n3A_302 = arith.select %lt3A_298, %add3A_301, %broadcast_in_dim3A_96 : vector<16xi1>, vector<16xi32>
        %broadcast_in_dim3A_303 = vector.shape_cast %select_n3A_302 : vector<16xi32> to vector<16x1xi32>
        %gather3A_304 = vector.shape_cast %broadcast_in_dim3A_303 : vector<16x1xi32> to vector<16xi32>
        %gather3A_305 = tpu.dynamic_gather %add3A_130[%gather3A_304] in [0] : vector<16xf32>, vector<16xi32> -> vector<16xf32>
        %mul3A_306 = arith.mulf %gather3A_305, %get3A_61 : vector<16xf32>
        %add3A_307 = arith.addf %add3A_295, %mul3A_306 : vector<16xf32>
        %lt3A_308 = arith.constant 0 : i32
        %lt3A_309 = vector.broadcast %lt3A_308 : i32 to vector<16xi32>
        %lt3A_310 = arith.cmpi slt, %broadcast_in_dim3A_98, %lt3A_309 : vector<16xi32>
        %add3A_311 = arith.constant 16 : i32
        %add3A_312 = vector.broadcast %add3A_311 : i32 to vector<16xi32>
        %add3A_313 = arith.addi %broadcast_in_dim3A_98, %add3A_312 : vector<16xi32>
        %select_n3A_314 = arith.select %lt3A_310, %add3A_313, %broadcast_in_dim3A_98 : vector<16xi1>, vector<16xi32>
        %broadcast_in_dim3A_315 = vector.shape_cast %select_n3A_314 : vector<16xi32> to vector<16x1xi32>
        %gather3A_316 = vector.shape_cast %broadcast_in_dim3A_315 : vector<16x1xi32> to vector<16xi32>
        %gather3A_317 = tpu.dynamic_gather %add3A_130[%gather3A_316] in [0] : vector<16xf32>, vector<16xi32> -> vector<16xf32>
        %mul3A_318 = arith.mulf %gather3A_317, %get3A_65 : vector<16xf32>
        %add3A_319 = arith.addf %add3A_307, %mul3A_318 : vector<16xf32>
        %max3A = arith.constant 0.000000e+00 : f32
        %max3A_320 = vector.broadcast %max3A : f32 to vector<16xf32>
        %max3A_321 = arith.maximumf %add3A_319, %max3A_320 : vector<16xf32>
        %swap3A = arith.index_cast %scan3A_123 : i32 to index
        %swap3A_322 = arith.constant 0 : index
        %swap3A_323 = tpu.vector_load %arg8[%swap3A, %swap3A_322] {strides = array<i32>} : memref<782x16xf32, #tpu.memory_space<vmem>>, vector<16xf32>,
        tpu.vector_store %arg8[%swap3A, %swap3A_322], %max3A_321 {strides = array<i32>} : memref<782x16xf32, #tpu.memory_space<vmem>>, vector<16xf32>,
      }
      %scan3A_114 = arith.constant 782 : i32
      %eq3A = arith.constant 31 : i32
      %eq3A_115 = arith.cmpi eq, %add3A, %eq3A : i32
      %eq3A_116 = arith.constant 3 : i32
      %eq3A_117 = arith.cmpi eq, %scan3A_104, %eq3A_116 : i32
      %and3A = arith.andi %eq3A_115, %eq3A_117 : i1
      %not3A = arith.constant true
      %not3A_118 = arith.xori %and3A, %not3A : i1
      %convert_element_type3A = arith.extui %not3A_118 : i1 to i32
      %cond3A = arith.constant 0 : i32
      %cond3A_119 = arith.cmpi ne, %convert_element_type3A, %cond3A : i32
      scf.if %cond3A_119 {
        "tpu.region"() ({
          %run_scoped3A_123 = tpu.sem_alloc : memref<!tpu.dma_semaphore, #tpu.memory_space<semaphore_mem>>
          %dma_start3A = arith.constant 0 : i32
          %dma_start3A_124 = tpu.memref_slice %arg5[%add3A_107, %dma_start3A] : memref<100000x16xf32, #tpu.memory_space<hbm>> -> memref<782x16xf32, #tpu.memory_space<hbm>>
          %dma_start3A_125 = arith.constant 0 : i32
          %dma_start3A_126 = tpu.memref_slice %arg5[%add3A_107, %dma_start3A_125] : memref<100000x16xf32, #tpu.memory_space<hbm>> -> memref<782x16xf32, #tpu.memory_space<hbm>>
          tpu.enqueue_dma source(%arg8 : memref<782x16xf32, #tpu.memory_space<vmem>>) target(%dma_start3A_126 : memref<782x16xf32, #tpu.memory_space<hbm>>) target_semaphore(%run_scoped3A_123 : memref<!tpu.dma_semaphore, #tpu.memory_space<semaphore_mem>>)
          %dma_wait3A = arith.constant 0 : i32
          %dma_wait3A_127 = tpu.memref_slice %arg5[%add3A_107, %dma_wait3A] : memref<100000x16xf32, #tpu.memory_space<hbm>> -> memref<782x16xf32, #tpu.memory_space<hbm>>
          %dma_wait3A_128 = arith.constant 0 : i32
          %dma_wait3A_129 = tpu.memref_slice %arg5[%add3A_107, %dma_wait3A_128] : memref<100000x16xf32, #tpu.memory_space<hbm>> -> memref<782x16xf32, #tpu.memory_space<hbm>>
          tpu.wait_dma2 semaphore(%run_scoped3A_123 : memref<!tpu.dma_semaphore, #tpu.memory_space<semaphore_mem>>) src(%arg8 : memref<782x16xf32, #tpu.memory_space<vmem>>) dst(%dma_wait3A_129 : memref<782x16xf32, #tpu.memory_space<hbm>>)
          tpu.yield
        }) : () -> ()
      } else {
      }
      %convert_element_type3A_120 = arith.extui %and3A : i1 to i32
      %cond3A_121 = arith.constant 0 : i32
      %cond3A_122 = arith.cmpi ne, %convert_element_type3A_120, %cond3A_121 : i32
      scf.if %cond3A_122 {
        "tpu.region"() ({
          %run_scoped3A_123 = tpu.sem_alloc : memref<!tpu.dma_semaphore, #tpu.memory_space<semaphore_mem>>
          %dma_start3A = arith.constant 0 : i32
          %dma_start3A_124 = arith.constant 0 : i32
          %dma_start3A_125 = tpu.memref_slice %arg8[%dma_start3A, %dma_start3A_124] : memref<782x16xf32, #tpu.memory_space<vmem>> -> memref<686x16xf32, #tpu.memory_space<vmem>>
          %dma_start3A_126 = arith.constant 0 : i32
          %dma_start3A_127 = tpu.memref_slice %arg5[%add3A_107, %dma_start3A_126] : memref<100000x16xf32, #tpu.memory_space<hbm>> -> memref<686x16xf32, #tpu.memory_space<hbm>>
          %dma_start3A_128 = arith.constant 0 : i32
          %dma_start3A_129 = tpu.memref_slice %arg5[%add3A_107, %dma_start3A_128] : memref<100000x16xf32, #tpu.memory_space<hbm>> -> memref<686x16xf32, #tpu.memory_space<hbm>>
          %dma_start3A_130 = arith.constant 0 : i32
          %dma_start3A_131 = arith.constant 0 : i32
          %dma_start3A_132 = tpu.memref_slice %arg8[%dma_start3A_130, %dma_start3A_131] : memref<782x16xf32, #tpu.memory_space<vmem>> -> memref<686x16xf32, #tpu.memory_space<vmem>>
          tpu.enqueue_dma source(%dma_start3A_132 : memref<686x16xf32, #tpu.memory_space<vmem>>) target(%dma_start3A_129 : memref<686x16xf32, #tpu.memory_space<hbm>>) target_semaphore(%run_scoped3A_123 : memref<!tpu.dma_semaphore, #tpu.memory_space<semaphore_mem>>)
          %dma_wait3A = arith.constant 0 : i32
          %dma_wait3A_133 = arith.constant 0 : i32
          %dma_wait3A_134 = tpu.memref_slice %arg8[%dma_wait3A, %dma_wait3A_133] : memref<782x16xf32, #tpu.memory_space<vmem>> -> memref<686x16xf32, #tpu.memory_space<vmem>>
          %dma_wait3A_135 = arith.constant 0 : i32
          %dma_wait3A_136 = tpu.memref_slice %arg5[%add3A_107, %dma_wait3A_135] : memref<100000x16xf32, #tpu.memory_space<hbm>> -> memref<686x16xf32, #tpu.memory_space<hbm>>
          %dma_wait3A_137 = arith.constant 0 : i32
          %dma_wait3A_138 = tpu.memref_slice %arg5[%add3A_107, %dma_wait3A_137] : memref<100000x16xf32, #tpu.memory_space<hbm>> -> memref<686x16xf32, #tpu.memory_space<hbm>>
          %dma_wait3A_139 = arith.constant 0 : i32
          %dma_wait3A_140 = arith.constant 0 : i32
          %dma_wait3A_141 = tpu.memref_slice %arg8[%dma_wait3A_139, %dma_wait3A_140] : memref<782x16xf32, #tpu.memory_space<vmem>> -> memref<686x16xf32, #tpu.memory_space<vmem>>
          tpu.wait_dma2 semaphore(%run_scoped3A_123 : memref<!tpu.dma_semaphore, #tpu.memory_space<semaphore_mem>>) src(%dma_wait3A_141 : memref<686x16xf32, #tpu.memory_space<vmem>>) dst(%dma_wait3A_138 : memref<686x16xf32, #tpu.memory_space<hbm>>)
          tpu.yield
        }) : () -> ()
      } else {
      }
    }
    %scan3A_103 = arith.constant 4 : i32
    return
  }
}

#map = affine_map<(d0, d1) -> (0, 0, 0)>
#map1 = affine_map<(d0, d1) -> (0, 0)>
#map2 = affine_map<(d0, d1) -> (0)>
module attributes {stable_mosaic.version = 14 : i64} {
  func.func @combine_kernel(%arg0: i32, %arg1: i32, %arg2: memref<2x100096x16xf32, #tpu.memory_space<hbm>>, %arg3: memref<16x16xf32, #tpu.memory_space<hbm>>, %arg4: memref<16xf32, #tpu.memory_space<hbm>>, %arg5: memref<100000x16xf32, #tpu.memory_space<hbm>>, %arg6: memref<782x16xf32, #tpu.memory_space<vmem>>, %arg7: memref<782x16xf32, #tpu.memory_space<vmem>>, %arg8: memref<782x16xf32, #tpu.memory_space<vmem>>, %arg9: memref<16x16xf32, #tpu.memory_space<vmem>>, %arg10: memref<16xf32, #tpu.memory_space<vmem>>) attributes {dimension_semantics = [#tpu.dimension_semantics<core_parallel>, #tpu.dimension_semantics<subcore_parallel>], iteration_bounds = array<i64: 2, 16>, scalar_prefetch = 0 : i64, scratch_operands = 5 : i64, tpu.core_type = #tpu.core_type<sc_vector_subcore>, window_params = [{transform_indices = #map}, {transform_indices = #map1}, {transform_indices = #map2}, {transform_indices = #map1}]} {
    %mul3A = arith.constant 16 : i32
    %mul3A_0 = arith.muli %arg0, %mul3A : i32
    %add3A = arith.addi %mul3A_0, %arg1 : i32
    %mul3A_1 = arith.constant 3128 : i32
    %mul3A_2 = arith.muli %add3A, %mul3A_1 : i32
    "tpu.region"() ({
      %run_scoped3A = tpu.sem_alloc : memref<!tpu.dma_semaphore, #tpu.memory_space<semaphore_mem>>
      tpu.enqueue_dma source(%arg3 : memref<16x16xf32, #tpu.memory_space<hbm>>) target(%arg9 : memref<16x16xf32, #tpu.memory_space<vmem>>) target_semaphore(%run_scoped3A : memref<!tpu.dma_semaphore, #tpu.memory_space<semaphore_mem>>)
      tpu.wait_dma2 semaphore(%run_scoped3A : memref<!tpu.dma_semaphore, #tpu.memory_space<semaphore_mem>>) src(%arg3 : memref<16x16xf32, #tpu.memory_space<hbm>>) dst(%arg9 : memref<16x16xf32, #tpu.memory_space<vmem>>)
      tpu.yield
    }) : () -> ()
    "tpu.region"() ({
      %run_scoped3A = tpu.sem_alloc : memref<!tpu.dma_semaphore, #tpu.memory_space<semaphore_mem>>
      tpu.enqueue_dma source(%arg4 : memref<16xf32, #tpu.memory_space<hbm>>) target(%arg10 : memref<16xf32, #tpu.memory_space<vmem>>) target_semaphore(%run_scoped3A : memref<!tpu.dma_semaphore, #tpu.memory_space<semaphore_mem>>)
      tpu.wait_dma2 semaphore(%run_scoped3A : memref<!tpu.dma_semaphore, #tpu.memory_space<semaphore_mem>>) src(%arg4 : memref<16xf32, #tpu.memory_space<hbm>>) dst(%arg10 : memref<16xf32, #tpu.memory_space<vmem>>)
      tpu.yield
    }) : () -> ()
    %get3A = arith.constant 0 : i32
    %get3A_3 = arith.index_cast %get3A : i32 to index
    %get3A_4 = arith.constant 0 : index
    %get3A_5 = tpu.vector_load %arg9[%get3A_3, %get3A_4] {strides = array<i32>} : memref<16x16xf32, #tpu.memory_space<vmem>>, vector<16xf32>,
    %get3A_6 = arith.constant 1 : i32
    %get3A_7 = arith.index_cast %get3A_6 : i32 to index
    %get3A_8 = arith.constant 0 : index
    %get3A_9 = tpu.vector_load %arg9[%get3A_7, %get3A_8] {strides = array<i32>} : memref<16x16xf32, #tpu.memory_space<vmem>>, vector<16xf32>,
    %get3A_10 = arith.constant 2 : i32
    %get3A_11 = arith.index_cast %get3A_10 : i32 to index
    %get3A_12 = arith.constant 0 : index
    %get3A_13 = tpu.vector_load %arg9[%get3A_11, %get3A_12] {strides = array<i32>} : memref<16x16xf32, #tpu.memory_space<vmem>>, vector<16xf32>,
    %get3A_14 = arith.constant 3 : i32
    %get3A_15 = arith.index_cast %get3A_14 : i32 to index
    %get3A_16 = arith.constant 0 : index
    %get3A_17 = tpu.vector_load %arg9[%get3A_15, %get3A_16] {strides = array<i32>} : memref<16x16xf32, #tpu.memory_space<vmem>>, vector<16xf32>,
    %get3A_18 = arith.constant 4 : i32
    %get3A_19 = arith.index_cast %get3A_18 : i32 to index
    %get3A_20 = arith.constant 0 : index
    %get3A_21 = tpu.vector_load %arg9[%get3A_19, %get3A_20] {strides = array<i32>} : memref<16x16xf32, #tpu.memory_space<vmem>>, vector<16xf32>,
    %get3A_22 = arith.constant 5 : i32
    %get3A_23 = arith.index_cast %get3A_22 : i32 to index
    %get3A_24 = arith.constant 0 : index
    %get3A_25 = tpu.vector_load %arg9[%get3A_23, %get3A_24] {strides = array<i32>} : memref<16x16xf32, #tpu.memory_space<vmem>>, vector<16xf32>,
    %get3A_26 = arith.constant 6 : i32
    %get3A_27 = arith.index_cast %get3A_26 : i32 to index
    %get3A_28 = arith.constant 0 : index
    %get3A_29 = tpu.vector_load %arg9[%get3A_27, %get3A_28] {strides = array<i32>} : memref<16x16xf32, #tpu.memory_space<vmem>>, vector<16xf32>,
    %get3A_30 = arith.constant 7 : i32
    %get3A_31 = arith.index_cast %get3A_30 : i32 to index
    %get3A_32 = arith.constant 0 : index
    %get3A_33 = tpu.vector_load %arg9[%get3A_31, %get3A_32] {strides = array<i32>} : memref<16x16xf32, #tpu.memory_space<vmem>>, vector<16xf32>,
    %get3A_34 = arith.constant 8 : i32
    %get3A_35 = arith.index_cast %get3A_34 : i32 to index
    %get3A_36 = arith.constant 0 : index
    %get3A_37 = tpu.vector_load %arg9[%get3A_35, %get3A_36] {strides = array<i32>} : memref<16x16xf32, #tpu.memory_space<vmem>>, vector<16xf32>,
    %get3A_38 = arith.constant 9 : i32
    %get3A_39 = arith.index_cast %get3A_38 : i32 to index
    %get3A_40 = arith.constant 0 : index
    %get3A_41 = tpu.vector_load %arg9[%get3A_39, %get3A_40] {strides = array<i32>} : memref<16x16xf32, #tpu.memory_space<vmem>>, vector<16xf32>,
    %get3A_42 = arith.constant 10 : i32
    %get3A_43 = arith.index_cast %get3A_42 : i32 to index
    %get3A_44 = arith.constant 0 : index
    %get3A_45 = tpu.vector_load %arg9[%get3A_43, %get3A_44] {strides = array<i32>} : memref<16x16xf32, #tpu.memory_space<vmem>>, vector<16xf32>,
    %get3A_46 = arith.constant 11 : i32
    %get3A_47 = arith.index_cast %get3A_46 : i32 to index
    %get3A_48 = arith.constant 0 : index
    %get3A_49 = tpu.vector_load %arg9[%get3A_47, %get3A_48] {strides = array<i32>} : memref<16x16xf32, #tpu.memory_space<vmem>>, vector<16xf32>,
    %get3A_50 = arith.constant 12 : i32
    %get3A_51 = arith.index_cast %get3A_50 : i32 to index
    %get3A_52 = arith.constant 0 : index
    %get3A_53 = tpu.vector_load %arg9[%get3A_51, %get3A_52] {strides = array<i32>} : memref<16x16xf32, #tpu.memory_space<vmem>>, vector<16xf32>,
    %get3A_54 = arith.constant 13 : i32
    %get3A_55 = arith.index_cast %get3A_54 : i32 to index
    %get3A_56 = arith.constant 0 : index
    %get3A_57 = tpu.vector_load %arg9[%get3A_55, %get3A_56] {strides = array<i32>} : memref<16x16xf32, #tpu.memory_space<vmem>>, vector<16xf32>,
    %get3A_58 = arith.constant 14 : i32
    %get3A_59 = arith.index_cast %get3A_58 : i32 to index
    %get3A_60 = arith.constant 0 : index
    %get3A_61 = tpu.vector_load %arg9[%get3A_59, %get3A_60] {strides = array<i32>} : memref<16x16xf32, #tpu.memory_space<vmem>>, vector<16xf32>,
    %get3A_62 = arith.constant 15 : i32
    %get3A_63 = arith.index_cast %get3A_62 : i32 to index
    %get3A_64 = arith.constant 0 : index
    %get3A_65 = tpu.vector_load %arg9[%get3A_63, %get3A_64] {strides = array<i32>} : memref<16x16xf32, #tpu.memory_space<vmem>>, vector<16xf32>,
    %get3A_66 = arith.constant 0 : index
    %get3A_67 = tpu.vector_load %arg10[%get3A_66] {strides = array<i32>} : memref<16xf32, #tpu.memory_space<vmem>>, vector<16xf32>,
    %broadcast_in_dim3A = arith.constant 0 : i32
    %broadcast_in_dim3A_68 = vector.broadcast %broadcast_in_dim3A : i32 to vector<16xi32>
    %broadcast_in_dim3A_69 = arith.constant 1 : i32
    %broadcast_in_dim3A_70 = vector.broadcast %broadcast_in_dim3A_69 : i32 to vector<16xi32>
    %broadcast_in_dim3A_71 = arith.constant 2 : i32
    %broadcast_in_dim3A_72 = vector.broadcast %broadcast_in_dim3A_71 : i32 to vector<16xi32>
    %broadcast_in_dim3A_73 = arith.constant 3 : i32
    %broadcast_in_dim3A_74 = vector.broadcast %broadcast_in_dim3A_73 : i32 to vector<16xi32>
    %broadcast_in_dim3A_75 = arith.constant 4 : i32
    %broadcast_in_dim3A_76 = vector.broadcast %broadcast_in_dim3A_75 : i32 to vector<16xi32>
    %broadcast_in_dim3A_77 = arith.constant 5 : i32
    %broadcast_in_dim3A_78 = vector.broadcast %broadcast_in_dim3A_77 : i32 to vector<16xi32>
    %broadcast_in_dim3A_79 = arith.constant 6 : i32
    %broadcast_in_dim3A_80 = vector.broadcast %broadcast_in_dim3A_79 : i32 to vector<16xi32>
    %broadcast_in_dim3A_81 = arith.constant 7 : i32
    %broadcast_in_dim3A_82 = vector.broadcast %broadcast_in_dim3A_81 : i32 to vector<16xi32>
    %broadcast_in_dim3A_83 = arith.constant 8 : i32
    %broadcast_in_dim3A_84 = vector.broadcast %broadcast_in_dim3A_83 : i32 to vector<16xi32>
    %broadcast_in_dim3A_85 = arith.constant 9 : i32
    %broadcast_in_dim3A_86 = vector.broadcast %broadcast_in_dim3A_85 : i32 to vector<16xi32>
    %broadcast_in_dim3A_87 = arith.constant 10 : i32
    %broadcast_in_dim3A_88 = vector.broadcast %broadcast_in_dim3A_87 : i32 to vector<16xi32>
    %broadcast_in_dim3A_89 = arith.constant 11 : i32
    %broadcast_in_dim3A_90 = vector.broadcast %broadcast_in_dim3A_89 : i32 to vector<16xi32>
    %broadcast_in_dim3A_91 = arith.constant 12 : i32
    %broadcast_in_dim3A_92 = vector.broadcast %broadcast_in_dim3A_91 : i32 to vector<16xi32>
    %broadcast_in_dim3A_93 = arith.constant 13 : i32
    %broadcast_in_dim3A_94 = vector.broadcast %broadcast_in_dim3A_93 : i32 to vector<16xi32>
    %broadcast_in_dim3A_95 = arith.constant 14 : i32
    %broadcast_in_dim3A_96 = vector.broadcast %broadcast_in_dim3A_95 : i32 to vector<16xi32>
    %broadcast_in_dim3A_97 = arith.constant 15 : i32
    %broadcast_in_dim3A_98 = vector.broadcast %broadcast_in_dim3A_97 : i32 to vector<16xi32>
    %scan3A = arith.constant 0 : i32
    %scan3A_99 = arith.constant 0 : i32
    %scan3A_100 = arith.constant 4 : i32
    %scan3A_101 = arith.addi %scan3A_99, %scan3A_100 : i32
    %scan3A_102 = arith.constant 1 : i32
    scf.for %scan3A_104 = %scan3A_99 to %scan3A_101 step %scan3A_102  : i32 {
      %mul3A_105 = arith.constant 782 : i32
      %mul3A_106 = arith.muli %scan3A_104, %mul3A_105 : i32
      %add3A_107 = arith.addi %mul3A_2, %mul3A_106 : i32
      %run_scoped3A = arith.constant 0 : i32
      "tpu.region"() ({
        %run_scoped3A_123 = tpu.sem_alloc : memref<!tpu.dma_semaphore, #tpu.memory_space<semaphore_mem>>
        %dma_start3A = arith.constant 0 : i32
        %dma_start3A_124 = tpu.memref_slice %arg2[%run_scoped3A, %add3A_107, %dma_start3A] : memref<2x100096x16xf32, #tpu.memory_space<hbm>> -> memref<1x782x16xf32, #tpu.memory_space<hbm>>
        %dma_start3A_125 = tpu.memref_squeeze %dma_start3A_124 : memref<1x782x16xf32, #tpu.memory_space<hbm>> -> memref<782x16xf32, #tpu.memory_space<hbm>>
        %dma_start3A_126 = arith.constant 0 : i32
        %dma_start3A_127 = tpu.memref_slice %arg2[%run_scoped3A, %add3A_107, %dma_start3A_126] : memref<2x100096x16xf32, #tpu.memory_space<hbm>> -> memref<1x782x16xf32, #tpu.memory_space<hbm>>
        %dma_start3A_128 = tpu.memref_squeeze %dma_start3A_127 : memref<1x782x16xf32, #tpu.memory_space<hbm>> -> memref<782x16xf32, #tpu.memory_space<hbm>>
        tpu.enqueue_dma source(%dma_start3A_128 : memref<782x16xf32, #tpu.memory_space<hbm>>) target(%arg6 : memref<782x16xf32, #tpu.memory_space<vmem>>) target_semaphore(%run_scoped3A_123 : memref<!tpu.dma_semaphore, #tpu.memory_space<semaphore_mem>>)
        %dma_wait3A = arith.constant 0 : i32
        %dma_wait3A_129 = tpu.memref_slice %arg2[%run_scoped3A, %add3A_107, %dma_wait3A] : memref<2x100096x16xf32, #tpu.memory_space<hbm>> -> memref<1x782x16xf32, #tpu.memory_space<hbm>>
        %dma_wait3A_130 = tpu.memref_squeeze %dma_wait3A_129 : memref<1x782x16xf32, #tpu.memory_space<hbm>> -> memref<782x16xf32, #tpu.memory_space<hbm>>
        %dma_wait3A_131 = arith.constant 0 : i32
        %dma_wait3A_132 = tpu.memref_slice %arg2[%run_scoped3A, %add3A_107, %dma_wait3A_131] : memref<2x100096x16xf32, #tpu.memory_space<hbm>> -> memref<1x782x16xf32, #tpu.memory_space<hbm>>
        %dma_wait3A_133 = tpu.memref_squeeze %dma_wait3A_132 : memref<1x782x16xf32, #tpu.memory_space<hbm>> -> memref<782x16xf32, #tpu.memory_space<hbm>>
        tpu.wait_dma2 semaphore(%run_scoped3A_123 : memref<!tpu.dma_semaphore, #tpu.memory_space<semaphore_mem>>) src(%dma_wait3A_133 : memref<782x16xf32, #tpu.memory_space<hbm>>) dst(%arg6 : memref<782x16xf32, #tpu.memory_space<vmem>>)
        tpu.yield
      }) : () -> ()
      %run_scoped3A_108 = arith.constant 1 : i32
      "tpu.region"() ({
        %run_scoped3A_123 = tpu.sem_alloc : memref<!tpu.dma_semaphore, #tpu.memory_space<semaphore_mem>>
        %dma_start3A = arith.constant 0 : i32
        %dma_start3A_124 = tpu.memref_slice %arg2[%run_scoped3A_108, %add3A_107, %dma_start3A] : memref<2x100096x16xf32, #tpu.memory_space<hbm>> -> memref<1x782x16xf32, #tpu.memory_space<hbm>>
        %dma_start3A_125 = tpu.memref_squeeze %dma_start3A_124 : memref<1x782x16xf32, #tpu.memory_space<hbm>> -> memref<782x16xf32, #tpu.memory_space<hbm>>
        %dma_start3A_126 = arith.constant 0 : i32
        %dma_start3A_127 = tpu.memref_slice %arg2[%run_scoped3A_108, %add3A_107, %dma_start3A_126] : memref<2x100096x16xf32, #tpu.memory_space<hbm>> -> memref<1x782x16xf32, #tpu.memory_space<hbm>>
        %dma_start3A_128 = tpu.memref_squeeze %dma_start3A_127 : memref<1x782x16xf32, #tpu.memory_space<hbm>> -> memref<782x16xf32, #tpu.memory_space<hbm>>
        tpu.enqueue_dma source(%dma_start3A_128 : memref<782x16xf32, #tpu.memory_space<hbm>>) target(%arg7 : memref<782x16xf32, #tpu.memory_space<vmem>>) target_semaphore(%run_scoped3A_123 : memref<!tpu.dma_semaphore, #tpu.memory_space<semaphore_mem>>)
        %dma_wait3A = arith.constant 0 : i32
        %dma_wait3A_129 = tpu.memref_slice %arg2[%run_scoped3A_108, %add3A_107, %dma_wait3A] : memref<2x100096x16xf32, #tpu.memory_space<hbm>> -> memref<1x782x16xf32, #tpu.memory_space<hbm>>
        %dma_wait3A_130 = tpu.memref_squeeze %dma_wait3A_129 : memref<1x782x16xf32, #tpu.memory_space<hbm>> -> memref<782x16xf32, #tpu.memory_space<hbm>>
        %dma_wait3A_131 = arith.constant 0 : i32
        %dma_wait3A_132 = tpu.memref_slice %arg2[%run_scoped3A_108, %add3A_107, %dma_wait3A_131] : memref<2x100096x16xf32, #tpu.memory_space<hbm>> -> memref<1x782x16xf32, #tpu.memory_space<hbm>>
        %dma_wait3A_133 = tpu.memref_squeeze %dma_wait3A_132 : memref<1x782x16xf32, #tpu.memory_space<hbm>> -> memref<782x16xf32, #tpu.memory_space<hbm>>
        tpu.wait_dma2 semaphore(%run_scoped3A_123 : memref<!tpu.dma_semaphore, #tpu.memory_space<semaphore_mem>>) src(%dma_wait3A_133 : memref<782x16xf32, #tpu.memory_space<hbm>>) dst(%arg7 : memref<782x16xf32, #tpu.memory_space<vmem>>)
        tpu.yield
      }) : () -> ()
      %scan3A_109 = arith.constant 0 : i32
      %scan3A_110 = arith.constant 0 : i32
      %scan3A_111 = arith.constant 782 : i32
      %scan3A_112 = arith.addi %scan3A_110, %scan3A_111 : i32
      %scan3A_113 = arith.constant 1 : i32
      scf.for %scan3A_123 = %scan3A_110 to %scan3A_112 step %scan3A_113  : i32 {
        %get3A_124 = arith.index_cast %scan3A_123 : i32 to index
        %get3A_125 = arith.constant 0 : index
        %get3A_126 = tpu.vector_load %arg6[%get3A_124, %get3A_125] {strides = array<i32>} : memref<782x16xf32, #tpu.memory_space<vmem>>, vector<16xf32>,
        %get3A_127 = arith.index_cast %scan3A_123 : i32 to index
        %get3A_128 = arith.constant 0 : index
        %get3A_129 = tpu.vector_load %arg7[%get3A_127, %get3A_128] {strides = array<i32>} : memref<782x16xf32, #tpu.memory_space<vmem>>, vector<16xf32>,
        %add3A_130 = arith.addf %get3A_126, %get3A_129 : vector<16xf32>
        %lt3A = arith.constant 0 : i32
        %lt3A_131 = vector.broadcast %lt3A : i32 to vector<16xi32>
        %lt3A_132 = arith.cmpi slt, %broadcast_in_dim3A_68, %lt3A_131 : vector<16xi32>
        %add3A_133 = arith.constant 16 : i32
        %add3A_134 = vector.broadcast %add3A_133 : i32 to vector<16xi32>
        %add3A_135 = arith.addi %broadcast_in_dim3A_68, %add3A_134 : vector<16xi32>
        %select_n3A = arith.select %lt3A_132, %add3A_135, %broadcast_in_dim3A_68 : vector<16xi1>, vector<16xi32>
        %broadcast_in_dim3A_136 = vector.shape_cast %select_n3A : vector<16xi32> to vector<16x1xi32>
        %gather3A = vector.shape_cast %broadcast_in_dim3A_136 : vector<16x1xi32> to vector<16xi32>
        %gather3A_137 = tpu.dynamic_gather %add3A_130[%gather3A] in [0] : vector<16xf32>, vector<16xi32> -> vector<16xf32>
        %mul3A_138 = arith.mulf %gather3A_137, %get3A_5 : vector<16xf32>
        %add3A_139 = arith.addf %get3A_67, %mul3A_138 : vector<16xf32>
        %lt3A_140 = arith.constant 0 : i32
        %lt3A_141 = vector.broadcast %lt3A_140 : i32 to vector<16xi32>
        %lt3A_142 = arith.cmpi slt, %broadcast_in_dim3A_70, %lt3A_141 : vector<16xi32>
        %add3A_143 = arith.constant 16 : i32
        %add3A_144 = vector.broadcast %add3A_143 : i32 to vector<16xi32>
        %add3A_145 = arith.addi %broadcast_in_dim3A_70, %add3A_144 : vector<16xi32>
        %select_n3A_146 = arith.select %lt3A_142, %add3A_145, %broadcast_in_dim3A_70 : vector<16xi1>, vector<16xi32>
        %broadcast_in_dim3A_147 = vector.shape_cast %select_n3A_146 : vector<16xi32> to vector<16x1xi32>
        %gather3A_148 = vector.shape_cast %broadcast_in_dim3A_147 : vector<16x1xi32> to vector<16xi32>
        %gather3A_149 = tpu.dynamic_gather %add3A_130[%gather3A_148] in [0] : vector<16xf32>, vector<16xi32> -> vector<16xf32>
        %mul3A_150 = arith.mulf %gather3A_149, %get3A_9 : vector<16xf32>
        %add3A_151 = arith.addf %add3A_139, %mul3A_150 : vector<16xf32>
        %lt3A_152 = arith.constant 0 : i32
        %lt3A_153 = vector.broadcast %lt3A_152 : i32 to vector<16xi32>
        %lt3A_154 = arith.cmpi slt, %broadcast_in_dim3A_72, %lt3A_153 : vector<16xi32>
        %add3A_155 = arith.constant 16 : i32
        %add3A_156 = vector.broadcast %add3A_155 : i32 to vector<16xi32>
        %add3A_157 = arith.addi %broadcast_in_dim3A_72, %add3A_156 : vector<16xi32>
        %select_n3A_158 = arith.select %lt3A_154, %add3A_157, %broadcast_in_dim3A_72 : vector<16xi1>, vector<16xi32>
        %broadcast_in_dim3A_159 = vector.shape_cast %select_n3A_158 : vector<16xi32> to vector<16x1xi32>
        %gather3A_160 = vector.shape_cast %broadcast_in_dim3A_159 : vector<16x1xi32> to vector<16xi32>
        %gather3A_161 = tpu.dynamic_gather %add3A_130[%gather3A_160] in [0] : vector<16xf32>, vector<16xi32> -> vector<16xf32>
        %mul3A_162 = arith.mulf %gather3A_161, %get3A_13 : vector<16xf32>
        %add3A_163 = arith.addf %add3A_151, %mul3A_162 : vector<16xf32>
        %lt3A_164 = arith.constant 0 : i32
        %lt3A_165 = vector.broadcast %lt3A_164 : i32 to vector<16xi32>
        %lt3A_166 = arith.cmpi slt, %broadcast_in_dim3A_74, %lt3A_165 : vector<16xi32>
        %add3A_167 = arith.constant 16 : i32
        %add3A_168 = vector.broadcast %add3A_167 : i32 to vector<16xi32>
        %add3A_169 = arith.addi %broadcast_in_dim3A_74, %add3A_168 : vector<16xi32>
        %select_n3A_170 = arith.select %lt3A_166, %add3A_169, %broadcast_in_dim3A_74 : vector<16xi1>, vector<16xi32>
        %broadcast_in_dim3A_171 = vector.shape_cast %select_n3A_170 : vector<16xi32> to vector<16x1xi32>
        %gather3A_172 = vector.shape_cast %broadcast_in_dim3A_171 : vector<16x1xi32> to vector<16xi32>
        %gather3A_173 = tpu.dynamic_gather %add3A_130[%gather3A_172] in [0] : vector<16xf32>, vector<16xi32> -> vector<16xf32>
        %mul3A_174 = arith.mulf %gather3A_173, %get3A_17 : vector<16xf32>
        %add3A_175 = arith.addf %add3A_163, %mul3A_174 : vector<16xf32>
        %lt3A_176 = arith.constant 0 : i32
        %lt3A_177 = vector.broadcast %lt3A_176 : i32 to vector<16xi32>
        %lt3A_178 = arith.cmpi slt, %broadcast_in_dim3A_76, %lt3A_177 : vector<16xi32>
        %add3A_179 = arith.constant 16 : i32
        %add3A_180 = vector.broadcast %add3A_179 : i32 to vector<16xi32>
        %add3A_181 = arith.addi %broadcast_in_dim3A_76, %add3A_180 : vector<16xi32>
        %select_n3A_182 = arith.select %lt3A_178, %add3A_181, %broadcast_in_dim3A_76 : vector<16xi1>, vector<16xi32>
        %broadcast_in_dim3A_183 = vector.shape_cast %select_n3A_182 : vector<16xi32> to vector<16x1xi32>
        %gather3A_184 = vector.shape_cast %broadcast_in_dim3A_183 : vector<16x1xi32> to vector<16xi32>
        %gather3A_185 = tpu.dynamic_gather %add3A_130[%gather3A_184] in [0] : vector<16xf32>, vector<16xi32> -> vector<16xf32>
        %mul3A_186 = arith.mulf %gather3A_185, %get3A_21 : vector<16xf32>
        %add3A_187 = arith.addf %add3A_175, %mul3A_186 : vector<16xf32>
        %lt3A_188 = arith.constant 0 : i32
        %lt3A_189 = vector.broadcast %lt3A_188 : i32 to vector<16xi32>
        %lt3A_190 = arith.cmpi slt, %broadcast_in_dim3A_78, %lt3A_189 : vector<16xi32>
        %add3A_191 = arith.constant 16 : i32
        %add3A_192 = vector.broadcast %add3A_191 : i32 to vector<16xi32>
        %add3A_193 = arith.addi %broadcast_in_dim3A_78, %add3A_192 : vector<16xi32>
        %select_n3A_194 = arith.select %lt3A_190, %add3A_193, %broadcast_in_dim3A_78 : vector<16xi1>, vector<16xi32>
        %broadcast_in_dim3A_195 = vector.shape_cast %select_n3A_194 : vector<16xi32> to vector<16x1xi32>
        %gather3A_196 = vector.shape_cast %broadcast_in_dim3A_195 : vector<16x1xi32> to vector<16xi32>
        %gather3A_197 = tpu.dynamic_gather %add3A_130[%gather3A_196] in [0] : vector<16xf32>, vector<16xi32> -> vector<16xf32>
        %mul3A_198 = arith.mulf %gather3A_197, %get3A_25 : vector<16xf32>
        %add3A_199 = arith.addf %add3A_187, %mul3A_198 : vector<16xf32>
        %lt3A_200 = arith.constant 0 : i32
        %lt3A_201 = vector.broadcast %lt3A_200 : i32 to vector<16xi32>
        %lt3A_202 = arith.cmpi slt, %broadcast_in_dim3A_80, %lt3A_201 : vector<16xi32>
        %add3A_203 = arith.constant 16 : i32
        %add3A_204 = vector.broadcast %add3A_203 : i32 to vector<16xi32>
        %add3A_205 = arith.addi %broadcast_in_dim3A_80, %add3A_204 : vector<16xi32>
        %select_n3A_206 = arith.select %lt3A_202, %add3A_205, %broadcast_in_dim3A_80 : vector<16xi1>, vector<16xi32>
        %broadcast_in_dim3A_207 = vector.shape_cast %select_n3A_206 : vector<16xi32> to vector<16x1xi32>
        %gather3A_208 = vector.shape_cast %broadcast_in_dim3A_207 : vector<16x1xi32> to vector<16xi32>
        %gather3A_209 = tpu.dynamic_gather %add3A_130[%gather3A_208] in [0] : vector<16xf32>, vector<16xi32> -> vector<16xf32>
        %mul3A_210 = arith.mulf %gather3A_209, %get3A_29 : vector<16xf32>
        %add3A_211 = arith.addf %add3A_199, %mul3A_210 : vector<16xf32>
        %lt3A_212 = arith.constant 0 : i32
        %lt3A_213 = vector.broadcast %lt3A_212 : i32 to vector<16xi32>
        %lt3A_214 = arith.cmpi slt, %broadcast_in_dim3A_82, %lt3A_213 : vector<16xi32>
        %add3A_215 = arith.constant 16 : i32
        %add3A_216 = vector.broadcast %add3A_215 : i32 to vector<16xi32>
        %add3A_217 = arith.addi %broadcast_in_dim3A_82, %add3A_216 : vector<16xi32>
        %select_n3A_218 = arith.select %lt3A_214, %add3A_217, %broadcast_in_dim3A_82 : vector<16xi1>, vector<16xi32>
        %broadcast_in_dim3A_219 = vector.shape_cast %select_n3A_218 : vector<16xi32> to vector<16x1xi32>
        %gather3A_220 = vector.shape_cast %broadcast_in_dim3A_219 : vector<16x1xi32> to vector<16xi32>
        %gather3A_221 = tpu.dynamic_gather %add3A_130[%gather3A_220] in [0] : vector<16xf32>, vector<16xi32> -> vector<16xf32>
        %mul3A_222 = arith.mulf %gather3A_221, %get3A_33 : vector<16xf32>
        %add3A_223 = arith.addf %add3A_211, %mul3A_222 : vector<16xf32>
        %lt3A_224 = arith.constant 0 : i32
        %lt3A_225 = vector.broadcast %lt3A_224 : i32 to vector<16xi32>
        %lt3A_226 = arith.cmpi slt, %broadcast_in_dim3A_84, %lt3A_225 : vector<16xi32>
        %add3A_227 = arith.constant 16 : i32
        %add3A_228 = vector.broadcast %add3A_227 : i32 to vector<16xi32>
        %add3A_229 = arith.addi %broadcast_in_dim3A_84, %add3A_228 : vector<16xi32>
        %select_n3A_230 = arith.select %lt3A_226, %add3A_229, %broadcast_in_dim3A_84 : vector<16xi1>, vector<16xi32>
        %broadcast_in_dim3A_231 = vector.shape_cast %select_n3A_230 : vector<16xi32> to vector<16x1xi32>
        %gather3A_232 = vector.shape_cast %broadcast_in_dim3A_231 : vector<16x1xi32> to vector<16xi32>
        %gather3A_233 = tpu.dynamic_gather %add3A_130[%gather3A_232] in [0] : vector<16xf32>, vector<16xi32> -> vector<16xf32>
        %mul3A_234 = arith.mulf %gather3A_233, %get3A_37 : vector<16xf32>
        %add3A_235 = arith.addf %add3A_223, %mul3A_234 : vector<16xf32>
        %lt3A_236 = arith.constant 0 : i32
        %lt3A_237 = vector.broadcast %lt3A_236 : i32 to vector<16xi32>
        %lt3A_238 = arith.cmpi slt, %broadcast_in_dim3A_86, %lt3A_237 : vector<16xi32>
        %add3A_239 = arith.constant 16 : i32
        %add3A_240 = vector.broadcast %add3A_239 : i32 to vector<16xi32>
        %add3A_241 = arith.addi %broadcast_in_dim3A_86, %add3A_240 : vector<16xi32>
        %select_n3A_242 = arith.select %lt3A_238, %add3A_241, %broadcast_in_dim3A_86 : vector<16xi1>, vector<16xi32>
        %broadcast_in_dim3A_243 = vector.shape_cast %select_n3A_242 : vector<16xi32> to vector<16x1xi32>
        %gather3A_244 = vector.shape_cast %broadcast_in_dim3A_243 : vector<16x1xi32> to vector<16xi32>
        %gather3A_245 = tpu.dynamic_gather %add3A_130[%gather3A_244] in [0] : vector<16xf32>, vector<16xi32> -> vector<16xf32>
        %mul3A_246 = arith.mulf %gather3A_245, %get3A_41 : vector<16xf32>
        %add3A_247 = arith.addf %add3A_235, %mul3A_246 : vector<16xf32>
        %lt3A_248 = arith.constant 0 : i32
        %lt3A_249 = vector.broadcast %lt3A_248 : i32 to vector<16xi32>
        %lt3A_250 = arith.cmpi slt, %broadcast_in_dim3A_88, %lt3A_249 : vector<16xi32>
        %add3A_251 = arith.constant 16 : i32
        %add3A_252 = vector.broadcast %add3A_251 : i32 to vector<16xi32>
        %add3A_253 = arith.addi %broadcast_in_dim3A_88, %add3A_252 : vector<16xi32>
        %select_n3A_254 = arith.select %lt3A_250, %add3A_253, %broadcast_in_dim3A_88 : vector<16xi1>, vector<16xi32>
        %broadcast_in_dim3A_255 = vector.shape_cast %select_n3A_254 : vector<16xi32> to vector<16x1xi32>
        %gather3A_256 = vector.shape_cast %broadcast_in_dim3A_255 : vector<16x1xi32> to vector<16xi32>
        %gather3A_257 = tpu.dynamic_gather %add3A_130[%gather3A_256] in [0] : vector<16xf32>, vector<16xi32> -> vector<16xf32>
        %mul3A_258 = arith.mulf %gather3A_257, %get3A_45 : vector<16xf32>
        %add3A_259 = arith.addf %add3A_247, %mul3A_258 : vector<16xf32>
        %lt3A_260 = arith.constant 0 : i32
        %lt3A_261 = vector.broadcast %lt3A_260 : i32 to vector<16xi32>
        %lt3A_262 = arith.cmpi slt, %broadcast_in_dim3A_90, %lt3A_261 : vector<16xi32>
        %add3A_263 = arith.constant 16 : i32
        %add3A_264 = vector.broadcast %add3A_263 : i32 to vector<16xi32>
        %add3A_265 = arith.addi %broadcast_in_dim3A_90, %add3A_264 : vector<16xi32>
        %select_n3A_266 = arith.select %lt3A_262, %add3A_265, %broadcast_in_dim3A_90 : vector<16xi1>, vector<16xi32>
        %broadcast_in_dim3A_267 = vector.shape_cast %select_n3A_266 : vector<16xi32> to vector<16x1xi32>
        %gather3A_268 = vector.shape_cast %broadcast_in_dim3A_267 : vector<16x1xi32> to vector<16xi32>
        %gather3A_269 = tpu.dynamic_gather %add3A_130[%gather3A_268] in [0] : vector<16xf32>, vector<16xi32> -> vector<16xf32>
        %mul3A_270 = arith.mulf %gather3A_269, %get3A_49 : vector<16xf32>
        %add3A_271 = arith.addf %add3A_259, %mul3A_270 : vector<16xf32>
        %lt3A_272 = arith.constant 0 : i32
        %lt3A_273 = vector.broadcast %lt3A_272 : i32 to vector<16xi32>
        %lt3A_274 = arith.cmpi slt, %broadcast_in_dim3A_92, %lt3A_273 : vector<16xi32>
        %add3A_275 = arith.constant 16 : i32
        %add3A_276 = vector.broadcast %add3A_275 : i32 to vector<16xi32>
        %add3A_277 = arith.addi %broadcast_in_dim3A_92, %add3A_276 : vector<16xi32>
        %select_n3A_278 = arith.select %lt3A_274, %add3A_277, %broadcast_in_dim3A_92 : vector<16xi1>, vector<16xi32>
        %broadcast_in_dim3A_279 = vector.shape_cast %select_n3A_278 : vector<16xi32> to vector<16x1xi32>
        %gather3A_280 = vector.shape_cast %broadcast_in_dim3A_279 : vector<16x1xi32> to vector<16xi32>
        %gather3A_281 = tpu.dynamic_gather %add3A_130[%gather3A_280] in [0] : vector<16xf32>, vector<16xi32> -> vector<16xf32>
        %mul3A_282 = arith.mulf %gather3A_281, %get3A_53 : vector<16xf32>
        %add3A_283 = arith.addf %add3A_271, %mul3A_282 : vector<16xf32>
        %lt3A_284 = arith.constant 0 : i32
        %lt3A_285 = vector.broadcast %lt3A_284 : i32 to vector<16xi32>
        %lt3A_286 = arith.cmpi slt, %broadcast_in_dim3A_94, %lt3A_285 : vector<16xi32>
        %add3A_287 = arith.constant 16 : i32
        %add3A_288 = vector.broadcast %add3A_287 : i32 to vector<16xi32>
        %add3A_289 = arith.addi %broadcast_in_dim3A_94, %add3A_288 : vector<16xi32>
        %select_n3A_290 = arith.select %lt3A_286, %add3A_289, %broadcast_in_dim3A_94 : vector<16xi1>, vector<16xi32>
        %broadcast_in_dim3A_291 = vector.shape_cast %select_n3A_290 : vector<16xi32> to vector<16x1xi32>
        %gather3A_292 = vector.shape_cast %broadcast_in_dim3A_291 : vector<16x1xi32> to vector<16xi32>
        %gather3A_293 = tpu.dynamic_gather %add3A_130[%gather3A_292] in [0] : vector<16xf32>, vector<16xi32> -> vector<16xf32>
        %mul3A_294 = arith.mulf %gather3A_293, %get3A_57 : vector<16xf32>
        %add3A_295 = arith.addf %add3A_283, %mul3A_294 : vector<16xf32>
        %lt3A_296 = arith.constant 0 : i32
        %lt3A_297 = vector.broadcast %lt3A_296 : i32 to vector<16xi32>
        %lt3A_298 = arith.cmpi slt, %broadcast_in_dim3A_96, %lt3A_297 : vector<16xi32>
        %add3A_299 = arith.constant 16 : i32
        %add3A_300 = vector.broadcast %add3A_299 : i32 to vector<16xi32>
        %add3A_301 = arith.addi %broadcast_in_dim3A_96, %add3A_300 : vector<16xi32>
        %select_n3A_302 = arith.select %lt3A_298, %add3A_301, %broadcast_in_dim3A_96 : vector<16xi1>, vector<16xi32>
        %broadcast_in_dim3A_303 = vector.shape_cast %select_n3A_302 : vector<16xi32> to vector<16x1xi32>
        %gather3A_304 = vector.shape_cast %broadcast_in_dim3A_303 : vector<16x1xi32> to vector<16xi32>
        %gather3A_305 = tpu.dynamic_gather %add3A_130[%gather3A_304] in [0] : vector<16xf32>, vector<16xi32> -> vector<16xf32>
        %mul3A_306 = arith.mulf %gather3A_305, %get3A_61 : vector<16xf32>
        %add3A_307 = arith.addf %add3A_295, %mul3A_306 : vector<16xf32>
        %lt3A_308 = arith.constant 0 : i32
        %lt3A_309 = vector.broadcast %lt3A_308 : i32 to vector<16xi32>
        %lt3A_310 = arith.cmpi slt, %broadcast_in_dim3A_98, %lt3A_309 : vector<16xi32>
        %add3A_311 = arith.constant 16 : i32
        %add3A_312 = vector.broadcast %add3A_311 : i32 to vector<16xi32>
        %add3A_313 = arith.addi %broadcast_in_dim3A_98, %add3A_312 : vector<16xi32>
        %select_n3A_314 = arith.select %lt3A_310, %add3A_313, %broadcast_in_dim3A_98 : vector<16xi1>, vector<16xi32>
        %broadcast_in_dim3A_315 = vector.shape_cast %select_n3A_314 : vector<16xi32> to vector<16x1xi32>
        %gather3A_316 = vector.shape_cast %broadcast_in_dim3A_315 : vector<16x1xi32> to vector<16xi32>
        %gather3A_317 = tpu.dynamic_gather %add3A_130[%gather3A_316] in [0] : vector<16xf32>, vector<16xi32> -> vector<16xf32>
        %mul3A_318 = arith.mulf %gather3A_317, %get3A_65 : vector<16xf32>
        %add3A_319 = arith.addf %add3A_307, %mul3A_318 : vector<16xf32>
        %swap3A = arith.index_cast %scan3A_123 : i32 to index
        %swap3A_320 = arith.constant 0 : index
        %swap3A_321 = tpu.vector_load %arg8[%swap3A, %swap3A_320] {strides = array<i32>} : memref<782x16xf32, #tpu.memory_space<vmem>>, vector<16xf32>,
        tpu.vector_store %arg8[%swap3A, %swap3A_320], %add3A_319 {strides = array<i32>} : memref<782x16xf32, #tpu.memory_space<vmem>>, vector<16xf32>,
      }
      %scan3A_114 = arith.constant 782 : i32
      %eq3A = arith.constant 31 : i32
      %eq3A_115 = arith.cmpi eq, %add3A, %eq3A : i32
      %eq3A_116 = arith.constant 3 : i32
      %eq3A_117 = arith.cmpi eq, %scan3A_104, %eq3A_116 : i32
      %and3A = arith.andi %eq3A_115, %eq3A_117 : i1
      %not3A = arith.constant true
      %not3A_118 = arith.xori %and3A, %not3A : i1
      %convert_element_type3A = arith.extui %not3A_118 : i1 to i32
      %cond3A = arith.constant 0 : i32
      %cond3A_119 = arith.cmpi ne, %convert_element_type3A, %cond3A : i32
      scf.if %cond3A_119 {
        "tpu.region"() ({
          %run_scoped3A_123 = tpu.sem_alloc : memref<!tpu.dma_semaphore, #tpu.memory_space<semaphore_mem>>
          %dma_start3A = arith.constant 0 : i32
          %dma_start3A_124 = tpu.memref_slice %arg5[%add3A_107, %dma_start3A] : memref<100000x16xf32, #tpu.memory_space<hbm>> -> memref<782x16xf32, #tpu.memory_space<hbm>>
          %dma_start3A_125 = arith.constant 0 : i32
          %dma_start3A_126 = tpu.memref_slice %arg5[%add3A_107, %dma_start3A_125] : memref<100000x16xf32, #tpu.memory_space<hbm>> -> memref<782x16xf32, #tpu.memory_space<hbm>>
          tpu.enqueue_dma source(%arg8 : memref<782x16xf32, #tpu.memory_space<vmem>>) target(%dma_start3A_126 : memref<782x16xf32, #tpu.memory_space<hbm>>) target_semaphore(%run_scoped3A_123 : memref<!tpu.dma_semaphore, #tpu.memory_space<semaphore_mem>>)
          %dma_wait3A = arith.constant 0 : i32
          %dma_wait3A_127 = tpu.memref_slice %arg5[%add3A_107, %dma_wait3A] : memref<100000x16xf32, #tpu.memory_space<hbm>> -> memref<782x16xf32, #tpu.memory_space<hbm>>
          %dma_wait3A_128 = arith.constant 0 : i32
          %dma_wait3A_129 = tpu.memref_slice %arg5[%add3A_107, %dma_wait3A_128] : memref<100000x16xf32, #tpu.memory_space<hbm>> -> memref<782x16xf32, #tpu.memory_space<hbm>>
          tpu.wait_dma2 semaphore(%run_scoped3A_123 : memref<!tpu.dma_semaphore, #tpu.memory_space<semaphore_mem>>) src(%arg8 : memref<782x16xf32, #tpu.memory_space<vmem>>) dst(%dma_wait3A_129 : memref<782x16xf32, #tpu.memory_space<hbm>>)
          tpu.yield
        }) : () -> ()
      } else {
      }
      %convert_element_type3A_120 = arith.extui %and3A : i1 to i32
      %cond3A_121 = arith.constant 0 : i32
      %cond3A_122 = arith.cmpi ne, %convert_element_type3A_120, %cond3A_121 : i32
      scf.if %cond3A_122 {
        "tpu.region"() ({
          %run_scoped3A_123 = tpu.sem_alloc : memref<!tpu.dma_semaphore, #tpu.memory_space<semaphore_mem>>
          %dma_start3A = arith.constant 0 : i32
          %dma_start3A_124 = arith.constant 0 : i32
          %dma_start3A_125 = tpu.memref_slice %arg8[%dma_start3A, %dma_start3A_124] : memref<782x16xf32, #tpu.memory_space<vmem>> -> memref<686x16xf32, #tpu.memory_space<vmem>>
          %dma_start3A_126 = arith.constant 0 : i32
          %dma_start3A_127 = tpu.memref_slice %arg5[%add3A_107, %dma_start3A_126] : memref<100000x16xf32, #tpu.memory_space<hbm>> -> memref<686x16xf32, #tpu.memory_space<hbm>>
          %dma_start3A_128 = arith.constant 0 : i32
          %dma_start3A_129 = tpu.memref_slice %arg5[%add3A_107, %dma_start3A_128] : memref<100000x16xf32, #tpu.memory_space<hbm>> -> memref<686x16xf32, #tpu.memory_space<hbm>>
          %dma_start3A_130 = arith.constant 0 : i32
          %dma_start3A_131 = arith.constant 0 : i32
          %dma_start3A_132 = tpu.memref_slice %arg8[%dma_start3A_130, %dma_start3A_131] : memref<782x16xf32, #tpu.memory_space<vmem>> -> memref<686x16xf32, #tpu.memory_space<vmem>>
          tpu.enqueue_dma source(%dma_start3A_132 : memref<686x16xf32, #tpu.memory_space<vmem>>) target(%dma_start3A_129 : memref<686x16xf32, #tpu.memory_space<hbm>>) target_semaphore(%run_scoped3A_123 : memref<!tpu.dma_semaphore, #tpu.memory_space<semaphore_mem>>)
          %dma_wait3A = arith.constant 0 : i32
          %dma_wait3A_133 = arith.constant 0 : i32
          %dma_wait3A_134 = tpu.memref_slice %arg8[%dma_wait3A, %dma_wait3A_133] : memref<782x16xf32, #tpu.memory_space<vmem>> -> memref<686x16xf32, #tpu.memory_space<vmem>>
          %dma_wait3A_135 = arith.constant 0 : i32
          %dma_wait3A_136 = tpu.memref_slice %arg5[%add3A_107, %dma_wait3A_135] : memref<100000x16xf32, #tpu.memory_space<hbm>> -> memref<686x16xf32, #tpu.memory_space<hbm>>
          %dma_wait3A_137 = arith.constant 0 : i32
          %dma_wait3A_138 = tpu.memref_slice %arg5[%add3A_107, %dma_wait3A_137] : memref<100000x16xf32, #tpu.memory_space<hbm>> -> memref<686x16xf32, #tpu.memory_space<hbm>>
          %dma_wait3A_139 = arith.constant 0 : i32
          %dma_wait3A_140 = arith.constant 0 : i32
          %dma_wait3A_141 = tpu.memref_slice %arg8[%dma_wait3A_139, %dma_wait3A_140] : memref<782x16xf32, #tpu.memory_space<vmem>> -> memref<686x16xf32, #tpu.memory_space<vmem>>
          tpu.wait_dma2 semaphore(%run_scoped3A_123 : memref<!tpu.dma_semaphore, #tpu.memory_space<semaphore_mem>>) src(%dma_wait3A_141 : memref<686x16xf32, #tpu.memory_space<vmem>>) dst(%dma_wait3A_138 : memref<686x16xf32, #tpu.memory_space<hbm>>)
          tpu.yield
        }) : () -> ()
      } else {
      }
    }
    %scan3A_103 = arith.constant 4 : i32
    return
  }
}

#map = affine_map<(d0, d1) -> (0, 0)>
#map1 = affine_map<(d0, d1) -> (0, 0, 0)>
module attributes {stable_mosaic.version = 14 : i64} {
  func.func @scatter_kernel(%arg0: i32, %arg1: i32, %arg2: memref<100000x16xf32, #tpu.memory_space<hbm>>, %arg3: memref<2x3200000xi32, #tpu.memory_space<hbm>>, %arg4: memref<6256x16xf32, #tpu.memory_space<hbm>>, %arg5: memref<2x100096x16xf32, #tpu.memory_space<hbm>>, %arg6: memref<2x640xi32, #tpu.memory_space<vmem>>, %arg7: memref<2x640xi32, #tpu.memory_space<vmem>>, %arg8: memref<2x640x16xf32, #tpu.memory_space<vmem>>, %arg9: memref<100096x16xf32, #tpu.memory_space<vmem_shared>>, %arg10: memref<!tpu.dma_semaphore, #tpu.memory_space<semaphore_mem>>, %arg11: memref<!tpu.dma_semaphore, #tpu.memory_space<semaphore_mem>>, %arg12: memref<!tpu.dma_semaphore, #tpu.memory_space<semaphore_mem>>, %arg13: memref<!tpu.dma_semaphore, #tpu.memory_space<semaphore_mem>>, %arg14: memref<!tpu.dma_semaphore, #tpu.memory_space<semaphore_mem>>) attributes {dimension_semantics = [#tpu.dimension_semantics<core_parallel>, #tpu.dimension_semantics<subcore_parallel>], iteration_bounds = array<i64: 2, 16>, scalar_prefetch = 0 : i64, scratch_operands = 9 : i64, tpu.core_type = #tpu.core_type<sc_vector_subcore>, window_params = [{transform_indices = #map}, {transform_indices = #map}, {transform_indices = #map}, {transform_indices = #map1}]} {
    %mul3A = arith.constant 16 : i32
    %mul3A_0 = arith.muli %arg0, %mul3A : i32
    %add3A = arith.addi %mul3A_0, %arg1 : i32
    %mul3A_1 = arith.constant 6256 : i32
    %mul3A_2 = arith.muli %arg1, %mul3A_1 : i32
    "tpu.region"() ({
      %run_scoped3A = tpu.sem_alloc : memref<!tpu.dma_semaphore, #tpu.memory_space<semaphore_mem>>
      %dma_start3A_85 = arith.constant 0 : i32
      %dma_start3A_86 = tpu.memref_slice %arg9[%mul3A_2, %dma_start3A_85] : memref<100096x16xf32, #tpu.memory_space<vmem_shared>> -> memref<6256x16xf32, #tpu.memory_space<vmem_shared>>
      tpu.enqueue_dma source(%arg4 : memref<6256x16xf32, #tpu.memory_space<hbm>>) target(%dma_start3A_86 : memref<6256x16xf32, #tpu.memory_space<vmem_shared>>) target_semaphore(%run_scoped3A : memref<!tpu.dma_semaphore, #tpu.memory_space<semaphore_mem>>)
      %dma_wait3A_87 = arith.constant 0 : i32
      %dma_wait3A_88 = tpu.memref_slice %arg9[%mul3A_2, %dma_wait3A_87] : memref<100096x16xf32, #tpu.memory_space<vmem_shared>> -> memref<6256x16xf32, #tpu.memory_space<vmem_shared>>
      tpu.wait_dma2 semaphore(%run_scoped3A : memref<!tpu.dma_semaphore, #tpu.memory_space<semaphore_mem>>) src(%arg4 : memref<6256x16xf32, #tpu.memory_space<hbm>>) dst(%dma_wait3A_88 : memref<6256x16xf32, #tpu.memory_space<vmem_shared>>)
      tpu.yield
    }) : () -> ()
    %barrier3A = arith.constant 0 : index
    tpu.barrier barrier_id(%barrier3A)
    %mul3A_3 = arith.constant 156 : i32
    %mul3A_4 = arith.muli %add3A, %mul3A_3 : i32
    %mul3A_5 = arith.constant 640 : i32
    %mul3A_6 = arith.muli %mul3A_4, %mul3A_5 : i32
    %dma_start3A = arith.constant 0 : i32
    %dma_start3A_7 = arith.constant 0 : i32
    %dma_start3A_8 = arith.constant 0 : i32
    %dma_start3A_9 = tpu.memref_slice %arg6[%dma_start3A_7, %dma_start3A_8] : memref<2x640xi32, #tpu.memory_space<vmem>> -> memref<1x640xi32, #tpu.memory_space<vmem>>
    %dma_start3A_10 = tpu.memref_squeeze %dma_start3A_9 : memref<1x640xi32, #tpu.memory_space<vmem>> -> memref<640xi32, #tpu.memory_space<vmem>>
    %dma_start3A_11 = tpu.memref_slice %arg3[%dma_start3A, %mul3A_6] : memref<2x3200000xi32, #tpu.memory_space<hbm>> -> memref<1x640xi32, #tpu.memory_space<hbm>>
    %dma_start3A_12 = tpu.memref_squeeze %dma_start3A_11 : memref<1x640xi32, #tpu.memory_space<hbm>> -> memref<640xi32, #tpu.memory_space<hbm>>
    %dma_start3A_13 = arith.constant 0 : i32
    %dma_start3A_14 = tpu.memref_slice %arg6[%dma_start3A_7, %dma_start3A_13] : memref<2x640xi32, #tpu.memory_space<vmem>> -> memref<1x640xi32, #tpu.memory_space<vmem>>
    %dma_start3A_15 = tpu.memref_squeeze %dma_start3A_14 : memref<1x640xi32, #tpu.memory_space<vmem>> -> memref<640xi32, #tpu.memory_space<vmem>>
    %dma_start3A_16 = tpu.memref_slice %arg3[%dma_start3A, %mul3A_6] : memref<2x3200000xi32, #tpu.memory_space<hbm>> -> memref<1x640xi32, #tpu.memory_space<hbm>>
    %dma_start3A_17 = tpu.memref_squeeze %dma_start3A_16 : memref<1x640xi32, #tpu.memory_space<hbm>> -> memref<640xi32, #tpu.memory_space<hbm>>
    tpu.enqueue_dma source(%dma_start3A_17 : memref<640xi32, #tpu.memory_space<hbm>>) target(%dma_start3A_15 : memref<640xi32, #tpu.memory_space<vmem>>) target_semaphore(%arg10 : memref<!tpu.dma_semaphore, #tpu.memory_space<semaphore_mem>>)
    %dma_start3A_18 = arith.constant 1 : i32
    %dma_start3A_19 = arith.constant 0 : i32
    %dma_start3A_20 = arith.constant 0 : i32
    %dma_start3A_21 = tpu.memref_slice %arg7[%dma_start3A_19, %dma_start3A_20] : memref<2x640xi32, #tpu.memory_space<vmem>> -> memref<1x640xi32, #tpu.memory_space<vmem>>
    %dma_start3A_22 = tpu.memref_squeeze %dma_start3A_21 : memref<1x640xi32, #tpu.memory_space<vmem>> -> memref<640xi32, #tpu.memory_space<vmem>>
    %dma_start3A_23 = tpu.memref_slice %arg3[%dma_start3A_18, %mul3A_6] : memref<2x3200000xi32, #tpu.memory_space<hbm>> -> memref<1x640xi32, #tpu.memory_space<hbm>>
    %dma_start3A_24 = tpu.memref_squeeze %dma_start3A_23 : memref<1x640xi32, #tpu.memory_space<hbm>> -> memref<640xi32, #tpu.memory_space<hbm>>
    %dma_start3A_25 = arith.constant 0 : i32
    %dma_start3A_26 = tpu.memref_slice %arg7[%dma_start3A_19, %dma_start3A_25] : memref<2x640xi32, #tpu.memory_space<vmem>> -> memref<1x640xi32, #tpu.memory_space<vmem>>
    %dma_start3A_27 = tpu.memref_squeeze %dma_start3A_26 : memref<1x640xi32, #tpu.memory_space<vmem>> -> memref<640xi32, #tpu.memory_space<vmem>>
    %dma_start3A_28 = tpu.memref_slice %arg3[%dma_start3A_18, %mul3A_6] : memref<2x3200000xi32, #tpu.memory_space<hbm>> -> memref<1x640xi32, #tpu.memory_space<hbm>>
    %dma_start3A_29 = tpu.memref_squeeze %dma_start3A_28 : memref<1x640xi32, #tpu.memory_space<hbm>> -> memref<640xi32, #tpu.memory_space<hbm>>
    tpu.enqueue_dma source(%dma_start3A_29 : memref<640xi32, #tpu.memory_space<hbm>>) target(%dma_start3A_27 : memref<640xi32, #tpu.memory_space<vmem>>) target_semaphore(%arg10 : memref<!tpu.dma_semaphore, #tpu.memory_space<semaphore_mem>>)
    %dma_wait3A = arith.constant 0 : i32
    %dma_wait3A_30 = arith.constant 0 : i32
    %dma_wait3A_31 = arith.constant 0 : i32
    %dma_wait3A_32 = tpu.memref_slice %arg6[%dma_wait3A_30, %dma_wait3A_31] : memref<2x640xi32, #tpu.memory_space<vmem>> -> memref<1x640xi32, #tpu.memory_space<vmem>>
    %dma_wait3A_33 = tpu.memref_squeeze %dma_wait3A_32 : memref<1x640xi32, #tpu.memory_space<vmem>> -> memref<640xi32, #tpu.memory_space<vmem>>
    %dma_wait3A_34 = tpu.memref_slice %arg3[%dma_wait3A, %mul3A_6] : memref<2x3200000xi32, #tpu.memory_space<hbm>> -> memref<1x640xi32, #tpu.memory_space<hbm>>
    %dma_wait3A_35 = tpu.memref_squeeze %dma_wait3A_34 : memref<1x640xi32, #tpu.memory_space<hbm>> -> memref<640xi32, #tpu.memory_space<hbm>>
    %dma_wait3A_36 = arith.constant 0 : i32
    %dma_wait3A_37 = tpu.memref_slice %arg6[%dma_wait3A_30, %dma_wait3A_36] : memref<2x640xi32, #tpu.memory_space<vmem>> -> memref<1x640xi32, #tpu.memory_space<vmem>>
    %dma_wait3A_38 = tpu.memref_squeeze %dma_wait3A_37 : memref<1x640xi32, #tpu.memory_space<vmem>> -> memref<640xi32, #tpu.memory_space<vmem>>
    %dma_wait3A_39 = tpu.memref_slice %arg3[%dma_wait3A, %mul3A_6] : memref<2x3200000xi32, #tpu.memory_space<hbm>> -> memref<1x640xi32, #tpu.memory_space<hbm>>
    %dma_wait3A_40 = tpu.memref_squeeze %dma_wait3A_39 : memref<1x640xi32, #tpu.memory_space<hbm>> -> memref<640xi32, #tpu.memory_space<hbm>>
    tpu.wait_dma2 semaphore(%arg10 : memref<!tpu.dma_semaphore, #tpu.memory_space<semaphore_mem>>) src(%dma_wait3A_40 : memref<640xi32, #tpu.memory_space<hbm>>) dst(%dma_wait3A_38 : memref<640xi32, #tpu.memory_space<vmem>>)
    %dma_wait3A_41 = arith.constant 1 : i32
    %dma_wait3A_42 = arith.constant 0 : i32
    %dma_wait3A_43 = arith.constant 0 : i32
    %dma_wait3A_44 = tpu.memref_slice %arg7[%dma_wait3A_42, %dma_wait3A_43] : memref<2x640xi32, #tpu.memory_space<vmem>> -> memref<1x640xi32, #tpu.memory_space<vmem>>
    %dma_wait3A_45 = tpu.memref_squeeze %dma_wait3A_44 : memref<1x640xi32, #tpu.memory_space<vmem>> -> memref<640xi32, #tpu.memory_space<vmem>>
    %dma_wait3A_46 = tpu.memref_slice %arg3[%dma_wait3A_41, %mul3A_6] : memref<2x3200000xi32, #tpu.memory_space<hbm>> -> memref<1x640xi32, #tpu.memory_space<hbm>>
    %dma_wait3A_47 = tpu.memref_squeeze %dma_wait3A_46 : memref<1x640xi32, #tpu.memory_space<hbm>> -> memref<640xi32, #tpu.memory_space<hbm>>
    %dma_wait3A_48 = arith.constant 0 : i32
    %dma_wait3A_49 = tpu.memref_slice %arg7[%dma_wait3A_42, %dma_wait3A_48] : memref<2x640xi32, #tpu.memory_space<vmem>> -> memref<1x640xi32, #tpu.memory_space<vmem>>
    %dma_wait3A_50 = tpu.memref_squeeze %dma_wait3A_49 : memref<1x640xi32, #tpu.memory_space<vmem>> -> memref<640xi32, #tpu.memory_space<vmem>>
    %dma_wait3A_51 = tpu.memref_slice %arg3[%dma_wait3A_41, %mul3A_6] : memref<2x3200000xi32, #tpu.memory_space<hbm>> -> memref<1x640xi32, #tpu.memory_space<hbm>>
    %dma_wait3A_52 = tpu.memref_squeeze %dma_wait3A_51 : memref<1x640xi32, #tpu.memory_space<hbm>> -> memref<640xi32, #tpu.memory_space<hbm>>
    tpu.wait_dma2 semaphore(%arg10 : memref<!tpu.dma_semaphore, #tpu.memory_space<semaphore_mem>>) src(%dma_wait3A_52 : memref<640xi32, #tpu.memory_space<hbm>>) dst(%dma_wait3A_50 : memref<640xi32, #tpu.memory_space<vmem>>)
    %dma_start3A_53 = arith.constant 0 : i32
    %dma_start3A_54 = arith.constant 0 : i32
    %dma_start3A_55 = arith.constant 0 : i32
    %dma_start3A_56 = arith.constant 0 : i32
    %dma_start3A_57 = tpu.memref_slice %arg8[%dma_start3A_54, %dma_start3A_55, %dma_start3A_56] : memref<2x640x16xf32, #tpu.memory_space<vmem>> -> memref<1x640x16xf32, #tpu.memory_space<vmem>>
    %dma_start3A_58 = tpu.memref_squeeze %dma_start3A_57 : memref<1x640x16xf32, #tpu.memory_space<vmem>> -> memref<640x16xf32, #tpu.memory_space<vmem>>
    %dma_start3A_59 = arith.constant 0 : i32
    %dma_start3A_60 = tpu.memref_slice %arg6[%dma_start3A_53, %dma_start3A_59] : memref<2x640xi32, #tpu.memory_space<vmem>> -> memref<1x640xi32, #tpu.memory_space<vmem>>
    %dma_start3A_61 = tpu.memref_squeeze %dma_start3A_60 : memref<1x640xi32, #tpu.memory_space<vmem>> -> memref<640xi32, #tpu.memory_space<vmem>>
    %dma_start3A_62 = arith.constant 0 : i32
    %dma_start3A_63 = arith.constant 0 : i32
    %dma_start3A_64 = tpu.memref_slice %arg2[%dma_start3A_62, %dma_start3A_63] : memref<100000x16xf32, #tpu.memory_space<hbm>> -> memref<100000x16xf32, #tpu.memory_space<hbm>>
    tpu.enqueue_indirect_dma source(%dma_start3A_64 : memref<100000x16xf32, #tpu.memory_space<hbm>>) target(%dma_start3A_58 : memref<640x16xf32, #tpu.memory_space<vmem>>) offsets(%dma_start3A_61 : memref<640xi32, #tpu.memory_space<vmem>>) semaphore(%arg11 : memref<!tpu.dma_semaphore, #tpu.memory_space<semaphore_mem>>)
    %scan3A = arith.constant 0 : i32
    %scan3A_65 = arith.constant 0 : i32
    %scan3A_66 = arith.constant 78 : i32
    %scan3A_67 = arith.addi %scan3A_65, %scan3A_66 : i32
    %scan3A_68 = arith.constant 1 : i32
    scf.for %scan3A_85 = %scan3A_65 to %scan3A_67 step %scan3A_68  : i32 {
      %mul3A_86 = arith.constant 2 : i32
      %mul3A_87 = arith.muli %mul3A_86, %scan3A_85 : i32
      %add3A_88 = arith.addi %mul3A_4, %mul3A_87 : i32
      %dma_wait3A_89 = arith.constant 0 : i32
      %dma_wait3A_90 = arith.constant 0 : i32
      %dma_wait3A_91 = arith.constant 0 : i32
      %dma_wait3A_92 = arith.constant 0 : i32
      %dma_wait3A_93 = tpu.memref_slice %arg8[%dma_wait3A_90, %dma_wait3A_91, %dma_wait3A_92] : memref<2x640x16xf32, #tpu.memory_space<vmem>> -> memref<1x640x16xf32, #tpu.memory_space<vmem>>
      %dma_wait3A_94 = tpu.memref_squeeze %dma_wait3A_93 : memref<1x640x16xf32, #tpu.memory_space<vmem>> -> memref<640x16xf32, #tpu.memory_space<vmem>>
      %dma_wait3A_95 = arith.constant 0 : i32
      %dma_wait3A_96 = tpu.memref_slice %arg6[%dma_wait3A_89, %dma_wait3A_95] : memref<2x640xi32, #tpu.memory_space<vmem>> -> memref<1x640xi32, #tpu.memory_space<vmem>>
      %dma_wait3A_97 = tpu.memref_squeeze %dma_wait3A_96 : memref<1x640xi32, #tpu.memory_space<vmem>> -> memref<640xi32, #tpu.memory_space<vmem>>
      %dma_wait3A_98 = arith.constant 0 : i32
      %dma_wait3A_99 = arith.constant 0 : i32
      %dma_wait3A_100 = tpu.memref_slice %arg2[%dma_wait3A_98, %dma_wait3A_99] : memref<100000x16xf32, #tpu.memory_space<hbm>> -> memref<100000x16xf32, #tpu.memory_space<hbm>>
      tpu.wait_indirect_dma semaphore(%arg11 : memref<!tpu.dma_semaphore, #tpu.memory_space<semaphore_mem>>) src(%dma_wait3A_100 : memref<100000x16xf32, #tpu.memory_space<hbm>>) dst(%dma_wait3A_94 : memref<640x16xf32, #tpu.memory_space<vmem>>)
      %gt3A = arith.constant 0 : i32
      %gt3A_101 = arith.cmpi sgt, %scan3A_85, %gt3A : i32
      %convert_element_type3A_102 = arith.extui %gt3A_101 : i1 to i32
      %cond3A_103 = arith.constant 0 : i32
      %cond3A_104 = arith.cmpi ne, %convert_element_type3A_102, %cond3A_103 : i32
      scf.if %cond3A_104 {
        %dma_wait3A_222 = arith.constant 1 : i32
        %dma_wait3A_223 = arith.constant 1 : i32
        %dma_wait3A_224 = arith.constant 0 : i32
        %dma_wait3A_225 = arith.constant 0 : i32
        %dma_wait3A_226 = tpu.memref_slice %arg8[%dma_wait3A_222, %dma_wait3A_224, %dma_wait3A_225] : memref<2x640x16xf32, #tpu.memory_space<vmem>> -> memref<1x640x16xf32, #tpu.memory_space<vmem>>
        %dma_wait3A_227 = tpu.memref_squeeze %dma_wait3A_226 : memref<1x640x16xf32, #tpu.memory_space<vmem>> -> memref<640x16xf32, #tpu.memory_space<vmem>>
        %dma_wait3A_228 = arith.constant 0 : i32
        %dma_wait3A_229 = tpu.memref_slice %arg7[%dma_wait3A_223, %dma_wait3A_228] : memref<2x640xi32, #tpu.memory_space<vmem>> -> memref<1x640xi32, #tpu.memory_space<vmem>>
        %dma_wait3A_230 = tpu.memref_squeeze %dma_wait3A_229 : memref<1x640xi32, #tpu.memory_space<vmem>> -> memref<640xi32, #tpu.memory_space<vmem>>
        %dma_wait3A_231 = arith.constant 0 : i32
        %dma_wait3A_232 = arith.constant 0 : i32
        %dma_wait3A_233 = tpu.memref_slice %arg9[%dma_wait3A_231, %dma_wait3A_232] : memref<100096x16xf32, #tpu.memory_space<vmem_shared>> -> memref<100096x16xf32, #tpu.memory_space<vmem_shared>>
        tpu.wait_indirect_dma semaphore(%arg14 : memref<!tpu.dma_semaphore, #tpu.memory_space<semaphore_mem>>) src(%dma_wait3A_227 : memref<640x16xf32, #tpu.memory_space<vmem>>) dst(%dma_wait3A_233 : memref<100096x16xf32, #tpu.memory_space<vmem_shared>>)
      } else {
      }
      %add3A_105 = arith.constant 1 : i32
      %add3A_106 = arith.addi %add3A_88, %add3A_105 : i32
      %mul3A_107 = arith.constant 640 : i32
      %mul3A_108 = arith.muli %add3A_106, %mul3A_107 : i32
      %dma_start3A_109 = arith.constant 0 : i32
      %dma_start3A_110 = arith.constant 1 : i32
      %dma_start3A_111 = arith.constant 0 : i32
      %dma_start3A_112 = tpu.memref_slice %arg6[%dma_start3A_110, %dma_start3A_111] : memref<2x640xi32, #tpu.memory_space<vmem>> -> memref<1x640xi32, #tpu.memory_space<vmem>>
      %dma_start3A_113 = tpu.memref_squeeze %dma_start3A_112 : memref<1x640xi32, #tpu.memory_space<vmem>> -> memref<640xi32, #tpu.memory_space<vmem>>
      %dma_start3A_114 = tpu.memref_slice %arg3[%dma_start3A_109, %mul3A_108] : memref<2x3200000xi32, #tpu.memory_space<hbm>> -> memref<1x640xi32, #tpu.memory_space<hbm>>
      %dma_start3A_115 = tpu.memref_squeeze %dma_start3A_114 : memref<1x640xi32, #tpu.memory_space<hbm>> -> memref<640xi32, #tpu.memory_space<hbm>>
      %dma_start3A_116 = arith.constant 0 : i32
      %dma_start3A_117 = tpu.memref_slice %arg6[%dma_start3A_110, %dma_start3A_116] : memref<2x640xi32, #tpu.memory_space<vmem>> -> memref<1x640xi32, #tpu.memory_space<vmem>>
      %dma_start3A_118 = tpu.memref_squeeze %dma_start3A_117 : memref<1x640xi32, #tpu.memory_space<vmem>> -> memref<640xi32, #tpu.memory_space<vmem>>
      %dma_start3A_119 = tpu.memref_slice %arg3[%dma_start3A_109, %mul3A_108] : memref<2x3200000xi32, #tpu.memory_space<hbm>> -> memref<1x640xi32, #tpu.memory_space<hbm>>
      %dma_start3A_120 = tpu.memref_squeeze %dma_start3A_119 : memref<1x640xi32, #tpu.memory_space<hbm>> -> memref<640xi32, #tpu.memory_space<hbm>>
      tpu.enqueue_dma source(%dma_start3A_120 : memref<640xi32, #tpu.memory_space<hbm>>) target(%dma_start3A_118 : memref<640xi32, #tpu.memory_space<vmem>>) target_semaphore(%arg10 : memref<!tpu.dma_semaphore, #tpu.memory_space<semaphore_mem>>)
      %dma_start3A_121 = arith.constant 1 : i32
      %dma_start3A_122 = arith.constant 1 : i32
      %dma_start3A_123 = arith.constant 0 : i32
      %dma_start3A_124 = tpu.memref_slice %arg7[%dma_start3A_122, %dma_start3A_123] : memref<2x640xi32, #tpu.memory_space<vmem>> -> memref<1x640xi32, #tpu.memory_space<vmem>>
      %dma_start3A_125 = tpu.memref_squeeze %dma_start3A_124 : memref<1x640xi32, #tpu.memory_space<vmem>> -> memref<640xi32, #tpu.memory_space<vmem>>
      %dma_start3A_126 = tpu.memref_slice %arg3[%dma_start3A_121, %mul3A_108] : memref<2x3200000xi32, #tpu.memory_space<hbm>> -> memref<1x640xi32, #tpu.memory_space<hbm>>
      %dma_start3A_127 = tpu.memref_squeeze %dma_start3A_126 : memref<1x640xi32, #tpu.memory_space<hbm>> -> memref<640xi32, #tpu.memory_space<hbm>>
      %dma_start3A_128 = arith.constant 0 : i32
      %dma_start3A_129 = tpu.memref_slice %arg7[%dma_start3A_122, %dma_start3A_128] : memref<2x640xi32, #tpu.memory_space<vmem>> -> memref<1x640xi32, #tpu.memory_space<vmem>>
      %dma_start3A_130 = tpu.memref_squeeze %dma_start3A_129 : memref<1x640xi32, #tpu.memory_space<vmem>> -> memref<640xi32, #tpu.memory_space<vmem>>
      %dma_start3A_131 = tpu.memref_slice %arg3[%dma_start3A_121, %mul3A_108] : memref<2x3200000xi32, #tpu.memory_space<hbm>> -> memref<1x640xi32, #tpu.memory_space<hbm>>
      %dma_start3A_132 = tpu.memref_squeeze %dma_start3A_131 : memref<1x640xi32, #tpu.memory_space<hbm>> -> memref<640xi32, #tpu.memory_space<hbm>>
      tpu.enqueue_dma source(%dma_start3A_132 : memref<640xi32, #tpu.memory_space<hbm>>) target(%dma_start3A_130 : memref<640xi32, #tpu.memory_space<vmem>>) target_semaphore(%arg10 : memref<!tpu.dma_semaphore, #tpu.memory_space<semaphore_mem>>)
      %dma_start3A_133 = arith.constant 0 : i32
      %dma_start3A_134 = arith.constant 0 : i32
      %dma_start3A_135 = arith.constant 0 : i32
      %dma_start3A_136 = arith.constant 0 : i32
      %dma_start3A_137 = tpu.memref_slice %arg8[%dma_start3A_133, %dma_start3A_135, %dma_start3A_136] : memref<2x640x16xf32, #tpu.memory_space<vmem>> -> memref<1x640x16xf32, #tpu.memory_space<vmem>>
      %dma_start3A_138 = tpu.memref_squeeze %dma_start3A_137 : memref<1x640x16xf32, #tpu.memory_space<vmem>> -> memref<640x16xf32, #tpu.memory_space<vmem>>
      %dma_start3A_139 = arith.constant 0 : i32
      %dma_start3A_140 = tpu.memref_slice %arg7[%dma_start3A_134, %dma_start3A_139] : memref<2x640xi32, #tpu.memory_space<vmem>> -> memref<1x640xi32, #tpu.memory_space<vmem>>
      %dma_start3A_141 = tpu.memref_squeeze %dma_start3A_140 : memref<1x640xi32, #tpu.memory_space<vmem>> -> memref<640xi32, #tpu.memory_space<vmem>>
      %dma_start3A_142 = arith.constant 0 : i32
      %dma_start3A_143 = arith.constant 0 : i32
      %dma_start3A_144 = tpu.memref_slice %arg9[%dma_start3A_142, %dma_start3A_143] : memref<100096x16xf32, #tpu.memory_space<vmem_shared>> -> memref<100096x16xf32, #tpu.memory_space<vmem_shared>>
      tpu.enqueue_indirect_dma source(%dma_start3A_138 : memref<640x16xf32, #tpu.memory_space<vmem>>) target(%dma_start3A_144 : memref<100096x16xf32, #tpu.memory_space<vmem_shared>>) offsets(%dma_start3A_141 : memref<640xi32, #tpu.memory_space<vmem>>) semaphore(%arg13 : memref<!tpu.dma_semaphore, #tpu.memory_space<semaphore_mem>>) {add = true}
      %dma_wait3A_145 = arith.constant 0 : i32
      %dma_wait3A_146 = arith.constant 1 : i32
      %dma_wait3A_147 = arith.constant 0 : i32
      %dma_wait3A_148 = tpu.memref_slice %arg6[%dma_wait3A_146, %dma_wait3A_147] : memref<2x640xi32, #tpu.memory_space<vmem>> -> memref<1x640xi32, #tpu.memory_space<vmem>>
      %dma_wait3A_149 = tpu.memref_squeeze %dma_wait3A_148 : memref<1x640xi32, #tpu.memory_space<vmem>> -> memref<640xi32, #tpu.memory_space<vmem>>
      %dma_wait3A_150 = tpu.memref_slice %arg3[%dma_wait3A_145, %mul3A_108] : memref<2x3200000xi32, #tpu.memory_space<hbm>> -> memref<1x640xi32, #tpu.memory_space<hbm>>
      %dma_wait3A_151 = tpu.memref_squeeze %dma_wait3A_150 : memref<1x640xi32, #tpu.memory_space<hbm>> -> memref<640xi32, #tpu.memory_space<hbm>>
      %dma_wait3A_152 = arith.constant 0 : i32
      %dma_wait3A_153 = tpu.memref_slice %arg6[%dma_wait3A_146, %dma_wait3A_152] : memref<2x640xi32, #tpu.memory_space<vmem>> -> memref<1x640xi32, #tpu.memory_space<vmem>>
      %dma_wait3A_154 = tpu.memref_squeeze %dma_wait3A_153 : memref<1x640xi32, #tpu.memory_space<vmem>> -> memref<640xi32, #tpu.memory_space<vmem>>
      %dma_wait3A_155 = tpu.memref_slice %arg3[%dma_wait3A_145, %mul3A_108] : memref<2x3200000xi32, #tpu.memory_space<hbm>> -> memref<1x640xi32, #tpu.memory_space<hbm>>
      %dma_wait3A_156 = tpu.memref_squeeze %dma_wait3A_155 : memref<1x640xi32, #tpu.memory_space<hbm>> -> memref<640xi32, #tpu.memory_space<hbm>>
      tpu.wait_dma2 semaphore(%arg10 : memref<!tpu.dma_semaphore, #tpu.memory_space<semaphore_mem>>) src(%dma_wait3A_156 : memref<640xi32, #tpu.memory_space<hbm>>) dst(%dma_wait3A_154 : memref<640xi32, #tpu.memory_space<vmem>>)
      %dma_wait3A_157 = arith.constant 1 : i32
      %dma_wait3A_158 = arith.constant 1 : i32
      %dma_wait3A_159 = arith.constant 0 : i32
      %dma_wait3A_160 = tpu.memref_slice %arg7[%dma_wait3A_158, %dma_wait3A_159] : memref<2x640xi32, #tpu.memory_space<vmem>> -> memref<1x640xi32, #tpu.memory_space<vmem>>
      %dma_wait3A_161 = tpu.memref_squeeze %dma_wait3A_160 : memref<1x640xi32, #tpu.memory_space<vmem>> -> memref<640xi32, #tpu.memory_space<vmem>>
      %dma_wait3A_162 = tpu.memref_slice %arg3[%dma_wait3A_157, %mul3A_108] : memref<2x3200000xi32, #tpu.memory_space<hbm>> -> memref<1x640xi32, #tpu.memory_space<hbm>>
      %dma_wait3A_163 = tpu.memref_squeeze %dma_wait3A_162 : memref<1x640xi32, #tpu.memory_space<hbm>> -> memref<640xi32, #tpu.memory_space<hbm>>
      %dma_wait3A_164 = arith.constant 0 : i32
      %dma_wait3A_165 = tpu.memref_slice %arg7[%dma_wait3A_158, %dma_wait3A_164] : memref<2x640xi32, #tpu.memory_space<vmem>> -> memref<1x640xi32, #tpu.memory_space<vmem>>
      %dma_wait3A_166 = tpu.memref_squeeze %dma_wait3A_165 : memref<1x640xi32, #tpu.memory_space<vmem>> -> memref<640xi32, #tpu.memory_space<vmem>>
      %dma_wait3A_167 = tpu.memref_slice %arg3[%dma_wait3A_157, %mul3A_108] : memref<2x3200000xi32, #tpu.memory_space<hbm>> -> memref<1x640xi32, #tpu.memory_space<hbm>>
      %dma_wait3A_168 = tpu.memref_squeeze %dma_wait3A_167 : memref<1x640xi32, #tpu.memory_space<hbm>> -> memref<640xi32, #tpu.memory_space<hbm>>
      tpu.wait_dma2 semaphore(%arg10 : memref<!tpu.dma_semaphore, #tpu.memory_space<semaphore_mem>>) src(%dma_wait3A_168 : memref<640xi32, #tpu.memory_space<hbm>>) dst(%dma_wait3A_166 : memref<640xi32, #tpu.memory_space<vmem>>)
      %dma_start3A_169 = arith.constant 1 : i32
      %dma_start3A_170 = arith.constant 1 : i32
      %dma_start3A_171 = arith.constant 0 : i32
      %dma_start3A_172 = arith.constant 0 : i32
      %dma_start3A_173 = tpu.memref_slice %arg8[%dma_start3A_170, %dma_start3A_171, %dma_start3A_172] : memref<2x640x16xf32, #tpu.memory_space<vmem>> -> memref<1x640x16xf32, #tpu.memory_space<vmem>>
      %dma_start3A_174 = tpu.memref_squeeze %dma_start3A_173 : memref<1x640x16xf32, #tpu.memory_space<vmem>> -> memref<640x16xf32, #tpu.memory_space<vmem>>
      %dma_start3A_175 = arith.constant 0 : i32
      %dma_start3A_176 = tpu.memref_slice %arg6[%dma_start3A_169, %dma_start3A_175] : memref<2x640xi32, #tpu.memory_space<vmem>> -> memref<1x640xi32, #tpu.memory_space<vmem>>
      %dma_start3A_177 = tpu.memref_squeeze %dma_start3A_176 : memref<1x640xi32, #tpu.memory_space<vmem>> -> memref<640xi32, #tpu.memory_space<vmem>>
      %dma_start3A_178 = arith.constant 0 : i32
      %dma_start3A_179 = arith.constant 0 : i32
      %dma_start3A_180 = tpu.memref_slice %arg2[%dma_start3A_178, %dma_start3A_179] : memref<100000x16xf32, #tpu.memory_space<hbm>> -> memref<100000x16xf32, #tpu.memory_space<hbm>>
      tpu.enqueue_indirect_dma source(%dma_start3A_180 : memref<100000x16xf32, #tpu.memory_space<hbm>>) target(%dma_start3A_174 : memref<640x16xf32, #tpu.memory_space<vmem>>) offsets(%dma_start3A_177 : memref<640xi32, #tpu.memory_space<vmem>>) semaphore(%arg12 : memref<!tpu.dma_semaphore, #tpu.memory_space<semaphore_mem>>)
      %dma_wait3A_181 = arith.constant 1 : i32
      %dma_wait3A_182 = arith.constant 1 : i32
      %dma_wait3A_183 = arith.constant 0 : i32
      %dma_wait3A_184 = arith.constant 0 : i32
      %dma_wait3A_185 = tpu.memref_slice %arg8[%dma_wait3A_182, %dma_wait3A_183, %dma_wait3A_184] : memref<2x640x16xf32, #tpu.memory_space<vmem>> -> memref<1x640x16xf32, #tpu.memory_space<vmem>>
      %dma_wait3A_186 = tpu.memref_squeeze %dma_wait3A_185 : memref<1x640x16xf32, #tpu.memory_space<vmem>> -> memref<640x16xf32, #tpu.memory_space<vmem>>
      %dma_wait3A_187 = arith.constant 0 : i32
      %dma_wait3A_188 = tpu.memref_slice %arg6[%dma_wait3A_181, %dma_wait3A_187] : memref<2x640xi32, #tpu.memory_space<vmem>> -> memref<1x640xi32, #tpu.memory_space<vmem>>
      %dma_wait3A_189 = tpu.memref_squeeze %dma_wait3A_188 : memref<1x640xi32, #tpu.memory_space<vmem>> -> memref<640xi32, #tpu.memory_space<vmem>>
      %dma_wait3A_190 = arith.constant 0 : i32
      %dma_wait3A_191 = arith.constant 0 : i32
      %dma_wait3A_192 = tpu.memref_slice %arg2[%dma_wait3A_190, %dma_wait3A_191] : memref<100000x16xf32, #tpu.memory_space<hbm>> -> memref<100000x16xf32, #tpu.memory_space<hbm>>
      tpu.wait_indirect_dma semaphore(%arg12 : memref<!tpu.dma_semaphore, #tpu.memory_space<semaphore_mem>>) src(%dma_wait3A_192 : memref<100000x16xf32, #tpu.memory_space<hbm>>) dst(%dma_wait3A_186 : memref<640x16xf32, #tpu.memory_space<vmem>>)
      %dma_wait3A_193 = arith.constant 0 : i32
      %dma_wait3A_194 = arith.constant 0 : i32
      %dma_wait3A_195 = arith.constant 0 : i32
      %dma_wait3A_196 = arith.constant 0 : i32
      %dma_wait3A_197 = tpu.memref_slice %arg8[%dma_wait3A_193, %dma_wait3A_195, %dma_wait3A_196] : memref<2x640x16xf32, #tpu.memory_space<vmem>> -> memref<1x640x16xf32, #tpu.memory_space<vmem>>
      %dma_wait3A_198 = tpu.memref_squeeze %dma_wait3A_197 : memref<1x640x16xf32, #tpu.memory_space<vmem>> -> memref<640x16xf32, #tpu.memory_space<vmem>>
      %dma_wait3A_199 = arith.constant 0 : i32
      %dma_wait3A_200 = tpu.memref_slice %arg7[%dma_wait3A_194, %dma_wait3A_199] : memref<2x640xi32, #tpu.memory_space<vmem>> -> memref<1x640xi32, #tpu.memory_space<vmem>>
      %dma_wait3A_201 = tpu.memref_squeeze %dma_wait3A_200 : memref<1x640xi32, #tpu.memory_space<vmem>> -> memref<640xi32, #tpu.memory_space<vmem>>
      %dma_wait3A_202 = arith.constant 0 : i32
      %dma_wait3A_203 = arith.constant 0 : i32
      %dma_wait3A_204 = tpu.memref_slice %arg9[%dma_wait3A_202, %dma_wait3A_203] : memref<100096x16xf32, #tpu.memory_space<vmem_shared>> -> memref<100096x16xf32, #tpu.memory_space<vmem_shared>>
      tpu.wait_indirect_dma semaphore(%arg13 : memref<!tpu.dma_semaphore, #tpu.memory_space<semaphore_mem>>) src(%dma_wait3A_198 : memref<640x16xf32, #tpu.memory_space<vmem>>) dst(%dma_wait3A_204 : memref<100096x16xf32, #tpu.memory_space<vmem_shared>>)
      %dma_start3A_205 = arith.constant 1 : i32
      %dma_start3A_206 = arith.constant 1 : i32
      %dma_start3A_207 = arith.constant 0 : i32
      %dma_start3A_208 = arith.constant 0 : i32
      %dma_start3A_209 = tpu.memref_slice %arg8[%dma_start3A_205, %dma_start3A_207, %dma_start3A_208] : memref<2x640x16xf32, #tpu.memory_space<vmem>> -> memref<1x640x16xf32, #tpu.memory_space<vmem>>
      %dma_start3A_210 = tpu.memref_squeeze %dma_start3A_209 : memref<1x640x16xf32, #tpu.memory_space<vmem>> -> memref<640x16xf32, #tpu.memory_space<vmem>>
      %dma_start3A_211 = arith.constant 0 : i32
      %dma_start3A_212 = tpu.memref_slice %arg7[%dma_start3A_206, %dma_start3A_211] : memref<2x640xi32, #tpu.memory_space<vmem>> -> memref<1x640xi32, #tpu.memory_space<vmem>>
      %dma_start3A_213 = tpu.memref_squeeze %dma_start3A_212 : memref<1x640xi32, #tpu.memory_space<vmem>> -> memref<640xi32, #tpu.memory_space<vmem>>
      %dma_start3A_214 = arith.constant 0 : i32
      %dma_start3A_215 = arith.constant 0 : i32
      %dma_start3A_216 = tpu.memref_slice %arg9[%dma_start3A_214, %dma_start3A_215] : memref<100096x16xf32, #tpu.memory_space<vmem_shared>> -> memref<100096x16xf32, #tpu.memory_space<vmem_shared>>
      tpu.enqueue_indirect_dma source(%dma_start3A_210 : memref<640x16xf32, #tpu.memory_space<vmem>>) target(%dma_start3A_216 : memref<100096x16xf32, #tpu.memory_space<vmem_shared>>) offsets(%dma_start3A_213 : memref<640xi32, #tpu.memory_space<vmem>>) semaphore(%arg14 : memref<!tpu.dma_semaphore, #tpu.memory_space<semaphore_mem>>) {add = true}
      %lt3A_217 = arith.constant 77 : i32
      %lt3A_218 = arith.cmpi slt, %scan3A_85, %lt3A_217 : i32
      %convert_element_type3A_219 = arith.extui %lt3A_218 : i1 to i32
      %cond3A_220 = arith.constant 0 : i32
      %cond3A_221 = arith.cmpi ne, %convert_element_type3A_219, %cond3A_220 : i32
      scf.if %cond3A_221 {
        %add3A_222 = arith.constant 2 : i32
        %add3A_223 = arith.addi %add3A_88, %add3A_222 : i32
        %mul3A_224 = arith.constant 640 : i32
        %mul3A_225 = arith.muli %add3A_223, %mul3A_224 : i32
        %dma_start3A_226 = arith.constant 0 : i32
        %dma_start3A_227 = arith.constant 0 : i32
        %dma_start3A_228 = arith.constant 0 : i32
        %dma_start3A_229 = tpu.memref_slice %arg6[%dma_start3A_227, %dma_start3A_228] : memref<2x640xi32, #tpu.memory_space<vmem>> -> memref<1x640xi32, #tpu.memory_space<vmem>>
        %dma_start3A_230 = tpu.memref_squeeze %dma_start3A_229 : memref<1x640xi32, #tpu.memory_space<vmem>> -> memref<640xi32, #tpu.memory_space<vmem>>
        %dma_start3A_231 = tpu.memref_slice %arg3[%dma_start3A_226, %mul3A_225] : memref<2x3200000xi32, #tpu.memory_space<hbm>> -> memref<1x640xi32, #tpu.memory_space<hbm>>
        %dma_start3A_232 = tpu.memref_squeeze %dma_start3A_231 : memref<1x640xi32, #tpu.memory_space<hbm>> -> memref<640xi32, #tpu.memory_space<hbm>>
        %dma_start3A_233 = arith.constant 0 : i32
        %dma_start3A_234 = tpu.memref_slice %arg6[%dma_start3A_227, %dma_start3A_233] : memref<2x640xi32, #tpu.memory_space<vmem>> -> memref<1x640xi32, #tpu.memory_space<vmem>>
        %dma_start3A_235 = tpu.memref_squeeze %dma_start3A_234 : memref<1x640xi32, #tpu.memory_space<vmem>> -> memref<640xi32, #tpu.memory_space<vmem>>
        %dma_start3A_236 = tpu.memref_slice %arg3[%dma_start3A_226, %mul3A_225] : memref<2x3200000xi32, #tpu.memory_space<hbm>> -> memref<1x640xi32, #tpu.memory_space<hbm>>
        %dma_start3A_237 = tpu.memref_squeeze %dma_start3A_236 : memref<1x640xi32, #tpu.memory_space<hbm>> -> memref<640xi32, #tpu.memory_space<hbm>>
        tpu.enqueue_dma source(%dma_start3A_237 : memref<640xi32, #tpu.memory_space<hbm>>) target(%dma_start3A_235 : memref<640xi32, #tpu.memory_space<vmem>>) target_semaphore(%arg10 : memref<!tpu.dma_semaphore, #tpu.memory_space<semaphore_mem>>)
        %dma_start3A_238 = arith.constant 1 : i32
        %dma_start3A_239 = arith.constant 0 : i32
        %dma_start3A_240 = arith.constant 0 : i32
        %dma_start3A_241 = tpu.memref_slice %arg7[%dma_start3A_239, %dma_start3A_240] : memref<2x640xi32, #tpu.memory_space<vmem>> -> memref<1x640xi32, #tpu.memory_space<vmem>>
        %dma_start3A_242 = tpu.memref_squeeze %dma_start3A_241 : memref<1x640xi32, #tpu.memory_space<vmem>> -> memref<640xi32, #tpu.memory_space<vmem>>
        %dma_start3A_243 = tpu.memref_slice %arg3[%dma_start3A_238, %mul3A_225] : memref<2x3200000xi32, #tpu.memory_space<hbm>> -> memref<1x640xi32, #tpu.memory_space<hbm>>
        %dma_start3A_244 = tpu.memref_squeeze %dma_start3A_243 : memref<1x640xi32, #tpu.memory_space<hbm>> -> memref<640xi32, #tpu.memory_space<hbm>>
        %dma_start3A_245 = arith.constant 0 : i32
        %dma_start3A_246 = tpu.memref_slice %arg7[%dma_start3A_239, %dma_start3A_245] : memref<2x640xi32, #tpu.memory_space<vmem>> -> memref<1x640xi32, #tpu.memory_space<vmem>>
        %dma_start3A_247 = tpu.memref_squeeze %dma_start3A_246 : memref<1x640xi32, #tpu.memory_space<vmem>> -> memref<640xi32, #tpu.memory_space<vmem>>
        %dma_start3A_248 = tpu.memref_slice %arg3[%dma_start3A_238, %mul3A_225] : memref<2x3200000xi32, #tpu.memory_space<hbm>> -> memref<1x640xi32, #tpu.memory_space<hbm>>
        %dma_start3A_249 = tpu.memref_squeeze %dma_start3A_248 : memref<1x640xi32, #tpu.memory_space<hbm>> -> memref<640xi32, #tpu.memory_space<hbm>>
        tpu.enqueue_dma source(%dma_start3A_249 : memref<640xi32, #tpu.memory_space<hbm>>) target(%dma_start3A_247 : memref<640xi32, #tpu.memory_space<vmem>>) target_semaphore(%arg10 : memref<!tpu.dma_semaphore, #tpu.memory_space<semaphore_mem>>)
        %dma_wait3A_250 = arith.constant 0 : i32
        %dma_wait3A_251 = arith.constant 0 : i32
        %dma_wait3A_252 = arith.constant 0 : i32
        %dma_wait3A_253 = tpu.memref_slice %arg6[%dma_wait3A_251, %dma_wait3A_252] : memref<2x640xi32, #tpu.memory_space<vmem>> -> memref<1x640xi32, #tpu.memory_space<vmem>>
        %dma_wait3A_254 = tpu.memref_squeeze %dma_wait3A_253 : memref<1x640xi32, #tpu.memory_space<vmem>> -> memref<640xi32, #tpu.memory_space<vmem>>
        %dma_wait3A_255 = tpu.memref_slice %arg3[%dma_wait3A_250, %mul3A_225] : memref<2x3200000xi32, #tpu.memory_space<hbm>> -> memref<1x640xi32, #tpu.memory_space<hbm>>
        %dma_wait3A_256 = tpu.memref_squeeze %dma_wait3A_255 : memref<1x640xi32, #tpu.memory_space<hbm>> -> memref<640xi32, #tpu.memory_space<hbm>>
        %dma_wait3A_257 = arith.constant 0 : i32
        %dma_wait3A_258 = tpu.memref_slice %arg6[%dma_wait3A_251, %dma_wait3A_257] : memref<2x640xi32, #tpu.memory_space<vmem>> -> memref<1x640xi32, #tpu.memory_space<vmem>>
        %dma_wait3A_259 = tpu.memref_squeeze %dma_wait3A_258 : memref<1x640xi32, #tpu.memory_space<vmem>> -> memref<640xi32, #tpu.memory_space<vmem>>
        %dma_wait3A_260 = tpu.memref_slice %arg3[%dma_wait3A_250, %mul3A_225] : memref<2x3200000xi32, #tpu.memory_space<hbm>> -> memref<1x640xi32, #tpu.memory_space<hbm>>
        %dma_wait3A_261 = tpu.memref_squeeze %dma_wait3A_260 : memref<1x640xi32, #tpu.memory_space<hbm>> -> memref<640xi32, #tpu.memory_space<hbm>>
        tpu.wait_dma2 semaphore(%arg10 : memref<!tpu.dma_semaphore, #tpu.memory_space<semaphore_mem>>) src(%dma_wait3A_261 : memref<640xi32, #tpu.memory_space<hbm>>) dst(%dma_wait3A_259 : memref<640xi32, #tpu.memory_space<vmem>>)
        %dma_wait3A_262 = arith.constant 1 : i32
        %dma_wait3A_263 = arith.constant 0 : i32
        %dma_wait3A_264 = arith.constant 0 : i32
        %dma_wait3A_265 = tpu.memref_slice %arg7[%dma_wait3A_263, %dma_wait3A_264] : memref<2x640xi32, #tpu.memory_space<vmem>> -> memref<1x640xi32, #tpu.memory_space<vmem>>
        %dma_wait3A_266 = tpu.memref_squeeze %dma_wait3A_265 : memref<1x640xi32, #tpu.memory_space<vmem>> -> memref<640xi32, #tpu.memory_space<vmem>>
        %dma_wait3A_267 = tpu.memref_slice %arg3[%dma_wait3A_262, %mul3A_225] : memref<2x3200000xi32, #tpu.memory_space<hbm>> -> memref<1x640xi32, #tpu.memory_space<hbm>>
        %dma_wait3A_268 = tpu.memref_squeeze %dma_wait3A_267 : memref<1x640xi32, #tpu.memory_space<hbm>> -> memref<640xi32, #tpu.memory_space<hbm>>
        %dma_wait3A_269 = arith.constant 0 : i32
        %dma_wait3A_270 = tpu.memref_slice %arg7[%dma_wait3A_263, %dma_wait3A_269] : memref<2x640xi32, #tpu.memory_space<vmem>> -> memref<1x640xi32, #tpu.memory_space<vmem>>
        %dma_wait3A_271 = tpu.memref_squeeze %dma_wait3A_270 : memref<1x640xi32, #tpu.memory_space<vmem>> -> memref<640xi32, #tpu.memory_space<vmem>>
        %dma_wait3A_272 = tpu.memref_slice %arg3[%dma_wait3A_262, %mul3A_225] : memref<2x3200000xi32, #tpu.memory_space<hbm>> -> memref<1x640xi32, #tpu.memory_space<hbm>>
        %dma_wait3A_273 = tpu.memref_squeeze %dma_wait3A_272 : memref<1x640xi32, #tpu.memory_space<hbm>> -> memref<640xi32, #tpu.memory_space<hbm>>
        tpu.wait_dma2 semaphore(%arg10 : memref<!tpu.dma_semaphore, #tpu.memory_space<semaphore_mem>>) src(%dma_wait3A_273 : memref<640xi32, #tpu.memory_space<hbm>>) dst(%dma_wait3A_271 : memref<640xi32, #tpu.memory_space<vmem>>)
        %dma_start3A_274 = arith.constant 0 : i32
        %dma_start3A_275 = arith.constant 0 : i32
        %dma_start3A_276 = arith.constant 0 : i32
        %dma_start3A_277 = arith.constant 0 : i32
        %dma_start3A_278 = tpu.memref_slice %arg8[%dma_start3A_275, %dma_start3A_276, %dma_start3A_277] : memref<2x640x16xf32, #tpu.memory_space<vmem>> -> memref<1x640x16xf32, #tpu.memory_space<vmem>>
        %dma_start3A_279 = tpu.memref_squeeze %dma_start3A_278 : memref<1x640x16xf32, #tpu.memory_space<vmem>> -> memref<640x16xf32, #tpu.memory_space<vmem>>
        %dma_start3A_280 = arith.constant 0 : i32
        %dma_start3A_281 = tpu.memref_slice %arg6[%dma_start3A_274, %dma_start3A_280] : memref<2x640xi32, #tpu.memory_space<vmem>> -> memref<1x640xi32, #tpu.memory_space<vmem>>
        %dma_start3A_282 = tpu.memref_squeeze %dma_start3A_281 : memref<1x640xi32, #tpu.memory_space<vmem>> -> memref<640xi32, #tpu.memory_space<vmem>>
        %dma_start3A_283 = arith.constant 0 : i32
        %dma_start3A_284 = arith.constant 0 : i32
        %dma_start3A_285 = tpu.memref_slice %arg2[%dma_start3A_283, %dma_start3A_284] : memref<100000x16xf32, #tpu.memory_space<hbm>> -> memref<100000x16xf32, #tpu.memory_space<hbm>>
        tpu.enqueue_indirect_dma source(%dma_start3A_285 : memref<100000x16xf32, #tpu.memory_space<hbm>>) target(%dma_start3A_279 : memref<640x16xf32, #tpu.memory_space<vmem>>) offsets(%dma_start3A_282 : memref<640xi32, #tpu.memory_space<vmem>>) semaphore(%arg11 : memref<!tpu.dma_semaphore, #tpu.memory_space<semaphore_mem>>)
      } else {
      }
    }
    %scan3A_69 = arith.constant 78 : i32
    %dma_wait3A_70 = arith.constant 1 : i32
    %dma_wait3A_71 = arith.constant 1 : i32
    %dma_wait3A_72 = arith.constant 0 : i32
    %dma_wait3A_73 = arith.constant 0 : i32
    %dma_wait3A_74 = tpu.memref_slice %arg8[%dma_wait3A_70, %dma_wait3A_72, %dma_wait3A_73] : memref<2x640x16xf32, #tpu.memory_space<vmem>> -> memref<1x640x16xf32, #tpu.memory_space<vmem>>
    %dma_wait3A_75 = tpu.memref_squeeze %dma_wait3A_74 : memref<1x640x16xf32, #tpu.memory_space<vmem>> -> memref<640x16xf32, #tpu.memory_space<vmem>>
    %dma_wait3A_76 = arith.constant 0 : i32
    %dma_wait3A_77 = tpu.memref_slice %arg7[%dma_wait3A_71, %dma_wait3A_76] : memref<2x640xi32, #tpu.memory_space<vmem>> -> memref<1x640xi32, #tpu.memory_space<vmem>>
    %dma_wait3A_78 = tpu.memref_squeeze %dma_wait3A_77 : memref<1x640xi32, #tpu.memory_space<vmem>> -> memref<640xi32, #tpu.memory_space<vmem>>
    %dma_wait3A_79 = arith.constant 0 : i32
    %dma_wait3A_80 = arith.constant 0 : i32
    %dma_wait3A_81 = tpu.memref_slice %arg9[%dma_wait3A_79, %dma_wait3A_80] : memref<100096x16xf32, #tpu.memory_space<vmem_shared>> -> memref<100096x16xf32, #tpu.memory_space<vmem_shared>>
    tpu.wait_indirect_dma semaphore(%arg14 : memref<!tpu.dma_semaphore, #tpu.memory_space<semaphore_mem>>) src(%dma_wait3A_75 : memref<640x16xf32, #tpu.memory_space<vmem>>) dst(%dma_wait3A_81 : memref<100096x16xf32, #tpu.memory_space<vmem_shared>>)
    %lt3A = arith.constant 8 : i32
    %lt3A_82 = arith.cmpi slt, %add3A, %lt3A : i32
    %convert_element_type3A = arith.extui %lt3A_82 : i1 to i32
    %cond3A = arith.constant 0 : i32
    %cond3A_83 = arith.cmpi ne, %convert_element_type3A, %cond3A : i32
    scf.if %cond3A_83 {
      %add3A_85 = arith.constant 4992 : i32
      %add3A_86 = arith.addi %add3A_85, %add3A : i32
      %mul3A_87 = arith.constant 640 : i32
      %mul3A_88 = arith.muli %add3A_86, %mul3A_87 : i32
      %dma_start3A_89 = arith.constant 0 : i32
      %dma_start3A_90 = arith.constant 0 : i32
      %dma_start3A_91 = arith.constant 0 : i32
      %dma_start3A_92 = tpu.memref_slice %arg6[%dma_start3A_90, %dma_start3A_91] : memref<2x640xi32, #tpu.memory_space<vmem>> -> memref<1x640xi32, #tpu.memory_space<vmem>>
      %dma_start3A_93 = tpu.memref_squeeze %dma_start3A_92 : memref<1x640xi32, #tpu.memory_space<vmem>> -> memref<640xi32, #tpu.memory_space<vmem>>
      %dma_start3A_94 = tpu.memref_slice %arg3[%dma_start3A_89, %mul3A_88] : memref<2x3200000xi32, #tpu.memory_space<hbm>> -> memref<1x640xi32, #tpu.memory_space<hbm>>
      %dma_start3A_95 = tpu.memref_squeeze %dma_start3A_94 : memref<1x640xi32, #tpu.memory_space<hbm>> -> memref<640xi32, #tpu.memory_space<hbm>>
      %dma_start3A_96 = arith.constant 0 : i32
      %dma_start3A_97 = tpu.memref_slice %arg6[%dma_start3A_90, %dma_start3A_96] : memref<2x640xi32, #tpu.memory_space<vmem>> -> memref<1x640xi32, #tpu.memory_space<vmem>>
      %dma_start3A_98 = tpu.memref_squeeze %dma_start3A_97 : memref<1x640xi32, #tpu.memory_space<vmem>> -> memref<640xi32, #tpu.memory_space<vmem>>
      %dma_start3A_99 = tpu.memref_slice %arg3[%dma_start3A_89, %mul3A_88] : memref<2x3200000xi32, #tpu.memory_space<hbm>> -> memref<1x640xi32, #tpu.memory_space<hbm>>
      %dma_start3A_100 = tpu.memref_squeeze %dma_start3A_99 : memref<1x640xi32, #tpu.memory_space<hbm>> -> memref<640xi32, #tpu.memory_space<hbm>>
      tpu.enqueue_dma source(%dma_start3A_100 : memref<640xi32, #tpu.memory_space<hbm>>) target(%dma_start3A_98 : memref<640xi32, #tpu.memory_space<vmem>>) target_semaphore(%arg10 : memref<!tpu.dma_semaphore, #tpu.memory_space<semaphore_mem>>)
      %dma_start3A_101 = arith.constant 1 : i32
      %dma_start3A_102 = arith.constant 0 : i32
      %dma_start3A_103 = arith.constant 0 : i32
      %dma_start3A_104 = tpu.memref_slice %arg7[%dma_start3A_102, %dma_start3A_103] : memref<2x640xi32, #tpu.memory_space<vmem>> -> memref<1x640xi32, #tpu.memory_space<vmem>>
      %dma_start3A_105 = tpu.memref_squeeze %dma_start3A_104 : memref<1x640xi32, #tpu.memory_space<vmem>> -> memref<640xi32, #tpu.memory_space<vmem>>
      %dma_start3A_106 = tpu.memref_slice %arg3[%dma_start3A_101, %mul3A_88] : memref<2x3200000xi32, #tpu.memory_space<hbm>> -> memref<1x640xi32, #tpu.memory_space<hbm>>
      %dma_start3A_107 = tpu.memref_squeeze %dma_start3A_106 : memref<1x640xi32, #tpu.memory_space<hbm>> -> memref<640xi32, #tpu.memory_space<hbm>>
      %dma_start3A_108 = arith.constant 0 : i32
      %dma_start3A_109 = tpu.memref_slice %arg7[%dma_start3A_102, %dma_start3A_108] : memref<2x640xi32, #tpu.memory_space<vmem>> -> memref<1x640xi32, #tpu.memory_space<vmem>>
      %dma_start3A_110 = tpu.memref_squeeze %dma_start3A_109 : memref<1x640xi32, #tpu.memory_space<vmem>> -> memref<640xi32, #tpu.memory_space<vmem>>
      %dma_start3A_111 = tpu.memref_slice %arg3[%dma_start3A_101, %mul3A_88] : memref<2x3200000xi32, #tpu.memory_space<hbm>> -> memref<1x640xi32, #tpu.memory_space<hbm>>
      %dma_start3A_112 = tpu.memref_squeeze %dma_start3A_111 : memref<1x640xi32, #tpu.memory_space<hbm>> -> memref<640xi32, #tpu.memory_space<hbm>>
      tpu.enqueue_dma source(%dma_start3A_112 : memref<640xi32, #tpu.memory_space<hbm>>) target(%dma_start3A_110 : memref<640xi32, #tpu.memory_space<vmem>>) target_semaphore(%arg10 : memref<!tpu.dma_semaphore, #tpu.memory_space<semaphore_mem>>)
      %dma_wait3A_113 = arith.constant 0 : i32
      %dma_wait3A_114 = arith.constant 0 : i32
      %dma_wait3A_115 = arith.constant 0 : i32
      %dma_wait3A_116 = tpu.memref_slice %arg6[%dma_wait3A_114, %dma_wait3A_115] : memref<2x640xi32, #tpu.memory_space<vmem>> -> memref<1x640xi32, #tpu.memory_space<vmem>>
      %dma_wait3A_117 = tpu.memref_squeeze %dma_wait3A_116 : memref<1x640xi32, #tpu.memory_space<vmem>> -> memref<640xi32, #tpu.memory_space<vmem>>
      %dma_wait3A_118 = tpu.memref_slice %arg3[%dma_wait3A_113, %mul3A_88] : memref<2x3200000xi32, #tpu.memory_space<hbm>> -> memref<1x640xi32, #tpu.memory_space<hbm>>
      %dma_wait3A_119 = tpu.memref_squeeze %dma_wait3A_118 : memref<1x640xi32, #tpu.memory_space<hbm>> -> memref<640xi32, #tpu.memory_space<hbm>>
      %dma_wait3A_120 = arith.constant 0 : i32
      %dma_wait3A_121 = tpu.memref_slice %arg6[%dma_wait3A_114, %dma_wait3A_120] : memref<2x640xi32, #tpu.memory_space<vmem>> -> memref<1x640xi32, #tpu.memory_space<vmem>>
      %dma_wait3A_122 = tpu.memref_squeeze %dma_wait3A_121 : memref<1x640xi32, #tpu.memory_space<vmem>> -> memref<640xi32, #tpu.memory_space<vmem>>
      %dma_wait3A_123 = tpu.memref_slice %arg3[%dma_wait3A_113, %mul3A_88] : memref<2x3200000xi32, #tpu.memory_space<hbm>> -> memref<1x640xi32, #tpu.memory_space<hbm>>
      %dma_wait3A_124 = tpu.memref_squeeze %dma_wait3A_123 : memref<1x640xi32, #tpu.memory_space<hbm>> -> memref<640xi32, #tpu.memory_space<hbm>>
      tpu.wait_dma2 semaphore(%arg10 : memref<!tpu.dma_semaphore, #tpu.memory_space<semaphore_mem>>) src(%dma_wait3A_124 : memref<640xi32, #tpu.memory_space<hbm>>) dst(%dma_wait3A_122 : memref<640xi32, #tpu.memory_space<vmem>>)
      %dma_wait3A_125 = arith.constant 1 : i32
      %dma_wait3A_126 = arith.constant 0 : i32
      %dma_wait3A_127 = arith.constant 0 : i32
      %dma_wait3A_128 = tpu.memref_slice %arg7[%dma_wait3A_126, %dma_wait3A_127] : memref<2x640xi32, #tpu.memory_space<vmem>> -> memref<1x640xi32, #tpu.memory_space<vmem>>
      %dma_wait3A_129 = tpu.memref_squeeze %dma_wait3A_128 : memref<1x640xi32, #tpu.memory_space<vmem>> -> memref<640xi32, #tpu.memory_space<vmem>>
      %dma_wait3A_130 = tpu.memref_slice %arg3[%dma_wait3A_125, %mul3A_88] : memref<2x3200000xi32, #tpu.memory_space<hbm>> -> memref<1x640xi32, #tpu.memory_space<hbm>>
      %dma_wait3A_131 = tpu.memref_squeeze %dma_wait3A_130 : memref<1x640xi32, #tpu.memory_space<hbm>> -> memref<640xi32, #tpu.memory_space<hbm>>
      %dma_wait3A_132 = arith.constant 0 : i32
      %dma_wait3A_133 = tpu.memref_slice %arg7[%dma_wait3A_126, %dma_wait3A_132] : memref<2x640xi32, #tpu.memory_space<vmem>> -> memref<1x640xi32, #tpu.memory_space<vmem>>
      %dma_wait3A_134 = tpu.memref_squeeze %dma_wait3A_133 : memref<1x640xi32, #tpu.memory_space<vmem>> -> memref<640xi32, #tpu.memory_space<vmem>>
      %dma_wait3A_135 = tpu.memref_slice %arg3[%dma_wait3A_125, %mul3A_88] : memref<2x3200000xi32, #tpu.memory_space<hbm>> -> memref<1x640xi32, #tpu.memory_space<hbm>>
      %dma_wait3A_136 = tpu.memref_squeeze %dma_wait3A_135 : memref<1x640xi32, #tpu.memory_space<hbm>> -> memref<640xi32, #tpu.memory_space<hbm>>
      tpu.wait_dma2 semaphore(%arg10 : memref<!tpu.dma_semaphore, #tpu.memory_space<semaphore_mem>>) src(%dma_wait3A_136 : memref<640xi32, #tpu.memory_space<hbm>>) dst(%dma_wait3A_134 : memref<640xi32, #tpu.memory_space<vmem>>)
      %dma_start3A_137 = arith.constant 0 : i32
      %dma_start3A_138 = arith.constant 0 : i32
      %dma_start3A_139 = arith.constant 0 : i32
      %dma_start3A_140 = arith.constant 0 : i32
      %dma_start3A_141 = tpu.memref_slice %arg8[%dma_start3A_138, %dma_start3A_139, %dma_start3A_140] : memref<2x640x16xf32, #tpu.memory_space<vmem>> -> memref<1x640x16xf32, #tpu.memory_space<vmem>>
      %dma_start3A_142 = tpu.memref_squeeze %dma_start3A_141 : memref<1x640x16xf32, #tpu.memory_space<vmem>> -> memref<640x16xf32, #tpu.memory_space<vmem>>
      %dma_start3A_143 = arith.constant 0 : i32
      %dma_start3A_144 = tpu.memref_slice %arg6[%dma_start3A_137, %dma_start3A_143] : memref<2x640xi32, #tpu.memory_space<vmem>> -> memref<1x640xi32, #tpu.memory_space<vmem>>
      %dma_start3A_145 = tpu.memref_squeeze %dma_start3A_144 : memref<1x640xi32, #tpu.memory_space<vmem>> -> memref<640xi32, #tpu.memory_space<vmem>>
      %dma_start3A_146 = arith.constant 0 : i32
      %dma_start3A_147 = arith.constant 0 : i32
      %dma_start3A_148 = tpu.memref_slice %arg2[%dma_start3A_146, %dma_start3A_147] : memref<100000x16xf32, #tpu.memory_space<hbm>> -> memref<100000x16xf32, #tpu.memory_space<hbm>>
      tpu.enqueue_indirect_dma source(%dma_start3A_148 : memref<100000x16xf32, #tpu.memory_space<hbm>>) target(%dma_start3A_142 : memref<640x16xf32, #tpu.memory_space<vmem>>) offsets(%dma_start3A_145 : memref<640xi32, #tpu.memory_space<vmem>>) semaphore(%arg11 : memref<!tpu.dma_semaphore, #tpu.memory_space<semaphore_mem>>)
      %dma_wait3A_149 = arith.constant 0 : i32
      %dma_wait3A_150 = arith.constant 0 : i32
      %dma_wait3A_151 = arith.constant 0 : i32
      %dma_wait3A_152 = arith.constant 0 : i32
      %dma_wait3A_153 = tpu.memref_slice %arg8[%dma_wait3A_150, %dma_wait3A_151, %dma_wait3A_152] : memref<2x640x16xf32, #tpu.memory_space<vmem>> -> memref<1x640x16xf32, #tpu.memory_space<vmem>>
      %dma_wait3A_154 = tpu.memref_squeeze %dma_wait3A_153 : memref<1x640x16xf32, #tpu.memory_space<vmem>> -> memref<640x16xf32, #tpu.memory_space<vmem>>
      %dma_wait3A_155 = arith.constant 0 : i32
      %dma_wait3A_156 = tpu.memref_slice %arg6[%dma_wait3A_149, %dma_wait3A_155] : memref<2x640xi32, #tpu.memory_space<vmem>> -> memref<1x640xi32, #tpu.memory_space<vmem>>
      %dma_wait3A_157 = tpu.memref_squeeze %dma_wait3A_156 : memref<1x640xi32, #tpu.memory_space<vmem>> -> memref<640xi32, #tpu.memory_space<vmem>>
      %dma_wait3A_158 = arith.constant 0 : i32
      %dma_wait3A_159 = arith.constant 0 : i32
      %dma_wait3A_160 = tpu.memref_slice %arg2[%dma_wait3A_158, %dma_wait3A_159] : memref<100000x16xf32, #tpu.memory_space<hbm>> -> memref<100000x16xf32, #tpu.memory_space<hbm>>
      tpu.wait_indirect_dma semaphore(%arg11 : memref<!tpu.dma_semaphore, #tpu.memory_space<semaphore_mem>>) src(%dma_wait3A_160 : memref<100000x16xf32, #tpu.memory_space<hbm>>) dst(%dma_wait3A_154 : memref<640x16xf32, #tpu.memory_space<vmem>>)
      %dma_start3A_161 = arith.constant 0 : i32
      %dma_start3A_162 = arith.constant 0 : i32
      %dma_start3A_163 = arith.constant 0 : i32
      %dma_start3A_164 = arith.constant 0 : i32
      %dma_start3A_165 = tpu.memref_slice %arg8[%dma_start3A_161, %dma_start3A_163, %dma_start3A_164] : memref<2x640x16xf32, #tpu.memory_space<vmem>> -> memref<1x640x16xf32, #tpu.memory_space<vmem>>
      %dma_start3A_166 = tpu.memref_squeeze %dma_start3A_165 : memref<1x640x16xf32, #tpu.memory_space<vmem>> -> memref<640x16xf32, #tpu.memory_space<vmem>>
      %dma_start3A_167 = arith.constant 0 : i32
      %dma_start3A_168 = tpu.memref_slice %arg7[%dma_start3A_162, %dma_start3A_167] : memref<2x640xi32, #tpu.memory_space<vmem>> -> memref<1x640xi32, #tpu.memory_space<vmem>>
      %dma_start3A_169 = tpu.memref_squeeze %dma_start3A_168 : memref<1x640xi32, #tpu.memory_space<vmem>> -> memref<640xi32, #tpu.memory_space<vmem>>
      %dma_start3A_170 = arith.constant 0 : i32
      %dma_start3A_171 = arith.constant 0 : i32
      %dma_start3A_172 = tpu.memref_slice %arg9[%dma_start3A_170, %dma_start3A_171] : memref<100096x16xf32, #tpu.memory_space<vmem_shared>> -> memref<100096x16xf32, #tpu.memory_space<vmem_shared>>
      tpu.enqueue_indirect_dma source(%dma_start3A_166 : memref<640x16xf32, #tpu.memory_space<vmem>>) target(%dma_start3A_172 : memref<100096x16xf32, #tpu.memory_space<vmem_shared>>) offsets(%dma_start3A_169 : memref<640xi32, #tpu.memory_space<vmem>>) semaphore(%arg13 : memref<!tpu.dma_semaphore, #tpu.memory_space<semaphore_mem>>) {add = true}
      %dma_wait3A_173 = arith.constant 0 : i32
      %dma_wait3A_174 = arith.constant 0 : i32
      %dma_wait3A_175 = arith.constant 0 : i32
      %dma_wait3A_176 = arith.constant 0 : i32
      %dma_wait3A_177 = tpu.memref_slice %arg8[%dma_wait3A_173, %dma_wait3A_175, %dma_wait3A_176] : memref<2x640x16xf32, #tpu.memory_space<vmem>> -> memref<1x640x16xf32, #tpu.memory_space<vmem>>
      %dma_wait3A_178 = tpu.memref_squeeze %dma_wait3A_177 : memref<1x640x16xf32, #tpu.memory_space<vmem>> -> memref<640x16xf32, #tpu.memory_space<vmem>>
      %dma_wait3A_179 = arith.constant 0 : i32
      %dma_wait3A_180 = tpu.memref_slice %arg7[%dma_wait3A_174, %dma_wait3A_179] : memref<2x640xi32, #tpu.memory_space<vmem>> -> memref<1x640xi32, #tpu.memory_space<vmem>>
      %dma_wait3A_181 = tpu.memref_squeeze %dma_wait3A_180 : memref<1x640xi32, #tpu.memory_space<vmem>> -> memref<640xi32, #tpu.memory_space<vmem>>
      %dma_wait3A_182 = arith.constant 0 : i32
      %dma_wait3A_183 = arith.constant 0 : i32
      %dma_wait3A_184 = tpu.memref_slice %arg9[%dma_wait3A_182, %dma_wait3A_183] : memref<100096x16xf32, #tpu.memory_space<vmem_shared>> -> memref<100096x16xf32, #tpu.memory_space<vmem_shared>>
      tpu.wait_indirect_dma semaphore(%arg13 : memref<!tpu.dma_semaphore, #tpu.memory_space<semaphore_mem>>) src(%dma_wait3A_178 : memref<640x16xf32, #tpu.memory_space<vmem>>) dst(%dma_wait3A_184 : memref<100096x16xf32, #tpu.memory_space<vmem_shared>>)
    } else {
    }
    %barrier3A_84 = arith.constant 0 : index
    tpu.barrier barrier_id(%barrier3A_84)
    "tpu.region"() ({
      %run_scoped3A = tpu.sem_alloc : memref<!tpu.dma_semaphore, #tpu.memory_space<semaphore_mem>>
      %dma_start3A_85 = arith.constant 0 : i32
      %dma_start3A_86 = tpu.memref_slice %arg5[%arg0, %mul3A_2, %dma_start3A_85] : memref<2x100096x16xf32, #tpu.memory_space<hbm>> -> memref<1x6256x16xf32, #tpu.memory_space<hbm>>
      %dma_start3A_87 = tpu.memref_squeeze %dma_start3A_86 : memref<1x6256x16xf32, #tpu.memory_space<hbm>> -> memref<6256x16xf32, #tpu.memory_space<hbm>>
      %dma_start3A_88 = arith.constant 0 : i32
      %dma_start3A_89 = tpu.memref_slice %arg9[%mul3A_2, %dma_start3A_88] : memref<100096x16xf32, #tpu.memory_space<vmem_shared>> -> memref<6256x16xf32, #tpu.memory_space<vmem_shared>>
      tpu.enqueue_dma source(%dma_start3A_89 : memref<6256x16xf32, #tpu.memory_space<vmem_shared>>) target(%dma_start3A_87 : memref<6256x16xf32, #tpu.memory_space<hbm>>) target_semaphore(%run_scoped3A : memref<!tpu.dma_semaphore, #tpu.memory_space<semaphore_mem>>)
      %dma_wait3A_90 = arith.constant 0 : i32
      %dma_wait3A_91 = tpu.memref_slice %arg5[%arg0, %mul3A_2, %dma_wait3A_90] : memref<2x100096x16xf32, #tpu.memory_space<hbm>> -> memref<1x6256x16xf32, #tpu.memory_space<hbm>>
      %dma_wait3A_92 = tpu.memref_squeeze %dma_wait3A_91 : memref<1x6256x16xf32, #tpu.memory_space<hbm>> -> memref<6256x16xf32, #tpu.memory_space<hbm>>
      %dma_wait3A_93 = arith.constant 0 : i32
      %dma_wait3A_94 = tpu.memref_slice %arg9[%mul3A_2, %dma_wait3A_93] : memref<100096x16xf32, #tpu.memory_space<vmem_shared>> -> memref<6256x16xf32, #tpu.memory_space<vmem_shared>>
      tpu.wait_dma2 semaphore(%run_scoped3A : memref<!tpu.dma_semaphore, #tpu.memory_space<semaphore_mem>>) src(%dma_wait3A_94 : memref<6256x16xf32, #tpu.memory_space<vmem_shared>>) dst(%dma_wait3A_92 : memref<6256x16xf32, #tpu.memory_space<hbm>>)
      tpu.yield
    }) : () -> ()
    return
  }
}

</mosaic_0001>

<sc_bundles>
// kernel: kernel.12.cloned.1.call-start
scs
__scs_entry_jumppad:
0x0: {  	(pc) =	sbr.rel $0x88, $3  }
0x1: {  	(tag) =	ssettag $0x0;
	lr =	simm.s32 $0x1  }
0x2: {  	[smem:$0x3F9B] =	sst lr;
	_ =	strace $0xD0000000  }
0x3: {  	_ = 	snop  }
0x4: {  	_ = 	snop  }
0x5: {  	_ = 	snop  }
0x6: {  	_ = 	snop  }
0x7: {  	_ = 	snop  }
__scs_overlays_trampoline_lowered:
0x8: {  	[smem:$0x3FAA] =	sst s0  }
0x9: {  	[smem:$0x3FAB] =	sst s1  }
0xa: {  	[smem:$0x3FAC] =	sst s2  }
0xb: {  	[smem:$0x3FAD] =	sst s3  }
0xc: {  	[smem:$0x3FAE] =	sst s4  }
0xd: {  	[smem:$0x3FAF] =	sst s5  }
0xe: {  	[smem:$0x3FB0] =	sst s6  }
0xf: {  	[smem:$0x3FB1] =	sst s7  }
0x10: {  	[smem:$0x3FB2] =	sst s8  }
0x11: {  	[smem:$0x3FB3] =	sst s9;
	s0 =	simm.s32 @!p0 $0x0  }
0x12: {  	s1 =	sld [smem:$0x3F99];
	s0 =	simm.s32 @p0 $0x1  }
0x13: {  	[smem:$0x3FB4] =	sst s0;
	s0 =	simm.s32 @!p1 $0x0  }
0x14: {  	s2 =	sld [smem:$0x3F98];
	s0 =	simm.s32 @p1 $0x1  }
0x15: {  	[smem:$0x3FB5] =	sst s0;
	s0 =	simm.s32 @!p2 $0x0  }
0x16: {  	s3 =	sld [smem:$0x3FDB];
	s0 =	simm.s32 @p2 $0x1  }
0x17: {  	s4 =	simm.s32 $0x1BF5;
	[smem:$0x3FB7] =	sst s0  }
0x18: {  	s0 =	sld [smem:$0x3F9A];
	_ =	swait.ge [sflag:s4], $0x0  }
0x19: {  	s7 =	sld [smem:$0x3F9B]  }
0x1a: {  	s8 =	sadd.s32 $0xFFFFE003, lr  }
0x1b: {  	s9 =	sadd.s32 $0xFFFFFEF7, lr;
	s5 =	simm.s32 $0xFFFFFFFF;
	p2 =	slt.u32 s8, $0xFFFFF086  }
0x1c: {  	p1 =	slt.u32 s9, $0xF7A;
	s5 =	simm.s32 @!p2 $0x0  }
0x1d: {  	s5 =	simm.s32 @p1 $0x1;
	p0 =	seq.s32 s7, s2  }
0x1e: {  	s7 =	smul.u32 @!p0 $0xF7A, s2;
	p2 =	seq.s32 @!p0 s5, $0x0  }
0x1f: {  	s9 =	smul.u32 $0xF7A, s1;
	s8 =	simm.s32 @!p0 $0x1BF5;
	p2 =	por !p2, p0  }
0x20: {  	[sflag:s8] =	ssyncset.s32 @!p0 $0xFFFFF086;
	s6 =	sadd.s32 @!p0 s3, s7;
	s7 =	simm.s32 @!p0 $0x108  }
0x21: {  	s3 =	sadd.s32 s3, s9;
	s6 =	sadd.s32 @!p0 $0x88, s6;
	s7 =	simm.s32 @p2 $0x1082  }
0x22: {  	[simem:s7], [sflag:s8] =	dma.local @!p0 [hbm:s6], $0xF7A  }
0x23: {  	s9 =	sor.u32 $0xD0000000, s2;
	s6 =	simm.s32 $0x108;
	_ =	swait.ge @!p0 [sflag:s8], $0x0  }
0x24: {  	s3 =	sadd.s32 $0x88, s3;
	s6 =	simm.s32 @!p1 $0x1082;
	[sflag:s4] =	ssyncset.s32 $0xFFFFF086  }
0x25: {  	[simem:s6], [sflag:s4] =	dma.local [hbm:s3], $0xF7A  }
0x26: {  	[smem:$0x3F9B] =	sst s1;
	(tag) =	ssettag s2;
	_ =	strace s9  }
0x27: {  	s1 =	sld [smem:$0x3FAB]  }
0x28: {  	s2 =	sld [smem:$0x3FAC]  }
0x29: {  	s4 =	sld [smem:$0x3FAE]  }
0x2a: {  	p0 =	seq.s32 s5, $0x0;
	s5 =	sld [smem:$0x3FAF]  }
0x2b: {  	s6 =	sld [smem:$0x3FB0]  }
0x2c: {  	s7 =	sld [smem:$0x3FB1]  }
0x2d: {  	s3 =	simm.s32 $0x108;
	s8 =	sld [smem:$0x3FB2]  }
0x2e: {  	s3 =	simm.s32 @!p0 $0x1082;
	s9 =	sld [smem:$0x3FB3]  }
0x2f: {  	lr =	sadd.s32 s0, s3;
	s0 =	sld [smem:$0x3FAA]  }
0x30: {  	s3 =	sld [smem:$0x3FAD]  }
0x31: {  	[smem:$0x3FB6] =	sst s10  }
0x32: {  	s10 =	sld [smem:$0x3FB4];
	_ =	sdelay $0x3  }
0x33: {  	p0 =	seq.s32 s10, $0x1;
	s10 =	sld [smem:$0x3FB6];
	_ =	sdelay $0x3  }
0x34: {  	[smem:$0x3FB6] =	sst s10  }
0x35: {  	s10 =	sld [smem:$0x3FB5];
	_ =	sdelay $0x3  }
0x36: {  	p1 =	seq.s32 s10, $0x1;
	s10 =	sld [smem:$0x3FB6];
	_ =	sdelay $0x3  }
0x37: {  	[smem:$0x3FB6] =	sst s10  }
0x38: {  	s10 =	sld [smem:$0x3FB7]  }
0x39: {  	_ = 	snop;
	(pc) =	sbr.ind lr, $3  }
0x3a: {  	_ = 	snop  }
0x3b: {  	_ = 	snop  }
0x3c: {  	p2 =	seq.s32 s10, $0x1;
	s10 =	sld [smem:$0x3FB6]  }
0x3d: {  	_ =	shalt  }
0x3e: {  	_ =	shalt  }
0x3f: {  	_ =	shalt  }
0x40: {  	_ =	shalt  }
0x41: {  	_ =	shalt  }
0x42: {  	_ =	shalt  }
0x43: {  	_ =	shalt  }
0x44: {  	_ =	shalt  }
0x45: {  	_ =	shalt  }
0x46: {  	_ =	shalt  }
0x47: {  	_ =	shalt  }
0x48: {  	_ =	shalt  }
0x49: {  	_ =	shalt  }
0x4a: {  	_ =	shalt  }
0x4b: {  	_ =	shalt  }
0x4c: {  	_ =	shalt  }
0x4d: {  	_ =	shalt  }
0x4e: {  	_ =	shalt  }
0x4f: {  	_ =	shalt  }
0x50: {  	_ =	shalt  }
0x51: {  	_ =	shalt  }
0x52: {  	_ =	shalt  }
0x53: {  	_ =	shalt  }
0x54: {  	_ =	shalt  }
0x55: {  	_ =	shalt  }
0x56: {  	_ =	shalt  }
0x57: {  	_ =	shalt  }
0x58: {  	_ =	shalt  }
0x59: {  	_ =	shalt  }
0x5a: {  	_ =	shalt  }
0x5b: {  	_ =	shalt  }
0x5c: {  	_ =	shalt  }
0x5d: {  	_ =	shalt  }
0x5e: {  	_ =	shalt  }
0x5f: {  	_ =	shalt  }
0x60: {  	_ =	shalt  }
0x61: {  	_ =	shalt  }
0x62: {  	_ =	shalt  }
0x63: {  	_ =	shalt  }
0x64: {  	_ =	shalt  }
0x65: {  	_ =	shalt  }
0x66: {  	_ =	shalt  }
0x67: {  	_ =	shalt  }
0x68: {  	_ =	shalt  }
0x69: {  	_ =	shalt  }
0x6a: {  	_ =	shalt  }
0x6b: {  	_ =	shalt  }
0x6c: {  	_ =	shalt  }
0x6d: {  	_ =	shalt  }
0x6e: {  	_ =	shalt  }
0x6f: {  	_ =	shalt  }
0x70: {  	_ =	shalt  }
0x71: {  	_ =	shalt  }
0x72: {  	_ =	shalt  }
0x73: {  	_ =	shalt  }
0x74: {  	_ =	shalt  }
0x75: {  	_ =	shalt  }
0x76: {  	_ =	shalt  }
0x77: {  	_ =	shalt  }
0x78: {  	_ =	shalt  }
0x79: {  	_ =	shalt  }
0x7a: {  	_ =	shalt  }
0x7b: {  	_ =	shalt  }
0x7c: {  	_ =	shalt  }
0x7d: {  	_ =	shalt  }
0x7e: {  	_ =	shalt  }
0x7f: {  	_ =	shalt  }
0x80: {  	_ =	shalt  }
0x81: {  	_ =	shalt  }
0x82: {  	_ =	shalt  }
0x83: {  	_ =	shalt  }
0x84: {  	_ =	shalt  }
0x85: {  	_ =	shalt  }
0x86: {  	_ =	shalt  }
0x87: {  	_ =	shalt  }
.Lfunc_end0:
.L_simem_size_0:
called_computation.2_lowered:
.L_overlay_start_0:
0x88: {  	s2 =	sld [smem:$0x3FD9]  }
0x89: {  	s3 =	sld [smem:$0x3FFE];
	_ =	sdelay $0x1  }
0x8a: {  	s1 =	srdreg.scid  }
0x8b: {  	s0 =	sand.u32 $0x1, s1  }
0x8c: {  	s17 =	sshll.u32 s0, $0xA;
	s2 =	sadd.s32 s3, s2  }
0x8d: {  	s2 =	sadd.s32 s2, s17  }
0x8e: {  	[smem:$0x3FC2] =	sst s2  }
0x8f: {  	_ = 	snop  }
0x90: {  	s2 =	sld [smem:$0x3FD0];
	(tm) =	ssettm $0x1  }
0x91: {  	s18 =	sld [smem:$0x3FFB];
	_ =	sdelay $0x3  }
0x92: {  	_ =	strace s18  }
0x93: {  	s3 =	sld [smem:$0x3FFC];
	_ =	sdelay $0x3  }
0x94: {  	_ =	strace s3  }
0x95: {  	s3 =	sld [smem:$0x3FFD];
	_ =	sdelay $0x3  }
0x96: {  	_ =	strace s3  }
0x97: {  	_ =	strace $0x8FFFFFFF  }
0x98: {  	s19 =	sld [smem:$0x3FDB];
	_ =	sdelay $0x1  }
0x99: {  	s4 =	simm.s32 $_scs_section_size  }
0x9a: {  	s5 =	simm.s32 $_size__tile_overlayer_lowered;
	s6 =	simm.s32 $_tile_overlayer_lowered  }
0x9b: {  	s22 =	simm.s32 $0x1BFF;
	s21 =	sshll.u32 s6, $0x1;
	s3 =	sadd.s32 s4, s19  }
0x9c: {  	s7 =	simm.s32 $0x0;
	s20 =	sshll.u32 s5, $0x1;
	s5 =	sadd.s32 s21, s3  }
0x9d: {  	[timem:s7], [sflag:s22] =	dma.local [hbm:s5], s20  }
0x9e: {  	_ =	swait.ge [sflag:s22], s20  }
0x9f: {  	s4 =	ssub.s32 $0x0, s20;
	[sflag:s22] =	ssyncset.done $0x0  }
0xa0: {  	[sflag:s22] =	ssyncadd.s32 s4;
	_ =	sdelay $0x1  }
0xa1: {  	s23 =	simm.s32 $0x1B8B  }
0xa2: {  	_ =	swait.ge [sflag:s23], $0x1  }
0xa3: {  	[sflag:s23] =	ssyncset.done $0x0  }
0xa4: {  	s25 =	simm.s32 $0x1B8E;
	s24 =	sld [smem:$0x3FFE];
	[sflag:s23] =	ssyncadd.s32 $0xFFFFFFFF  }
0xa5: {  	s26 =	simm.s32 $execute0_lowered;
	[smem:$0x3FD2] =	sst s25  }
0xa6: {  	s5 =	sshll.u32 s26, $0x1;
	_ =	strace $0x8000004C;
	[dreg:$0x1] =	wrdreg $0xFFFFFFFF  }
0xa7: {  	s28 =	simm.s32 $_size_execute0_lowered;
	s3 =	sadd.s32 s3, s5;
	[dreg:$0x0] =	wrdreg $0x0  }
0xa8: {  	s5 =	sshll.u32 s28, $0x1;
	[dreg:$0x2] =	wrdreg s3  }
0xa9: {  	[dreg:$0x3] =	wrdreg s5  }
0xaa: {  	[dreg:$0x4] =	wrdreg $0xC0  }
0xab: {  	_ =	task [dreg:s7], $0x5FFFF  }
0xac: {  	[dreg:$0x1] =	wrdreg $0xFFFFFFFF  }
0xad: {  	[dreg:$0x0] =	wrdreg $0x60  }
0xae: {  	[dreg:$0x2] =	wrdreg s2  }
0xaf: {  	[dreg:$0x3] =	wrdreg s24  }
0xb0: {  	[dreg:$0x4] =	wrdreg $0x5A000  }
0xb1: {  	[dreg:$0x5] =	wrdreg $0x9  }
0xb2: {  	_ =	task.clear_ibuf [dreg:s7], $0x6FFFF;
	_ =	strace $0x9000004C  }
0xb3: {  	s29 =	simm.s32 $0x9;
	_ =	strace $0x8000004E  }
0xb4: {  	_ =	swait.ge [sflag:s29], $0x1  }
0xb5: {  	[sflag:s29] =	ssyncadd.s32 $0xFFFFFFFF  }
0xb6: {  	_ =	strace $0x9000004E  }
0xb7: {  	_ =	sfence  }
0xb8: {  	s30 =	sld [smem:$0x0];
	_ =	sdelay $0x2  }
0xb9: {  	s31 =	sshll.u32 s1, $0xD;
	s1 =	sshrl.u32 s1, $0x2  }
0xba: {  	s3 =	sand.u32 $0x4000, s31;
	s1 =	sadd.s32 s1, s30  }
0xbb: {  	s0 =	sor.u32 s3, s0;
	s1 =	sshll.u32 s1, $0x11  }
0xbc: {  	s0 =	sor.u32 s1, s0  }
0xbd: {  	s0 =	sadd.s32 $0x8F2B, s0  }
0xbe: {  	[sflag:s0] =	ssyncadd.remote.s32 $0x1  }
0xbf: {  	_ =	sfence.sel $0xFFFF  }
0xc0: {  	[dreg:$0x0] =	wrdreg $0xFFFFFFFF;
	(pc) =	sbr.abs _section_cstart, $3  }
0xc1: {  	[dreg:$0x1] =	wrdreg $0xFFFFFFFF  }
0xc2: {  	_ =	task.clear_ibuf [dreg:s7], $0x2FFFF;
	_ =	strace $0x9FFFFFFF  }
0xc3: {  	(tm) =	ssettm $0x7FFFFFFF  }
tec
execute0_lowered:
.L_overlay_start_1:
0x0: {  	(tag) =	ssettag $0x1  }
0x1: {  	s1 =	rddreg [dreg:$0x0]  }
0x2: {  	s0 =	rddreg [dreg:$0x1]  }
0x3: {  	s3 =	rddreg [dreg:$0x2]  }
0x4: {  	s2 =	srdreg.scid;
	s13 =	stileid.u32  }
0x5: {  	s4 =	simm.s32 $0x0;
	s28 =	simm.s32 $0x2;
	s29 =	simm.s32 $0x780  }
0x6: {  	s30 =	simm.s32 $0x3200;
	s31 =	simm.s32 $0x3;
	s2 =	sand.u32 $0x1, s2  }
0x7: {  	s5 =	smul.u32 $0x18700, s13;
	[smem:$0x7FF] =	sst s4;
	s8 =	sadd.s32 $0x3000, s0  }
0x8: {  	s9 =	sadd.s32 $0xC6600, s0;
	s10 =	sshll.u32 s13, $0x6;
	s6 =	smul.u32 $0x187000, s2  }
0x9: {  	s7 =	sshll.u32 s2, $0x4;
	s17 =	ssub.s32 $0x2, s2;
	s2 =	smul.u32 $0x186000, s2  }
0xa: {  	_ =	strace $0x8000004D;
	s25 =	sor.u32 s13, s7;
	s13 =	smul.u32 $0x18600, s13  }
0xb: {  	[dreg:$0x4] =	wrdreg s9;
	s18 =	sshrl.u32 s17, $0x1;
	s7 =	smul.u32 $0x18600, s25  }
0xc: {  	s6 =	sadd.s32 s5, s6;
	s11 =	smul.u32 $0x280, s25;
	s12 =	ssub.s32 s17, s18  }
0xd: {  	s5 =	sadd.s32 s5, s3;
	p0 =	sgt.u32 s25, $0x7;
	s25 =	simm.s32 $0x280  }
0xe: {  	s6 =	sshrl.u32 s6, $0x3;
	s12 =	smax.u32 s12, $0x1;
	s24 =	sadd.s32 s13, s2  }
0xf: {  	s0 =	sadd.s32 s6, s0;
	s6 =	sor.u32 $0x1C06, s10;
	s7 =	sshrl.u32 s7, $0x3  }
0x10: {  	s19 =	sshrl.u32 s11, $0x3;
	s2 =	sadd.s32 $0xA00, s24;
	s26 =	sadd.s32 $0x30DE00, s24  }
0x11: {  	s18 =	sadd.s32 $0x30DB80, s24;
	s7 =	sadd.s32 s8, s7;
	s20 =	sadd.s32 s8, s19  }
0x12: {  	s0 =	sadd.s32 $0xC9800, s0;
	s2 =	sshrl.u32 s2, $0x3;
	s19 =	sshrl.u32 s18, $0x3  }
0x13: {  	s21 =	sadd.s32 $0x61A80, s7;
	s22 =	sadd.s32 $0x61800, s20;
	s23 =	sadd.s32 $0xC3280, s20  }
0x14: {  	[dreg:$0x8] =	wrdreg s0;
	s13 =	sadd.s32 $0x50, s7;
	s14 =	sadd.s32 $0x61AD0, s7  }
0x15: {  	s15 =	sadd.s32 $0xA0, s7;
	s16 =	sadd.s32 $0x61B20, s7;
	s17 =	sadd.s32 s2, s8  }
0x16: {  	s2 =	sshrl.u32 s26, $0x3;
	s0 =	sadd.s32 $0x780, s24;
	[dreg:$0x5] =	wrdreg s21  }
.Ltmp0:
0x17: {  	s19 =	sadd.s32 s19, s8;
	[dreg:$0x6] =	wrdreg s22;
	(pc) =	sbr.rel .LBB2_1-.Ltmp0, $4  }
0x18: {  	s24 =	simm.s32 $0x1;
	s26 =	simm.s32 $0xA00;
	[dreg:$0x7] =	wrdreg s23  }
0x19: {  	s18 =	sadd.s32 s2, s8;
	s0 =	sshrl.u32 s0, $0x3;
	s21 =	sshrl.u32 s5, $0x3  }
0x1a: {  	s22 =	simm.s32 $0x6;
	s23 =	simm.s32 $0x500;
	s2 =	simm.s32 $0x5  }
0x1b: {  	s5 =	simm.s32 $0x0;
	s20 =	sadd.s32 s0, s8;
	s0 =	simm.s32 $0x4  }
.LBB2_4:
0x1c: {  	_ =	swait.ge [sflag:s2], $0x2800  }
0x1d: {  	[sflag:s2] =	ssyncset.done $0x0  }
0x1e: {  	s8 =	simm.s32 @!p0 $0x0;
	s9 =	rddreg [dreg:$0x6];
	[sflag:s2] =	ssyncadd.s32 $0xFFFFD800  }
0x1f: {  	[tilespmem:s8], [sflag:$0x1] =	stream.linear.gather @!p0 [hbm4b:s9+s8], $0x280, $0x38;
	[tilespmem:$0x1E100] =	vst v63  }
0x20: {  	s10 =	rddreg [dreg:$0x7];
	s9 =	simm.s32 @!p0 $0x500  }
0x21: {  	[tilespmem:s9], [sflag:$0x1] =	stream.linear.gather @!p0 [hbm4b:s10+s8], $0x280, $0x38;
	[tilespmem:$0x1E100] =	vst v63  }
0x22: {  	s10 =	simm.s32 @!p0 $0x1  }
0x23: {  	_ =	swait.ge @!p0 [sflag:s10], $0x280  }
0x24: {  	[sflag:s10] =	ssyncset.done @!p0 $0x0  }
0x25: {  	[sflag:s10] =	ssyncadd.s32 @!p0 $0xFFFFFD80  }
0x26: {  	_ =	swait.ge @!p0 [sflag:s10], $0x280  }
0x27: {  	[sflag:s10] =	ssyncset.done @!p0 $0x0  }
0x28: {  	s11 =	simm.s32 @!p0 $0xA00;
	[sflag:s10] =	ssyncadd.s32 @!p0 $0xFFFFFD80;
	s10 =	simm.s32 @!p0 $0x280  }
0x29: {  	[tilespmem:s11], [sflag:$0x2] =	stream.indirect.gather @!p0 [hbm4b:s1+s10], $0x10, s8, s10, $0xb8;
	[tilespmem:$0x1E100] =	vst v63  }
0x2a: {  	s8 =	simm.s32 @!p0 $0x2  }
0x2b: {  	_ =	swait.ge @!p0 [sflag:s8], $0x2800  }
0x2c: {  	[sflag:s8] =	ssyncset.done @!p0 $0x0  }
0x2d: {  	[sflag:s8] =	ssyncadd.s32 @!p0 $0xFFFFD800;
	s8 =	simm.s32 @!p0 $0x4  }
0x2e: {  	[spmem:s3] =	stream.indirect.scatter.add.f32 @!p0 [tilespmem:s11], [sflag:$0x4], $0x10, s9, s10, $0xb8;
	[tilespmem:$0x1E100] =	vst v63  }
0x2f: {  	_ =	swait.ge @!p0 [sflag:s8], $0x2800  }
0x30: {  	[sflag:s8] =	ssyncset.done @!p0 $0x0  }
0x31: {  	s5 =	sadd.s32 $0x1, s5;
	[sflag:s8] =	ssyncadd.s32 @!p0 $0xFFFFD800  }
0x32: {  	p1 =	sne.s32 s5, s12;
	[bflag:$0x0] =	sbarrier.arrive $0xFFFF  }
.Ltmp1:
0x33: {  	s11 =	rddreg [dreg:$0x8];
	(pc) =	sbr.rel @!p1 .LBB2_5-.Ltmp1, $4  }
0x34: {  	[hbm:s11], [sflag:s6] =	dma.local [spmem:s21], $0x30E0  }
0x35: {  	_ =	swait.ge [sflag:s22], $0x30E0  }
0x36: {  	[sflag:s22] =	ssyncset.done $0x0  }
0x37: {  	[sflag:s22] =	ssyncadd.s32 $0xFFFFCF20  }
.LBB2_1:
0x38: {  	s8 =	rddreg [dreg:$0x4]  }
0x39: {  	[spmem:s21], [sflag:s6] =	dma.local [hbm:s8], $0x30E0  }
0x3a: {  	_ =	swait.ge [sflag:s22], $0x30E0  }
0x3b: {  	[sflag:s22] =	ssyncset.done $0x0  }
0x3c: {  	[sflag:s22] =	ssyncadd.s32 $0xFFFFCF20  }
0x3d: {  	[bflag:$0x0] =	sbarrier.arrive $0xFFFF  }
0x3e: {  	[tilespmem:s4], [sflag:$0x1] =	stream.linear.gather [hbm4b:s7+s4], $0x280, $0x38;
	[tilespmem:$0x1E100] =	vst v63  }
0x3f: {  	s11 =	rddreg [dreg:$0x5]  }
0x40: {  	[tilespmem:s23], [sflag:$0x1] =	stream.linear.gather [hbm4b:s11+s4], $0x280, $0x38;
	[tilespmem:$0x1E100] =	vst v63  }
0x41: {  	_ =	swait.ge [sflag:s24], $0x280  }
0x42: {  	[sflag:s24] =	ssyncset.done $0x0  }
0x43: {  	[sflag:s24] =	ssyncadd.s32 $0xFFFFFD80  }
0x44: {  	_ =	swait.ge [sflag:s24], $0x280  }
0x45: {  	[sflag:s24] =	ssyncset.done $0x0  }
0x46: {  	[sflag:s24] =	ssyncadd.s32 $0xFFFFFD80  }
0x47: {  	[tilespmem:s26], [sflag:$0x2] =	stream.indirect.gather [hbm4b:s1+s25], $0x10, s4, s25, $0xb8;
	[tilespmem:$0x1E100] =	vst v63  }
0x48: {  	_ =	swait.ge [sflag:s28], $0x2800  }
0x49: {  	[sflag:s28] =	ssyncset.done $0x0  }
0x4a: {  	[sflag:s28] =	ssyncadd.s32 $0xFFFFD800  }
0x4b: {  	[tilespmem:s25], [sflag:$0x1] =	stream.linear.gather [hbm4b:s13+s4], $0x280, $0x38;
	[tilespmem:$0x1E100] =	vst v63  }
0x4c: {  	_ = 	snop  }
0x4d: {  	[tilespmem:s29], [sflag:$0x1] =	stream.linear.gather [hbm4b:s14+s4], $0x280, $0x38;
	[tilespmem:$0x1E100] =	vst v63  }
0x4e: {  	_ = 	snop  }
0x4f: {  	[spmem:s3] =	stream.indirect.scatter.add.f32 [tilespmem:s26], [sflag:$0x4], $0x10, s23, s25, $0xb8;
	[tilespmem:$0x1E100] =	vst v63  }
0x50: {  	_ =	swait.ge [sflag:s24], $0x280  }
0x51: {  	[sflag:s24] =	ssyncset.done $0x0  }
0x52: {  	[sflag:s24] =	ssyncadd.s32 $0xFFFFFD80  }
0x53: {  	_ =	swait.ge [sflag:s24], $0x280  }
0x54: {  	[sflag:s24] =	ssyncset.done $0x0  }
0x55: {  	[sflag:s24] =	ssyncadd.s32 $0xFFFFFD80  }
0x56: {  	[tilespmem:s30], [sflag:$0x3] =	stream.indirect.gather [hbm4b:s1+s25], $0x10, s25, s25, $0xb8;
	[tilespmem:$0x1E100] =	vst v63  }
0x57: {  	_ =	swait.ge [sflag:s31], $0x2800  }
0x58: {  	[sflag:s31] =	ssyncset.done $0x0  }
0x59: {  	[sflag:s31] =	ssyncadd.s32 $0xFFFFD800  }
0x5a: {  	_ =	swait.ge [sflag:s0], $0x2800  }
0x5b: {  	[sflag:s0] =	ssyncset.done $0x0  }
0x5c: {  	[sflag:s0] =	ssyncadd.s32 $0xFFFFD800  }
0x5d: {  	[spmem:s3] =	stream.indirect.scatter.add.f32 [tilespmem:s30], [sflag:$0x5], $0x10, s29, s25, $0xb8;
	[tilespmem:$0x1E100] =	vst v63  }
0x5e: {  	_ = 	snop  }
0x5f: {  	[tilespmem:s4], [sflag:$0x1] =	stream.linear.gather [hbm4b:s15+s4], $0x280, $0x38;
	[tilespmem:$0x1E100] =	vst v63  }
0x60: {  	_ = 	snop  }
0x61: {  	[tilespmem:s23], [sflag:$0x1] =	stream.linear.gather [hbm4b:s16+s4], $0x280, $0x38;
	[tilespmem:$0x1E100] =	vst v63  }
0x62: {  	_ =	swait.ge [sflag:s24], $0x280  }
0x63: {  	[sflag:s24] =	ssyncset.done $0x0  }
0x64: {  	[sflag:s24] =	ssyncadd.s32 $0xFFFFFD80  }
0x65: {  	_ =	swait.ge [sflag:s24], $0x280  }
0x66: {  	[sflag:s24] =	ssyncset.done $0x0  }
0x67: {  	s8 =	simm.s32 $0x0;
	[sflag:s24] =	ssyncadd.s32 $0xFFFFFD80  }
0x68: {  	[tilespmem:s26], [sflag:$0x2] =	stream.indirect.gather [hbm4b:s1+s25], $0x10, s4, s25, $0xb8;
	[tilespmem:$0x1E100] =	vst v63  }
.LBB2_2:
0x69: {  	_ =	swait.ge [sflag:s28], $0x2800  }
0x6a: {  	[sflag:s28] =	ssyncset.done $0x0  }
0x6b: {  	[sflag:s28] =	ssyncadd.s32 $0xFFFFD800  }
0x6c: {  	_ =	swait.ge [sflag:s2], $0x2800  }
0x6d: {  	[sflag:s2] =	ssyncset.done $0x0  }
0x6e: {  	s9 =	sadd.s32 s8, s20;
	[sflag:s2] =	ssyncadd.s32 $0xFFFFD800  }
0x6f: {  	[tilespmem:s25], [sflag:$0x1] =	stream.linear.gather [hbm4b:s9+s4], $0x280, $0x38;
	[tilespmem:$0x1E100] =	vst v63  }
0x70: {  	s11 =	sadd.s32 s8, s19  }
0x71: {  	[tilespmem:s29], [sflag:$0x1] =	stream.linear.gather [hbm4b:s11+s4], $0x280, $0x38;
	[tilespmem:$0x1E100] =	vst v63  }
0x72: {  	_ = 	snop  }
0x73: {  	[spmem:s3] =	stream.indirect.scatter.add.f32 [tilespmem:s26], [sflag:$0x4], $0x10, s23, s25, $0xb8;
	[tilespmem:$0x1E100] =	vst v63  }
0x74: {  	_ =	swait.ge [sflag:s24], $0x280  }
0x75: {  	[sflag:s24] =	ssyncset.done $0x0  }
0x76: {  	[sflag:s24] =	ssyncadd.s32 $0xFFFFFD80  }
0x77: {  	_ =	swait.ge [sflag:s24], $0x280  }
0x78: {  	[sflag:s24] =	ssyncset.done $0x0  }
0x79: {  	[sflag:s24] =	ssyncadd.s32 $0xFFFFFD80  }
0x7a: {  	[tilespmem:s30], [sflag:$0x3] =	stream.indirect.gather [hbm4b:s1+s25], $0x10, s25, s25, $0xb8;
	[tilespmem:$0x1E100] =	vst v63  }
0x7b: {  	_ =	swait.ge [sflag:s31], $0x2800  }
0x7c: {  	p1 =	seq.s32 s8, $0x2F80;
	[sflag:s31] =	ssyncset.done $0x0  }
.Ltmp2:
0x7d: {  	[sflag:s31] =	ssyncadd.s32 $0xFFFFD800;
	(pc) =	sbr.rel @p1 .LBB2_4-.Ltmp2, $4  }
0x7e: {  	_ =	swait.ge [sflag:s0], $0x2800  }
0x7f: {  	[sflag:s0] =	ssyncset.done $0x0  }
0x80: {  	[sflag:s0] =	ssyncadd.s32 $0xFFFFD800  }
0x81: {  	[spmem:s3] =	stream.indirect.scatter.add.f32 [tilespmem:s30], [sflag:$0x5], $0x10, s29, s25, $0xb8;
	[tilespmem:$0x1E100] =	vst v63  }
0x82: {  	s9 =	sadd.s32 s8, s17  }
0x83: {  	[tilespmem:s4], [sflag:$0x1] =	stream.linear.gather [hbm4b:s9+s4], $0x280, $0x38;
	[tilespmem:$0x1E100] =	vst v63  }
0x84: {  	s11 =	sadd.s32 s8, s18  }
0x85: {  	[tilespmem:s23], [sflag:$0x1] =	stream.linear.gather [hbm4b:s11+s4], $0x280, $0x38;
	[tilespmem:$0x1E100] =	vst v63  }
0x86: {  	_ =	swait.ge [sflag:s24], $0x280  }
0x87: {  	[sflag:s24] =	ssyncset.done $0x0  }
.Ltmp3:
0x88: {  	[sflag:s24] =	ssyncadd.s32 $0xFFFFFD80;
	(pc) =	sbr.rel .LBB2_2-.Ltmp3, $4  }
0x89: {  	_ =	swait.ge [sflag:s24], $0x280  }
0x8a: {  	[sflag:s24] =	ssyncset.done $0x0  }
0x8b: {  	s8 =	sadd.s32 $0xA0, s8;
	[sflag:s24] =	ssyncadd.s32 $0xFFFFFD80  }
0x8c: {  	[tilespmem:s26], [sflag:$0x2] =	stream.indirect.gather [hbm4b:s1+s25], $0x10, s4, s25, $0xb8;
	[tilespmem:$0x1E100] =	vst v63  }
.LBB2_5:
0x8d: {  	_ =	sfence.sel $0x180000  }
0x8e: {  	[bflag:$0x0] =	sbarrier.arrive $0xFFFF  }
0x8f: {  	_ =	strace $0x9000004D  }
0x90: {  	s0 =	stileid.u32;
	[bflag:$0x2] =	sbarrier.arrive $0xFFFF  }
0x91: {  	p0 =	sne.s32 s0, $0x0;
	s0 =	rddreg [dreg:$0x3]  }
0x92: {  	s0 =	sadd.s32 @!p0 $0x100000, s0  }
0x93: {  	[sflag:s0] =	ssyncadd.tile.s32 @!p0 $0x1;
	_ =	shalt  }
.Lfunc_end2:
_tile_overlayer_lowered:
.L_overlay_start_2:
0x94: {  	(tag) =	ssettag $0x2  }
0x95: {  	s0 =	rddreg [dreg:$0x0];
	s2 =	stileid.u32  }
0x96: {  	s1 =	rddreg [dreg:$0x1];
	p0 =	sne.s32 s2, $0x0  }
0x97: {  	s3 =	rddreg [dreg:$0x2];
	[bflag:$0x3] =	sbarrier.arrive $0xFFFF;
	s2 =	simm.s32 @!p0 $0x1C06  }
0x98: {  	[timem:s3], [sflag:s2] =	dma.local @!p0 [hbm:s0], s1  }
0x99: {  	s0 =	simm.s32 @!p0 $0x6  }
0x9a: {  	_ =	swait.ge @!p0 [sflag:s0], s1  }
0x9b: {  	s1 =	ssub.s32 @!p0 $0x0, s1;
	[sflag:s0] =	ssyncset.done @!p0 $0x0  }
0x9c: {  	[sflag:s0] =	ssyncadd.s32 @!p0 s1  }
0x9d: {  	[bflag:$0x3] =	sbarrier.arrive $0xFFFF  }
0x9e: {  	_ =	shalt  }

// kernel: kernel.15.cloned.1.call-start
scs
__scs_entry_jumppad:
0x0: {  	(pc) =	sbr.rel $0x88, $3  }
0x1: {  	(tag) =	ssettag $0x0;
	lr =	simm.s32 $0x1  }
0x2: {  	[smem:$0x3F9B] =	sst lr;
	_ =	strace $0xD0000000  }
0x3: {  	_ = 	snop  }
0x4: {  	_ = 	snop  }
0x5: {  	_ = 	snop  }
0x6: {  	_ = 	snop  }
0x7: {  	_ = 	snop  }
__scs_overlays_trampoline_lowered:
0x8: {  	[smem:$0x3FAA] =	sst s0  }
0x9: {  	[smem:$0x3FAB] =	sst s1  }
0xa: {  	[smem:$0x3FAC] =	sst s2  }
0xb: {  	[smem:$0x3FAD] =	sst s3  }
0xc: {  	[smem:$0x3FAE] =	sst s4  }
0xd: {  	[smem:$0x3FAF] =	sst s5  }
0xe: {  	[smem:$0x3FB0] =	sst s6  }
0xf: {  	[smem:$0x3FB1] =	sst s7  }
0x10: {  	[smem:$0x3FB2] =	sst s8  }
0x11: {  	[smem:$0x3FB3] =	sst s9;
	s0 =	simm.s32 @!p0 $0x0  }
0x12: {  	s1 =	sld [smem:$0x3F99];
	s0 =	simm.s32 @p0 $0x1  }
0x13: {  	[smem:$0x3FB4] =	sst s0;
	s0 =	simm.s32 @!p1 $0x0  }
0x14: {  	s2 =	sld [smem:$0x3F98];
	s0 =	simm.s32 @p1 $0x1  }
0x15: {  	[smem:$0x3FB5] =	sst s0;
	s0 =	simm.s32 @!p2 $0x0  }
0x16: {  	s3 =	sld [smem:$0x3FDB];
	s0 =	simm.s32 @p2 $0x1  }
0x17: {  	s4 =	simm.s32 $0x1BF5;
	[smem:$0x3FB7] =	sst s0  }
0x18: {  	s0 =	sld [smem:$0x3F9A];
	_ =	swait.ge [sflag:s4], $0x0  }
0x19: {  	s7 =	sld [smem:$0x3F9B]  }
0x1a: {  	s8 =	sadd.s32 $0xFFFFE003, lr  }
0x1b: {  	s9 =	sadd.s32 $0xFFFFFEF7, lr;
	s5 =	simm.s32 $0xFFFFFFFF;
	p2 =	slt.u32 s8, $0xFFFFF086  }
0x1c: {  	p1 =	slt.u32 s9, $0xF7A;
	s5 =	simm.s32 @!p2 $0x0  }
0x1d: {  	s5 =	simm.s32 @p1 $0x1;
	p0 =	seq.s32 s7, s2  }
0x1e: {  	s7 =	smul.u32 @!p0 $0xF7A, s2;
	p2 =	seq.s32 @!p0 s5, $0x0  }
0x1f: {  	s9 =	smul.u32 $0xF7A, s1;
	s8 =	simm.s32 @!p0 $0x1BF5;
	p2 =	por !p2, p0  }
0x20: {  	[sflag:s8] =	ssyncset.s32 @!p0 $0xFFFFF086;
	s6 =	sadd.s32 @!p0 s3, s7;
	s7 =	simm.s32 @!p0 $0x108  }
0x21: {  	s3 =	sadd.s32 s3, s9;
	s6 =	sadd.s32 @!p0 $0x88, s6;
	s7 =	simm.s32 @p2 $0x1082  }
0x22: {  	[simem:s7], [sflag:s8] =	dma.local @!p0 [hbm:s6], $0xF7A  }
0x23: {  	s9 =	sor.u32 $0xD0000000, s2;
	s6 =	simm.s32 $0x108;
	_ =	swait.ge @!p0 [sflag:s8], $0x0  }
0x24: {  	s3 =	sadd.s32 $0x88, s3;
	s6 =	simm.s32 @!p1 $0x1082;
	[sflag:s4] =	ssyncset.s32 $0xFFFFF086  }
0x25: {  	[simem:s6], [sflag:s4] =	dma.local [hbm:s3], $0xF7A  }
0x26: {  	[smem:$0x3F9B] =	sst s1;
	(tag) =	ssettag s2;
	_ =	strace s9  }
0x27: {  	s1 =	sld [smem:$0x3FAB]  }
0x28: {  	s2 =	sld [smem:$0x3FAC]  }
0x29: {  	s4 =	sld [smem:$0x3FAE]  }
0x2a: {  	p0 =	seq.s32 s5, $0x0;
	s5 =	sld [smem:$0x3FAF]  }
0x2b: {  	s6 =	sld [smem:$0x3FB0]  }
0x2c: {  	s7 =	sld [smem:$0x3FB1]  }
0x2d: {  	s3 =	simm.s32 $0x108;
	s8 =	sld [smem:$0x3FB2]  }
0x2e: {  	s3 =	simm.s32 @!p0 $0x1082;
	s9 =	sld [smem:$0x3FB3]  }
0x2f: {  	lr =	sadd.s32 s0, s3;
	s0 =	sld [smem:$0x3FAA]  }
0x30: {  	s3 =	sld [smem:$0x3FAD]  }
0x31: {  	[smem:$0x3FB6] =	sst s10  }
0x32: {  	s10 =	sld [smem:$0x3FB4];
	_ =	sdelay $0x3  }
0x33: {  	p0 =	seq.s32 s10, $0x1;
	s10 =	sld [smem:$0x3FB6];
	_ =	sdelay $0x3  }
0x34: {  	[smem:$0x3FB6] =	sst s10  }
0x35: {  	s10 =	sld [smem:$0x3FB5];
	_ =	sdelay $0x3  }
0x36: {  	p1 =	seq.s32 s10, $0x1;
	s10 =	sld [smem:$0x3FB6];
	_ =	sdelay $0x3  }
0x37: {  	[smem:$0x3FB6] =	sst s10  }
0x38: {  	s10 =	sld [smem:$0x3FB7]  }
0x39: {  	_ = 	snop;
	(pc) =	sbr.ind lr, $3  }
0x3a: {  	_ = 	snop  }
0x3b: {  	_ = 	snop  }
0x3c: {  	p2 =	seq.s32 s10, $0x1;
	s10 =	sld [smem:$0x3FB6]  }
0x3d: {  	_ =	shalt  }
0x3e: {  	_ =	shalt  }
0x3f: {  	_ =	shalt  }
0x40: {  	_ =	shalt  }
0x41: {  	_ =	shalt  }
0x42: {  	_ =	shalt  }
0x43: {  	_ =	shalt  }
0x44: {  	_ =	shalt  }
0x45: {  	_ =	shalt  }
0x46: {  	_ =	shalt  }
0x47: {  	_ =	shalt  }
0x48: {  	_ =	shalt  }
0x49: {  	_ =	shalt  }
0x4a: {  	_ =	shalt  }
0x4b: {  	_ =	shalt  }
0x4c: {  	_ =	shalt  }
0x4d: {  	_ =	shalt  }
0x4e: {  	_ =	shalt  }
0x4f: {  	_ =	shalt  }
0x50: {  	_ =	shalt  }
0x51: {  	_ =	shalt  }
0x52: {  	_ =	shalt  }
0x53: {  	_ =	shalt  }
0x54: {  	_ =	shalt  }
0x55: {  	_ =	shalt  }
0x56: {  	_ =	shalt  }
0x57: {  	_ =	shalt  }
0x58: {  	_ =	shalt  }
0x59: {  	_ =	shalt  }
0x5a: {  	_ =	shalt  }
0x5b: {  	_ =	shalt  }
0x5c: {  	_ =	shalt  }
0x5d: {  	_ =	shalt  }
0x5e: {  	_ =	shalt  }
0x5f: {  	_ =	shalt  }
0x60: {  	_ =	shalt  }
0x61: {  	_ =	shalt  }
0x62: {  	_ =	shalt  }
0x63: {  	_ =	shalt  }
0x64: {  	_ =	shalt  }
0x65: {  	_ =	shalt  }
0x66: {  	_ =	shalt  }
0x67: {  	_ =	shalt  }
0x68: {  	_ =	shalt  }
0x69: {  	_ =	shalt  }
0x6a: {  	_ =	shalt  }
0x6b: {  	_ =	shalt  }
0x6c: {  	_ =	shalt  }
0x6d: {  	_ =	shalt  }
0x6e: {  	_ =	shalt  }
0x6f: {  	_ =	shalt  }
0x70: {  	_ =	shalt  }
0x71: {  	_ =	shalt  }
0x72: {  	_ =	shalt  }
0x73: {  	_ =	shalt  }
0x74: {  	_ =	shalt  }
0x75: {  	_ =	shalt  }
0x76: {  	_ =	shalt  }
0x77: {  	_ =	shalt  }
0x78: {  	_ =	shalt  }
0x79: {  	_ =	shalt  }
0x7a: {  	_ =	shalt  }
0x7b: {  	_ =	shalt  }
0x7c: {  	_ =	shalt  }
0x7d: {  	_ =	shalt  }
0x7e: {  	_ =	shalt  }
0x7f: {  	_ =	shalt  }
0x80: {  	_ =	shalt  }
0x81: {  	_ =	shalt  }
0x82: {  	_ =	shalt  }
0x83: {  	_ =	shalt  }
0x84: {  	_ =	shalt  }
0x85: {  	_ =	shalt  }
0x86: {  	_ =	shalt  }
0x87: {  	_ =	shalt  }
.Lfunc_end0:
.L_simem_size_0:
called_computation.3_lowered:
.L_overlay_start_0:
0x88: {  	s2 =	sld [smem:$0x3FD9]  }
0x89: {  	s3 =	sld [smem:$0x3FFE];
	_ =	sdelay $0x1  }
0x8a: {  	s1 =	srdreg.scid  }
0x8b: {  	s0 =	sand.u32 $0x1, s1  }
0x8c: {  	s17 =	sshll.u32 s0, $0xA;
	s2 =	sadd.s32 s3, s2  }
0x8d: {  	s2 =	sadd.s32 s2, s17  }
0x8e: {  	[smem:$0x3FC2] =	sst s2  }
0x8f: {  	_ = 	snop  }
0x90: {  	s2 =	sld [smem:$0x3FC4]  }
0x91: {  	s18 =	sld [smem:$0x3FD0];
	(tm) =	ssettm $0x1  }
0x92: {  	s4 =	sld [smem:$0x3FFB];
	_ =	sdelay $0x3  }
0x93: {  	_ =	strace s4  }
0x94: {  	s4 =	sld [smem:$0x3FFC];
	_ =	sdelay $0x3  }
0x95: {  	_ =	strace s4  }
0x96: {  	s4 =	sld [smem:$0x3FFD];
	_ =	sdelay $0x3  }
0x97: {  	_ =	strace s4  }
0x98: {  	_ =	strace $0x8FFFFFFF  }
0x99: {  	s19 =	sld [smem:$0x3FDB];
	_ =	sdelay $0x1  }
0x9a: {  	s5 =	simm.s32 $_scs_section_size  }
0x9b: {  	s6 =	simm.s32 $_size__tile_overlayer_lowered;
	s7 =	simm.s32 $_tile_overlayer_lowered  }
0x9c: {  	s22 =	simm.s32 $0x1BFF;
	s21 =	sshll.u32 s7, $0x1;
	s4 =	sadd.s32 s5, s19  }
0x9d: {  	s8 =	simm.s32 $0x0;
	s20 =	sshll.u32 s6, $0x1;
	s6 =	sadd.s32 s21, s4  }
0x9e: {  	[timem:s8], [sflag:s22] =	dma.local [hbm:s6], s20  }
0x9f: {  	_ =	swait.ge [sflag:s22], s20  }
0xa0: {  	s5 =	ssub.s32 $0x0, s20;
	[sflag:s22] =	ssyncset.done $0x0  }
0xa1: {  	[sflag:s22] =	ssyncadd.s32 s5;
	_ =	sdelay $0x1  }
0xa2: {  	s23 =	simm.s32 $0x1B8B  }
0xa3: {  	_ =	swait.ge [sflag:s23], $0x1  }
0xa4: {  	[sflag:s23] =	ssyncset.done $0x0  }
0xa5: {  	s25 =	simm.s32 $0x1B8E;
	s24 =	sld [smem:$0x3FFE];
	[sflag:s23] =	ssyncadd.s32 $0xFFFFFFFF  }
0xa6: {  	s26 =	simm.s32 $execute0_lowered;
	[smem:$0x3FD2] =	sst s25  }
0xa7: {  	s6 =	sshll.u32 s26, $0x1;
	_ =	strace $0x8000004F;
	[dreg:$0x1] =	wrdreg $0xFFFFFFFF  }
0xa8: {  	s28 =	simm.s32 $_size_execute0_lowered;
	s4 =	sadd.s32 s4, s6;
	[dreg:$0x0] =	wrdreg $0x0  }
0xa9: {  	s6 =	sshll.u32 s28, $0x1;
	[dreg:$0x2] =	wrdreg s4  }
0xaa: {  	[dreg:$0x3] =	wrdreg s6  }
0xab: {  	[dreg:$0x4] =	wrdreg $0xC0  }
0xac: {  	_ =	task [dreg:s8], $0x5FFFF  }
0xad: {  	[dreg:$0x1] =	wrdreg $0xFFFFFFFF  }
0xae: {  	[dreg:$0x0] =	wrdreg $0x60  }
0xaf: {  	[dreg:$0x2] =	wrdreg s24  }
0xb0: {  	[dreg:$0x3] =	wrdreg s2  }
0xb1: {  	[dreg:$0x4] =	wrdreg s18  }
0xb2: {  	[dreg:$0x5] =	wrdreg $0x9  }
0xb3: {  	_ =	task.clear_ibuf [dreg:s8], $0x6FFFF;
	_ =	strace $0x9000004F  }
0xb4: {  	s29 =	simm.s32 $0x9;
	_ =	strace $0x80000051  }
0xb5: {  	_ =	swait.ge [sflag:s29], $0x1  }
0xb6: {  	[sflag:s29] =	ssyncadd.s32 $0xFFFFFFFF  }
0xb7: {  	_ =	strace $0x90000051  }
0xb8: {  	_ =	sfence  }
0xb9: {  	s30 =	sld [smem:$0x0];
	_ =	sdelay $0x2  }
0xba: {  	s31 =	sshll.u32 s1, $0xD;
	s1 =	sshrl.u32 s1, $0x2  }
0xbb: {  	s3 =	sand.u32 $0x4000, s31;
	s1 =	sadd.s32 s1, s30  }
0xbc: {  	s0 =	sor.u32 s3, s0;
	s1 =	sshll.u32 s1, $0x11  }
0xbd: {  	s0 =	sor.u32 s1, s0  }
0xbe: {  	s0 =	sadd.s32 $0x8F2B, s0  }
0xbf: {  	[sflag:s0] =	ssyncadd.remote.s32 $0x1  }
0xc0: {  	_ =	sfence.sel $0xFFFF  }
0xc1: {  	[dreg:$0x0] =	wrdreg $0xFFFFFFFF;
	(pc) =	sbr.abs _section_cstart, $3  }
0xc2: {  	[dreg:$0x1] =	wrdreg $0xFFFFFFFF  }
0xc3: {  	_ =	task.clear_ibuf [dreg:s8], $0x2FFFF;
	_ =	strace $0x9FFFFFFF  }
0xc4: {  	(tm) =	ssettm $0x7FFFFFFF  }
0xc5: {  	_ =	shalt  }
tec
execute0_lowered:
.L_overlay_start_1:
0x0: {  	(tag) =	ssettag $0x1  }
0x1: {  	s8 =	rddreg [dreg:$0x0]  }
0x2: {  	s1 =	rddreg [dreg:$0x1]  }
0x3: {  	s2 =	rddreg [dreg:$0x2]  }
0x4: {  	s0 =	rddreg [dreg:$0x3];
	s3 =	simm.s32 $0x0;
	s4 =	srdreg.scid  }
0x5: {  	s11 =	simm.s32 $0x1;
	s12 =	simm.s32 $0x93A0;
	s13 =	simm.s32 $0x3  }
0x6: {  	s14 =	simm.s32 $0x30E0;
	s16 =	simm.s32 $0x2;
	s17 =	simm.s32 $0x0  }
0x7: {  	v0 =	vimm.s32 $0x0;
	[smem:$0x7FF] =	sst s3;
	s6 =	sand.u32 $0x1, s4;
	s5 =	sadd.s32 $0xC9800, s8  }
.Ltmp0:
0x8: {  	v1 =	vimm.s32 $0x1;
	v2 =	vimm.s32 $0x2;
	v3 =	vimm.s32 $0x3;
	s4 =	stileid.u32;
	_ =	strace $0x80000050;
	(pc) =	sbr.rel .LBB2_1-.Ltmp0, $4  }
0x9: {  	v4 =	vimm.s32 $0x4;
	v5 =	vimm.s32 $0x5;
	v6 =	vimm.s32 $0x6;
	s7 =	ssub.s32 $0x2, s6;
	s10 =	sshll.u32 s6, $0x4;
	s6 =	sadd.s32 $0x12B400, s8  }
0xa: {  	v7 =	vimm.s32 $0x7;
	v8 =	vimm.s32 $0x8;
	v9 =	vimm.s32 $0x9;
	s8 =	sadd.s32 $0xFA600, s8;
	s9 =	sshrl.u32 s7, $0x1;
	s15 =	sor.u32 s4, s10  }
0xb: {  	v10 =	vimm.s32 $0xA;
	v11 =	vimm.s32 $0xB;
	v12 =	vimm.s32 $0xC;
	s10 =	simm.s32 $0x92A0;
	s9 =	ssub.s32 s7, s9;
	s7 =	smul.u32 $0xC38, s15  }
0xc: {  	v13 =	vimm.s32 $0xD;
	v14 =	vimm.s32 $0xE;
	v15 =	vimm.s32 $0xF;
	p0 =	sne.s32 s15, $0x1F;
	s15 =	simm.s32 $0x61C0;
	s9 =	smax.u32 s9, $0x1  }
.LBB2_5:
0xd: {  	[hbm4b:s19+s3] =	stream.linear.scatter [tilespmem:s15], [sflag:$0x1], $0x2AE0, $0x38;
	[tilespmem:$0x93B0] =	vst v63  }
0xe: {  	_ =	swait.ge [sflag:s11], $0x2AE0  }
0xf: {  	[sflag:s11] =	ssyncset.done $0x0  }
0x10: {  	[sflag:s11] =	ssyncadd.s32 $0xFFFFD520  }
.LBB2_7:
0x11: {  	s17 =	sadd.s32 $0x1, s17  }
0x12: {  	p1 =	sne.s32 s17, s9  }
.Ltmp1:
0x13: {  	_ = 	snop;
	(pc) =	sbr.rel @!p1 .LBB2_8-.Ltmp1, $1  }
0x14: {  	_ =	sdelay $0x3  }
.LBB2_1:
0x15: {  	[tilespmem:s10], [sflag:$0x1] =	stream.linear.gather [hbm4b:s6+s3], $0x100, $0x38;
	[tilespmem:$0x93B0] =	vst v63  }
0x16: {  	_ =	swait.ge [sflag:s11], $0x100  }
0x17: {  	[sflag:s11] =	ssyncset.done $0x0  }
0x18: {  	[sflag:s11] =	ssyncadd.s32 $0xFFFFFF00  }
0x19: {  	[tilespmem:s12], [sflag:$0x1] =	stream.linear.gather [hbm4b:s1+s3], $0x10, $0x38;
	[tilespmem:$0x93B0] =	vst v63  }
0x1a: {  	_ =	swait.ge [sflag:s11], $0x10  }
0x1b: {  	[sflag:s11] =	ssyncset.done $0x0  }
0x1c: {  	[sflag:s11] =	ssyncadd.s32 $0xFFFFFFF0  }
0x1d: {  	v16 =	vld [tilespmem:$0x92A0]  }
0x1e: {  	v17 =	vld [tilespmem:$0x92B0]  }
0x1f: {  	v18 =	vld [tilespmem:$0x92C0]  }
0x20: {  	v19 =	vld [tilespmem:$0x92D0]  }
0x21: {  	v20 =	vld [tilespmem:$0x92E0]  }
0x22: {  	v21 =	vld [tilespmem:$0x92F0]  }
0x23: {  	v22 =	vld [tilespmem:$0x9300]  }
0x24: {  	v23 =	vld [tilespmem:$0x9310]  }
0x25: {  	v24 =	vld [tilespmem:$0x9320]  }
0x26: {  	v25 =	vld [tilespmem:$0x9330]  }
0x27: {  	v26 =	vld [tilespmem:$0x9340]  }
0x28: {  	v27 =	vld [tilespmem:$0x9350]  }
0x29: {  	v28 =	vld [tilespmem:$0x9360]  }
0x2a: {  	v29 =	vld [tilespmem:$0x9370]  }
0x2b: {  	v30 =	vld [tilespmem:$0x9380]  }
0x2c: {  	v31 =	vld [tilespmem:$0x9390]  }
0x2d: {  	s18 =	simm.s32 $0x0;
	v32 =	vld [tilespmem:$0x93A0]  }
.LBB2_2:
0x2e: {  	s19 =	smul.u32 $0x30E, s18;
	_ =	sdelay $0x1  }
0x2f: {  	s19 =	sadd.s32 s7, s19  }
0x30: {  	s19 =	sshll.u32 s19, $0x1  }
0x31: {  	s21 =	simm.s32 $0x0;
	s20 =	sadd.s32 s5, s19  }
0x32: {  	[tilespmem:s21], [sflag:$0x3] =	stream.linear.gather [hbm4b:s20+s21], $0x30E0, $0x38;
	[tilespmem:$0x93B0] =	vst v63  }
0x33: {  	_ =	swait.ge [sflag:s13], $0x30E0  }
0x34: {  	[sflag:s13] =	ssyncset.done $0x0  }
0x35: {  	s31 =	sadd.s32 s19, s8;
	[sflag:s13] =	ssyncadd.s32 $0xFFFFCF20  }
0x36: {  	[tilespmem:s14], [sflag:$0x3] =	stream.linear.gather [hbm4b:s31+s21], $0x30E0, $0x38;
	[tilespmem:$0x93B0] =	vst v63  }
0x37: {  	_ =	swait.ge [sflag:s13], $0x30E0  }
0x38: {  	[sflag:s13] =	ssyncset.done $0x0  }
0x39: {  	s20 =	simm.s32 $0x0;
	[sflag:s13] =	ssyncadd.s32 $0xFFFFCF20  }
0x3a: {  	v33 =	vld [tilespmem:s20+$0x0]  }
0x3b: {  	v34 =	vld [tilespmem:s20+$0x30E0];
	_ =	sdelay $0x4  }
0x3c: {  	v34 =	vadd.f32 v34, v33;
	_ =	sdelay $0x1  }
0x3d: {  	v33 =	vperm.xlane v34, v0;
	_ =	sdelay $0x1  }
0x3e: {  	v35 =	vperm.xlane v34, v1;
	v33 =	vmul.f32 v33, v16;
	_ =	sdelay $0x1  }
0x3f: {  	v36 =	vperm.xlane v34, v2;
	v35 =	vmul.f32 v35, v17;
	v33 =	vadd.f32 v33, v32;
	_ =	sdelay $0x1  }
0x40: {  	v46 =	vperm.xlane v34, v3;
	v45 =	vmul.f32 v36, v18;
	v33 =	vadd.f32 v35, v33;
	_ =	sdelay $0x1  }
0x41: {  	s21 =	simm.s32 $0x10;
	v48 =	vperm.xlane v34, v4;
	v47 =	vmul.f32 v46, v19;
	v33 =	vadd.f32 v45, v33  }
0x42: {  	v37 =	vld [tilespmem:s21+$0x0]  }
0x43: {  	v38 =	vld [tilespmem:s21+$0x30E0];
	v50 =	vperm.xlane v34, v5;
	v49 =	vmul.f32 v48, v20;
	v33 =	vadd.f32 v47, v33;
	_ =	sdelay $0x1  }
0x44: {  	v52 =	vperm.xlane v34, v6;
	v51 =	vmul.f32 v50, v21;
	v33 =	vadd.f32 v49, v33;
	_ =	sdelay $0x1  }
0x45: {  	v39 =	vperm.xlane v34, v7;
	v36 =	vmul.f32 v52, v22;
	v35 =	vadd.f32 v51, v33  }
0x46: {  	v33 =	vadd.f32 v38, v37  }
0x47: {  	v54 =	vperm.xlane v34, v8;
	v53 =	vmul.f32 v39, v23;
	v35 =	vadd.f32 v36, v35  }
0x48: {  	v38 =	vperm.xlane v33, v0  }
0x49: {  	v56 =	vperm.xlane v34, v9;
	v55 =	vmul.f32 v54, v24;
	v35 =	vadd.f32 v53, v35  }
0x4a: {  	v57 =	vperm.xlane v33, v1;
	v38 =	vmul.f32 v38, v16  }
0x4b: {  	v59 =	vperm.xlane v34, v10;
	v58 =	vmul.f32 v56, v25;
	v35 =	vadd.f32 v55, v35  }
0x4c: {  	v40 =	vperm.xlane v33, v2;
	v39 =	vmul.f32 v57, v17;
	v38 =	vadd.f32 v38, v32  }
0x4d: {  	v61 =	vperm.xlane v34, v11;
	v60 =	vmul.f32 v59, v26;
	v35 =	vadd.f32 v58, v35  }
0x4e: {  	v63 =	vperm.xlane v33, v3;
	v62 =	vmul.f32 v40, v18;
	v38 =	vadd.f32 v39, v38  }
0x4f: {  	v43 =	vperm.xlane v34, v12;
	v42 =	vmul.f32 v61, v27;
	v41 =	vadd.f32 v60, v35  }
0x50: {  	s22 =	simm.s32 $0x20;
	v37 =	vmul.f32 v63, v19;
	v36 =	vadd.f32 v62, v38;
	v38 =	vperm.xlane v33, v4  }
0x51: {  	s23 =	simm.s32 $0xC0;
	v40 =	vperm.xlane v34, v13;
	v35 =	vld [tilespmem:s22+$0x0];
	v39 =	vadd.f32 v42, v41;
	v41 =	vmul.f32 v43, v28  }
.LBB2_3:
0x52: {  	p1 =	sne.s32 s23, $0xC340;
	v42 =	vld [tilespmem:s22+$0x30E0];
	v36 =	vadd.f32 v37, v36;
	v37 =	vmul.f32 v38, v20;
	v38 =	vperm.xlane v33, v5  }
0x53: {  	v39 =	vadd.f32 v41, v39;
	v40 =	vmul.f32 v40, v29;
	v41 =	vperm.xlane v34, v14  }
0x54: {  	v36 =	vadd.f32 v37, v36;
	v37 =	vmul.f32 v38, v21;
	v38 =	vperm.xlane v33, v6  }
0x55: {  	v39 =	vadd.f32 v40, v39;
	v40 =	vmul.f32 v41, v30;
	v41 =	vperm.xlane v34, v15;
	v34 =	vmovc v33  }
0x56: {  	v36 =	vadd.f32 v37, v36;
	v37 =	vmul.f32 v38, v22;
	v38 =	vperm.xlane v34, v7  }
0x57: {  	v33 =	vadd.f32 v42, v35;
	v35 =	vadd.f32 v40, v39;
	v39 =	vmul.f32 v41, v31  }
0x58: {  	v36 =	vadd.f32 v37, v36;
	v37 =	vmul.f32 v38, v23;
	v38 =	vperm.xlane v34, v8  }
0x59: {  	v40 =	vperm.xlane v33, v0;
	v35 =	vadd.f32 v39, v35  }
0x5a: {  	v36 =	vadd.f32 v37, v36;
	v37 =	vmul.f32 v38, v24;
	v38 =	vperm.xlane v34, v9  }
0x5b: {  	v39 =	vmul.f32 v40, v16;
	v40 =	vperm.xlane v33, v1;
	[tilespmem:s20+$0x61C0] =	vst v35;
	s20 =	smov.u32 s21;
	s21 =	smov.u32 s22  }
0x5c: {  	v35 =	vadd.f32 v37, v36;
	v36 =	vmul.f32 v38, v25;
	v37 =	vperm.xlane v34, v10  }
0x5d: {  	v38 =	vadd.f32 v39, v32;
	v39 =	vmul.f32 v40, v17;
	v40 =	vperm.xlane v33, v2  }
.Ltmp2:
0x5e: {  	v35 =	vadd.f32 v36, v35;
	v36 =	vmul.f32 v37, v26;
	v37 =	vperm.xlane v34, v11;
	(pc) =	sbr.rel @p1 .LBB2_3-.Ltmp2, $4  }
0x5f: {  	v38 =	vadd.f32 v39, v38;
	v39 =	vmul.f32 v40, v18;
	v40 =	vperm.xlane v33, v3  }
0x60: {  	v43 =	vperm.xlane v34, v12;
	v41 =	vadd.f32 v36, v35;
	v42 =	vmul.f32 v37, v27  }
0x61: {  	s22 =	sshra.s32 s23, $0x2;
	v36 =	vadd.f32 v39, v38;
	v37 =	vmul.f32 v40, v19;
	v38 =	vperm.xlane v33, v4  }
0x62: {  	s23 =	sadd.s32 $0x40, s23;
	v40 =	vperm.xlane v34, v13;
	v35 =	vld [tilespmem:s22+$0x0];
	v39 =	vadd.f32 v42, v41;
	v41 =	vmul.f32 v43, v28  }
0x63: {  	v42 =	vld [tilespmem:s22+$0x30E0];
	_ =	sdelay $0x4  }
0x64: {  	v35 =	vadd.f32 v42, v35;
	_ =	sdelay $0x1  }
0x65: {  	v42 =	vperm.xlane v35, v0  }
0x66: {  	v51 =	vmul.f32 v38, v20  }
0x67: {  	v43 =	vperm.xlane v35, v1;
	v42 =	vmul.f32 v42, v16  }
0x68: {  	v55 =	vperm.xlane v33, v5;
	v58 =	vperm.xlane v34, v14  }
0x69: {  	v54 =	vperm.xlane v35, v2;
	v53 =	vmul.f32 v43, v17;
	v52 =	vadd.f32 v42, v32  }
0x6a: {  	v61 =	vperm.xlane v33, v6;
	v45 =	vperm.xlane v34, v15  }
0x6b: {  	v57 =	vperm.xlane v35, v3;
	v56 =	vmul.f32 v54, v18;
	v38 =	vadd.f32 v53, v52  }
0x6c: {  	v36 =	vadd.f32 v37, v36;
	v48 =	vperm.xlane v33, v7;
	v40 =	vmul.f32 v40, v29  }
0x6d: {  	v60 =	vperm.xlane v35, v4;
	v59 =	vmul.f32 v57, v19;
	v38 =	vadd.f32 v56, v38  }
0x6e: {  	v39 =	vadd.f32 v41, v39;
	v41 =	vmul.f32 v55, v21;
	v37 =	vmul.f32 v58, v30  }
0x6f: {  	v63 =	vperm.xlane v35, v5;
	v62 =	vmul.f32 v60, v20;
	v38 =	vadd.f32 v59, v38  }
0x70: {  	v36 =	vadd.f32 v51, v36;
	v34 =	vmul.f32 v45, v31;
	v51 =	vperm.xlane v33, v8  }
0x71: {  	v47 =	vperm.xlane v35, v6;
	v46 =	vmul.f32 v63, v21;
	v38 =	vadd.f32 v62, v38  }
0x72: {  	v39 =	vadd.f32 v40, v39;
	v40 =	vmul.f32 v61, v22;
	v36 =	vadd.f32 v41, v36  }
0x73: {  	v50 =	vperm.xlane v35, v7;
	v49 =	vmul.f32 v47, v22;
	v38 =	vadd.f32 v46, v38  }
0x74: {  	v37 =	vadd.f32 v37, v39;
	v39 =	vmul.f32 v48, v23;
	v36 =	vadd.f32 v40, v36  }
0x75: {  	v52 =	vmul.f32 v50, v23;
	v53 =	vperm.xlane v35, v8;
	v38 =	vadd.f32 v49, v38  }
0x76: {  	v55 =	vperm.xlane v33, v9;
	v36 =	vadd.f32 v39, v36;
	v54 =	vmul.f32 v51, v24  }
0x77: {  	v57 =	vperm.xlane v35, v9;
	v56 =	vmul.f32 v53, v24;
	v38 =	vadd.f32 v52, v38  }
0x78: {  	v58 =	vmul.f32 v55, v25;
	v36 =	vadd.f32 v54, v36;
	v59 =	vperm.xlane v33, v10  }
0x79: {  	v61 =	vperm.xlane v35, v10;
	v60 =	vmul.f32 v57, v25;
	v38 =	vadd.f32 v56, v38  }
0x7a: {  	v63 =	vperm.xlane v33, v11;
	v36 =	vadd.f32 v58, v36;
	v62 =	vmul.f32 v59, v26  }
0x7b: {  	v45 =	vmul.f32 v61, v26;
	v46 =	vperm.xlane v35, v11;
	v38 =	vadd.f32 v60, v38  }
0x7c: {  	v48 =	vperm.xlane v33, v12;
	v47 =	vmul.f32 v63, v27;
	v36 =	vadd.f32 v62, v36  }
0x7d: {  	v50 =	vperm.xlane v35, v12;
	v49 =	vmul.f32 v46, v27;
	v38 =	vadd.f32 v45, v38  }
0x7e: {  	v51 =	vmul.f32 v48, v28;
	v36 =	vadd.f32 v47, v36;
	v52 =	vperm.xlane v33, v13  }
0x7f: {  	v54 =	vperm.xlane v35, v13;
	v53 =	vmul.f32 v50, v28;
	v38 =	vadd.f32 v49, v38  }
0x80: {  	v36 =	vadd.f32 v51, v36;
	v55 =	vmul.f32 v52, v29;
	v56 =	vperm.xlane v33, v14  }
0x81: {  	v57 =	vmul.f32 v54, v29;
	v58 =	vperm.xlane v35, v14;
	v38 =	vadd.f32 v53, v38  }
0x82: {  	v36 =	vadd.f32 v55, v36;
	v59 =	vmul.f32 v56, v30;
	v60 =	vperm.xlane v33, v15  }
0x83: {  	p1 =	sne.s32 @!p0 s18, $0x3;
	v61 =	vmul.f32 v58, v30;
	v35 =	vperm.xlane v35, v15;
	v38 =	vadd.f32 v57, v38  }
0x84: {  	p1 =	por p0, p1;
	v36 =	vadd.f32 v59, v36;
	v33 =	vmul.f32 v60, v31  }
.Ltmp3:
0x85: {  	v34 =	vadd.f32 v34, v37;
	v35 =	vmul.f32 v35, v31;
	v62 =	vadd.f32 v61, v38;
	(pc) =	sbr.rel @!p1 .LBB2_5-.Ltmp3, $4  }
0x86: {  	v33 =	vadd.f32 v33, v36  }
0x87: {  	[tilespmem:s20+$0x61C0] =	vst v34;
	v63 =	vadd.f32 v35, v62  }
0x88: {  	[tilespmem:s21+$0x61C0] =	vst v33  }
0x89: {  	s19 =	sadd.s32 s2, s19;
	[tilespmem:s22+$0x61C0] =	vst v63  }
0x8a: {  	[hbm4b:s19+s3] =	stream.linear.scatter [tilespmem:s15], [sflag:$0x2], $0x30E0, $0x38;
	[tilespmem:$0x93B0] =	vst v63  }
0x8b: {  	s18 =	sadd.s32 $0x1, s18  }
0x8c: {  	p1 =	sne.s32 s18, $0x4  }
.Ltmp4:
0x8d: {  	_ = 	snop;
	(pc) =	sbr.rel @p1 .LBB2_2-.Ltmp4, $4  }
.Ltmp5:
0x8e: {  	_ = 	snop;
	(pc) =	sbr.rel @!p1 .LBB2_7-.Ltmp5, $4  }
0x8f: {  	_ =	swait.ge [sflag:s16], $0x30E0  }
0x90: {  	[sflag:s16] =	ssyncset.done $0x0  }
0x91: {  	[sflag:s16] =	ssyncadd.s32 $0xFFFFCF20  }
0x92: {  	_ = 	snop  }
.LBB2_8:
0x93: {  	_ =	sfence.sel $0x180000  }
0x94: {  	[bflag:$0x0] =	sbarrier.arrive $0xFFFF  }
0x95: {  	p0 =	sne.s32 s4, $0x0;
	_ =	strace $0x90000050  }
0x96: {  	s0 =	sadd.s32 @!p0 $0x100000, s0;
	[bflag:$0x2] =	sbarrier.arrive $0xFFFF  }
0x97: {  	[sflag:s0] =	ssyncadd.tile.s32 @!p0 $0x1;
	_ =	shalt  }
.Lfunc_end2:
_tile_overlayer_lowered:
.L_overlay_start_2:
0x98: {  	(tag) =	ssettag $0x2  }
0x99: {  	s0 =	rddreg [dreg:$0x0];
	s2 =	stileid.u32  }
0x9a: {  	s1 =	rddreg [dreg:$0x1];
	p0 =	sne.s32 s2, $0x0  }
0x9b: {  	s3 =	rddreg [dreg:$0x2];
	[bflag:$0x3] =	sbarrier.arrive $0xFFFF;
	s2 =	simm.s32 @!p0 $0x1C01  }
0x9c: {  	[timem:s3], [sflag:s2] =	dma.local @!p0 [hbm:s0], s1  }
0x9d: {  	s0 =	simm.s32 @!p0 $0x1  }
0x9e: {  	_ =	swait.ge @!p0 [sflag:s0], s1  }
0x9f: {  	s1 =	ssub.s32 @!p0 $0x0, s1;
	[sflag:s0] =	ssyncset.done @!p0 $0x0  }
0xa0: {  	[sflag:s0] =	ssyncadd.s32 @!p0 s1  }
0xa1: {  	[bflag:$0x3] =	sbarrier.arrive $0xFFFF  }
0xa2: {  	_ =	shalt  }

// kernel: kernel.6.cloned.1.call-start
scs
__scs_entry_jumppad:
0x0: {  	(pc) =	sbr.rel $0x88, $3  }
0x1: {  	(tag) =	ssettag $0x0;
	lr =	simm.s32 $0x1  }
0x2: {  	[smem:$0x3F9B] =	sst lr;
	_ =	strace $0xD0000000  }
0x3: {  	_ = 	snop  }
0x4: {  	_ = 	snop  }
0x5: {  	_ = 	snop  }
0x6: {  	_ = 	snop  }
0x7: {  	_ = 	snop  }
__scs_overlays_trampoline_lowered:
0x8: {  	[smem:$0x3FAA] =	sst s0  }
0x9: {  	[smem:$0x3FAB] =	sst s1  }
0xa: {  	[smem:$0x3FAC] =	sst s2  }
0xb: {  	[smem:$0x3FAD] =	sst s3  }
0xc: {  	[smem:$0x3FAE] =	sst s4  }
0xd: {  	[smem:$0x3FAF] =	sst s5  }
0xe: {  	[smem:$0x3FB0] =	sst s6  }
0xf: {  	[smem:$0x3FB1] =	sst s7  }
0x10: {  	[smem:$0x3FB2] =	sst s8  }
0x11: {  	[smem:$0x3FB3] =	sst s9;
	s0 =	simm.s32 @!p0 $0x0  }
0x12: {  	s1 =	sld [smem:$0x3F99];
	s0 =	simm.s32 @p0 $0x1  }
0x13: {  	[smem:$0x3FB4] =	sst s0;
	s0 =	simm.s32 @!p1 $0x0  }
0x14: {  	s2 =	sld [smem:$0x3F98];
	s0 =	simm.s32 @p1 $0x1  }
0x15: {  	[smem:$0x3FB5] =	sst s0;
	s0 =	simm.s32 @!p2 $0x0  }
0x16: {  	s3 =	sld [smem:$0x3FDB];
	s0 =	simm.s32 @p2 $0x1  }
0x17: {  	s4 =	simm.s32 $0x1BF5;
	[smem:$0x3FB7] =	sst s0  }
0x18: {  	s0 =	sld [smem:$0x3F9A];
	_ =	swait.ge [sflag:s4], $0x0  }
0x19: {  	s7 =	sld [smem:$0x3F9B]  }
0x1a: {  	s8 =	sadd.s32 $0xFFFFE003, lr  }
0x1b: {  	s9 =	sadd.s32 $0xFFFFFEF7, lr;
	s5 =	simm.s32 $0xFFFFFFFF;
	p2 =	slt.u32 s8, $0xFFFFF086  }
0x1c: {  	p1 =	slt.u32 s9, $0xF7A;
	s5 =	simm.s32 @!p2 $0x0  }
0x1d: {  	s5 =	simm.s32 @p1 $0x1;
	p0 =	seq.s32 s7, s2  }
0x1e: {  	s7 =	smul.u32 @!p0 $0xF7A, s2;
	p2 =	seq.s32 @!p0 s5, $0x0  }
0x1f: {  	s9 =	smul.u32 $0xF7A, s1;
	s8 =	simm.s32 @!p0 $0x1BF5;
	p2 =	por !p2, p0  }
0x20: {  	[sflag:s8] =	ssyncset.s32 @!p0 $0xFFFFF086;
	s6 =	sadd.s32 @!p0 s3, s7;
	s7 =	simm.s32 @!p0 $0x108  }
0x21: {  	s3 =	sadd.s32 s3, s9;
	s6 =	sadd.s32 @!p0 $0x88, s6;
	s7 =	simm.s32 @p2 $0x1082  }
0x22: {  	[simem:s7], [sflag:s8] =	dma.local @!p0 [hbm:s6], $0xF7A  }
0x23: {  	s9 =	sor.u32 $0xD0000000, s2;
	s6 =	simm.s32 $0x108;
	_ =	swait.ge @!p0 [sflag:s8], $0x0  }
0x24: {  	s3 =	sadd.s32 $0x88, s3;
	s6 =	simm.s32 @!p1 $0x1082;
	[sflag:s4] =	ssyncset.s32 $0xFFFFF086  }
0x25: {  	[simem:s6], [sflag:s4] =	dma.local [hbm:s3], $0xF7A  }
0x26: {  	[smem:$0x3F9B] =	sst s1;
	(tag) =	ssettag s2;
	_ =	strace s9  }
0x27: {  	s1 =	sld [smem:$0x3FAB]  }
0x28: {  	s2 =	sld [smem:$0x3FAC]  }
0x29: {  	s4 =	sld [smem:$0x3FAE]  }
0x2a: {  	p0 =	seq.s32 s5, $0x0;
	s5 =	sld [smem:$0x3FAF]  }
0x2b: {  	s6 =	sld [smem:$0x3FB0]  }
0x2c: {  	s7 =	sld [smem:$0x3FB1]  }
0x2d: {  	s3 =	simm.s32 $0x108;
	s8 =	sld [smem:$0x3FB2]  }
0x2e: {  	s3 =	simm.s32 @!p0 $0x1082;
	s9 =	sld [smem:$0x3FB3]  }
0x2f: {  	lr =	sadd.s32 s0, s3;
	s0 =	sld [smem:$0x3FAA]  }
0x30: {  	s3 =	sld [smem:$0x3FAD]  }
0x31: {  	[smem:$0x3FB6] =	sst s10  }
0x32: {  	s10 =	sld [smem:$0x3FB4];
	_ =	sdelay $0x3  }
0x33: {  	p0 =	seq.s32 s10, $0x1;
	s10 =	sld [smem:$0x3FB6];
	_ =	sdelay $0x3  }
0x34: {  	[smem:$0x3FB6] =	sst s10  }
0x35: {  	s10 =	sld [smem:$0x3FB5];
	_ =	sdelay $0x3  }
0x36: {  	p1 =	seq.s32 s10, $0x1;
	s10 =	sld [smem:$0x3FB6];
	_ =	sdelay $0x3  }
0x37: {  	[smem:$0x3FB6] =	sst s10  }
0x38: {  	s10 =	sld [smem:$0x3FB7]  }
0x39: {  	_ = 	snop;
	(pc) =	sbr.ind lr, $3  }
0x3a: {  	_ = 	snop  }
0x3b: {  	_ = 	snop  }
0x3c: {  	p2 =	seq.s32 s10, $0x1;
	s10 =	sld [smem:$0x3FB6]  }
0x3d: {  	_ =	shalt  }
0x3e: {  	_ =	shalt  }
0x3f: {  	_ =	shalt  }
0x40: {  	_ =	shalt  }
0x41: {  	_ =	shalt  }
0x42: {  	_ =	shalt  }
0x43: {  	_ =	shalt  }
0x44: {  	_ =	shalt  }
0x45: {  	_ =	shalt  }
0x46: {  	_ =	shalt  }
0x47: {  	_ =	shalt  }
0x48: {  	_ =	shalt  }
0x49: {  	_ =	shalt  }
0x4a: {  	_ =	shalt  }
0x4b: {  	_ =	shalt  }
0x4c: {  	_ =	shalt  }
0x4d: {  	_ =	shalt  }
0x4e: {  	_ =	shalt  }
0x4f: {  	_ =	shalt  }
0x50: {  	_ =	shalt  }
0x51: {  	_ =	shalt  }
0x52: {  	_ =	shalt  }
0x53: {  	_ =	shalt  }
0x54: {  	_ =	shalt  }
0x55: {  	_ =	shalt  }
0x56: {  	_ =	shalt  }
0x57: {  	_ =	shalt  }
0x58: {  	_ =	shalt  }
0x59: {  	_ =	shalt  }
0x5a: {  	_ =	shalt  }
0x5b: {  	_ =	shalt  }
0x5c: {  	_ =	shalt  }
0x5d: {  	_ =	shalt  }
0x5e: {  	_ =	shalt  }
0x5f: {  	_ =	shalt  }
0x60: {  	_ =	shalt  }
0x61: {  	_ =	shalt  }
0x62: {  	_ =	shalt  }
0x63: {  	_ =	shalt  }
0x64: {  	_ =	shalt  }
0x65: {  	_ =	shalt  }
0x66: {  	_ =	shalt  }
0x67: {  	_ =	shalt  }
0x68: {  	_ =	shalt  }
0x69: {  	_ =	shalt  }
0x6a: {  	_ =	shalt  }
0x6b: {  	_ =	shalt  }
0x6c: {  	_ =	shalt  }
0x6d: {  	_ =	shalt  }
0x6e: {  	_ =	shalt  }
0x6f: {  	_ =	shalt  }
0x70: {  	_ =	shalt  }
0x71: {  	_ =	shalt  }
0x72: {  	_ =	shalt  }
0x73: {  	_ =	shalt  }
0x74: {  	_ =	shalt  }
0x75: {  	_ =	shalt  }
0x76: {  	_ =	shalt  }
0x77: {  	_ =	shalt  }
0x78: {  	_ =	shalt  }
0x79: {  	_ =	shalt  }
0x7a: {  	_ =	shalt  }
0x7b: {  	_ =	shalt  }
0x7c: {  	_ =	shalt  }
0x7d: {  	_ =	shalt  }
0x7e: {  	_ =	shalt  }
0x7f: {  	_ =	shalt  }
0x80: {  	_ =	shalt  }
0x81: {  	_ =	shalt  }
0x82: {  	_ =	shalt  }
0x83: {  	_ =	shalt  }
0x84: {  	_ =	shalt  }
0x85: {  	_ =	shalt  }
0x86: {  	_ =	shalt  }
0x87: {  	_ =	shalt  }
.Lfunc_end0:
.L_simem_size_0:
called_computation_lowered:
.L_overlay_start_0:
0x88: {  	s2 =	sld [smem:$0x3FD9]  }
0x89: {  	s3 =	sld [smem:$0x3FFE];
	_ =	sdelay $0x1  }
0x8a: {  	s1 =	srdreg.scid  }
0x8b: {  	s0 =	sand.u32 $0x1, s1  }
0x8c: {  	s17 =	sshll.u32 s0, $0xA;
	s2 =	sadd.s32 s3, s2  }
0x8d: {  	s2 =	sadd.s32 s2, s17  }
0x8e: {  	[smem:$0x3FC2] =	sst s2  }
0x8f: {  	_ = 	snop  }
0x90: {  	s2 =	sld [smem:$0x3FD0];
	(tm) =	ssettm $0x1  }
0x91: {  	s18 =	sld [smem:$0x3FFB];
	_ =	sdelay $0x3  }
0x92: {  	_ =	strace s18  }
0x93: {  	s3 =	sld [smem:$0x3FFC];
	_ =	sdelay $0x3  }
0x94: {  	_ =	strace s3  }
0x95: {  	s3 =	sld [smem:$0x3FFD];
	_ =	sdelay $0x3  }
0x96: {  	_ =	strace s3  }
0x97: {  	_ =	strace $0x8FFFFFFF  }
0x98: {  	s19 =	sld [smem:$0x3FDB];
	_ =	sdelay $0x1  }
0x99: {  	s4 =	simm.s32 $_scs_section_size  }
0x9a: {  	s5 =	simm.s32 $_size__tile_overlayer_lowered;
	s6 =	simm.s32 $_tile_overlayer_lowered  }
0x9b: {  	s22 =	simm.s32 $0x1BFF;
	s21 =	sshll.u32 s6, $0x1;
	s3 =	sadd.s32 s4, s19  }
0x9c: {  	s7 =	simm.s32 $0x0;
	s20 =	sshll.u32 s5, $0x1;
	s5 =	sadd.s32 s21, s3  }
0x9d: {  	[timem:s7], [sflag:s22] =	dma.local [hbm:s5], s20  }
0x9e: {  	_ =	swait.ge [sflag:s22], s20  }
0x9f: {  	s4 =	ssub.s32 $0x0, s20;
	[sflag:s22] =	ssyncset.done $0x0  }
0xa0: {  	[sflag:s22] =	ssyncadd.s32 s4;
	_ =	sdelay $0x1  }
0xa1: {  	s23 =	simm.s32 $0x1B8B  }
0xa2: {  	_ =	swait.ge [sflag:s23], $0x1  }
0xa3: {  	[sflag:s23] =	ssyncset.done $0x0  }
0xa4: {  	s25 =	simm.s32 $0x1B8E;
	s24 =	sld [smem:$0x3FFE];
	[sflag:s23] =	ssyncadd.s32 $0xFFFFFFFF  }
0xa5: {  	s26 =	simm.s32 $execute0_lowered;
	[smem:$0x3FD2] =	sst s25  }
0xa6: {  	s5 =	sshll.u32 s26, $0x1;
	_ =	strace $0x80000046;
	[dreg:$0x1] =	wrdreg $0xFFFFFFFF  }
0xa7: {  	s28 =	simm.s32 $_size_execute0_lowered;
	s3 =	sadd.s32 s3, s5;
	[dreg:$0x0] =	wrdreg $0x0  }
0xa8: {  	s5 =	sshll.u32 s28, $0x1;
	[dreg:$0x2] =	wrdreg s3  }
0xa9: {  	[dreg:$0x3] =	wrdreg s5  }
0xaa: {  	[dreg:$0x4] =	wrdreg $0xC0  }
0xab: {  	_ =	task [dreg:s7], $0x5FFFF  }
0xac: {  	[dreg:$0x1] =	wrdreg $0xFFFFFFFF  }
0xad: {  	[dreg:$0x0] =	wrdreg $0x60  }
0xae: {  	[dreg:$0x2] =	wrdreg s2  }
0xaf: {  	[dreg:$0x3] =	wrdreg s24  }
0xb0: {  	[dreg:$0x4] =	wrdreg $0x5A000  }
0xb1: {  	[dreg:$0x5] =	wrdreg $0x9  }
0xb2: {  	_ =	task.clear_ibuf [dreg:s7], $0x6FFFF;
	_ =	strace $0x90000046  }
0xb3: {  	s29 =	simm.s32 $0x9;
	_ =	strace $0x80000048  }
0xb4: {  	_ =	swait.ge [sflag:s29], $0x1  }
0xb5: {  	[sflag:s29] =	ssyncadd.s32 $0xFFFFFFFF  }
0xb6: {  	_ =	strace $0x90000048  }
0xb7: {  	_ =	sfence  }
0xb8: {  	s30 =	sld [smem:$0x0];
	_ =	sdelay $0x2  }
0xb9: {  	s31 =	sshll.u32 s1, $0xD;
	s1 =	sshrl.u32 s1, $0x2  }
0xba: {  	s3 =	sand.u32 $0x4000, s31;
	s1 =	sadd.s32 s1, s30  }
0xbb: {  	s0 =	sor.u32 s3, s0;
	s1 =	sshll.u32 s1, $0x11  }
0xbc: {  	s0 =	sor.u32 s1, s0  }
0xbd: {  	s0 =	sadd.s32 $0x8F2B, s0  }
0xbe: {  	[sflag:s0] =	ssyncadd.remote.s32 $0x1  }
0xbf: {  	_ =	sfence.sel $0xFFFF  }
0xc0: {  	[dreg:$0x0] =	wrdreg $0xFFFFFFFF;
	(pc) =	sbr.abs _section_cstart, $3  }
0xc1: {  	[dreg:$0x1] =	wrdreg $0xFFFFFFFF  }
0xc2: {  	_ =	task.clear_ibuf [dreg:s7], $0x2FFFF;
	_ =	strace $0x9FFFFFFF  }
0xc3: {  	(tm) =	ssettm $0x7FFFFFFF  }
tec
execute0_lowered:
.L_overlay_start_1:
0x0: {  	(tag) =	ssettag $0x1  }
0x1: {  	s1 =	rddreg [dreg:$0x0]  }
0x2: {  	s0 =	rddreg [dreg:$0x1]  }
0x3: {  	s3 =	rddreg [dreg:$0x2]  }
0x4: {  	s2 =	srdreg.scid;
	s13 =	stileid.u32  }
0x5: {  	s4 =	simm.s32 $0x0;
	s28 =	simm.s32 $0x2;
	s29 =	simm.s32 $0x780  }
0x6: {  	s30 =	simm.s32 $0x3200;
	s31 =	simm.s32 $0x3;
	s2 =	sand.u32 $0x1, s2  }
0x7: {  	s5 =	smul.u32 $0x18700, s13;
	[smem:$0x7FF] =	sst s4;
	s8 =	sadd.s32 $0x3000, s0  }
0x8: {  	s9 =	sadd.s32 $0xC6600, s0;
	s10 =	sshll.u32 s13, $0x6;
	s6 =	smul.u32 $0x187000, s2  }
0x9: {  	s7 =	sshll.u32 s2, $0x4;
	s17 =	ssub.s32 $0x2, s2;
	s2 =	smul.u32 $0x186000, s2  }
0xa: {  	_ =	strace $0x80000047;
	s25 =	sor.u32 s13, s7;
	s13 =	smul.u32 $0x18600, s13  }
0xb: {  	[dreg:$0x4] =	wrdreg s9;
	s18 =	sshrl.u32 s17, $0x1;
	s7 =	smul.u32 $0x18600, s25  }
0xc: {  	s6 =	sadd.s32 s5, s6;
	s11 =	smul.u32 $0x280, s25;
	s12 =	ssub.s32 s17, s18  }
0xd: {  	s5 =	sadd.s32 s5, s3;
	p0 =	sgt.u32 s25, $0x7;
	s25 =	simm.s32 $0x280  }
0xe: {  	s6 =	sshrl.u32 s6, $0x3;
	s12 =	smax.u32 s12, $0x1;
	s24 =	sadd.s32 s13, s2  }
0xf: {  	s0 =	sadd.s32 s6, s0;
	s6 =	sor.u32 $0x1C06, s10;
	s7 =	sshrl.u32 s7, $0x3  }
0x10: {  	s19 =	sshrl.u32 s11, $0x3;
	s2 =	sadd.s32 $0xA00, s24;
	s26 =	sadd.s32 $0x30DE00, s24  }
0x11: {  	s18 =	sadd.s32 $0x30DB80, s24;
	s7 =	sadd.s32 s8, s7;
	s20 =	sadd.s32 s8, s19  }
0x12: {  	s0 =	sadd.s32 $0xC9800, s0;
	s2 =	sshrl.u32 s2, $0x3;
	s19 =	sshrl.u32 s18, $0x3  }
0x13: {  	s21 =	sadd.s32 $0x61A80, s7;
	s22 =	sadd.s32 $0x61800, s20;
	s23 =	sadd.s32 $0xC3280, s20  }
0x14: {  	[dreg:$0x8] =	wrdreg s0;
	s13 =	sadd.s32 $0x50, s7;
	s14 =	sadd.s32 $0x61AD0, s7  }
0x15: {  	s15 =	sadd.s32 $0xA0, s7;
	s16 =	sadd.s32 $0x61B20, s7;
	s17 =	sadd.s32 s2, s8  }
0x16: {  	s2 =	sshrl.u32 s26, $0x3;
	s0 =	sadd.s32 $0x780, s24;
	[dreg:$0x5] =	wrdreg s21  }
.Ltmp0:
0x17: {  	s19 =	sadd.s32 s19, s8;
	[dreg:$0x6] =	wrdreg s22;
	(pc) =	sbr.rel .LBB2_1-.Ltmp0, $4  }
0x18: {  	s24 =	simm.s32 $0x1;
	s26 =	simm.s32 $0xA00;
	[dreg:$0x7] =	wrdreg s23  }
0x19: {  	s18 =	sadd.s32 s2, s8;
	s0 =	sshrl.u32 s0, $0x3;
	s21 =	sshrl.u32 s5, $0x3  }
0x1a: {  	s22 =	simm.s32 $0x6;
	s23 =	simm.s32 $0x500;
	s2 =	simm.s32 $0x5  }
0x1b: {  	s5 =	simm.s32 $0x0;
	s20 =	sadd.s32 s0, s8;
	s0 =	simm.s32 $0x4  }
.LBB2_4:
0x1c: {  	_ =	swait.ge [sflag:s2], $0x2800  }
0x1d: {  	[sflag:s2] =	ssyncset.done $0x0  }
0x1e: {  	s8 =	simm.s32 @!p0 $0x0;
	s9 =	rddreg [dreg:$0x6];
	[sflag:s2] =	ssyncadd.s32 $0xFFFFD800  }
0x1f: {  	[tilespmem:s8], [sflag:$0x1] =	stream.linear.gather @!p0 [hbm4b:s9+s8], $0x280, $0x38;
	[tilespmem:$0x1E100] =	vst v63  }
0x20: {  	s10 =	rddreg [dreg:$0x7];
	s9 =	simm.s32 @!p0 $0x500  }
0x21: {  	[tilespmem:s9], [sflag:$0x1] =	stream.linear.gather @!p0 [hbm4b:s10+s8], $0x280, $0x38;
	[tilespmem:$0x1E100] =	vst v63  }
0x22: {  	s10 =	simm.s32 @!p0 $0x1  }
0x23: {  	_ =	swait.ge @!p0 [sflag:s10], $0x280  }
0x24: {  	[sflag:s10] =	ssyncset.done @!p0 $0x0  }
0x25: {  	[sflag:s10] =	ssyncadd.s32 @!p0 $0xFFFFFD80  }
0x26: {  	_ =	swait.ge @!p0 [sflag:s10], $0x280  }
0x27: {  	[sflag:s10] =	ssyncset.done @!p0 $0x0  }
0x28: {  	s11 =	simm.s32 @!p0 $0xA00;
	[sflag:s10] =	ssyncadd.s32 @!p0 $0xFFFFFD80;
	s10 =	simm.s32 @!p0 $0x280  }
0x29: {  	[tilespmem:s11], [sflag:$0x2] =	stream.indirect.gather @!p0 [hbm4b:s1+s10], $0x10, s8, s10, $0xb8;
	[tilespmem:$0x1E100] =	vst v63  }
0x2a: {  	s8 =	simm.s32 @!p0 $0x2  }
0x2b: {  	_ =	swait.ge @!p0 [sflag:s8], $0x2800  }
0x2c: {  	[sflag:s8] =	ssyncset.done @!p0 $0x0  }
0x2d: {  	[sflag:s8] =	ssyncadd.s32 @!p0 $0xFFFFD800;
	s8 =	simm.s32 @!p0 $0x4  }
0x2e: {  	[spmem:s3] =	stream.indirect.scatter.add.f32 @!p0 [tilespmem:s11], [sflag:$0x4], $0x10, s9, s10, $0xb8;
	[tilespmem:$0x1E100] =	vst v63  }
0x2f: {  	_ =	swait.ge @!p0 [sflag:s8], $0x2800  }
0x30: {  	[sflag:s8] =	ssyncset.done @!p0 $0x0  }
0x31: {  	s5 =	sadd.s32 $0x1, s5;
	[sflag:s8] =	ssyncadd.s32 @!p0 $0xFFFFD800  }
0x32: {  	p1 =	sne.s32 s5, s12;
	[bflag:$0x0] =	sbarrier.arrive $0xFFFF  }
.Ltmp1:
0x33: {  	s11 =	rddreg [dreg:$0x8];
	(pc) =	sbr.rel @!p1 .LBB2_5-.Ltmp1, $4  }
0x34: {  	[hbm:s11], [sflag:s6] =	dma.local [spmem:s21], $0x30E0  }
0x35: {  	_ =	swait.ge [sflag:s22], $0x30E0  }
0x36: {  	[sflag:s22] =	ssyncset.done $0x0  }
0x37: {  	[sflag:s22] =	ssyncadd.s32 $0xFFFFCF20  }
.LBB2_1:
0x38: {  	s8 =	rddreg [dreg:$0x4]  }
0x39: {  	[spmem:s21], [sflag:s6] =	dma.local [hbm:s8], $0x30E0  }
0x3a: {  	_ =	swait.ge [sflag:s22], $0x30E0  }
0x3b: {  	[sflag:s22] =	ssyncset.done $0x0  }
0x3c: {  	[sflag:s22] =	ssyncadd.s32 $0xFFFFCF20  }
0x3d: {  	[bflag:$0x0] =	sbarrier.arrive $0xFFFF  }
0x3e: {  	[tilespmem:s4], [sflag:$0x1] =	stream.linear.gather [hbm4b:s7+s4], $0x280, $0x38;
	[tilespmem:$0x1E100] =	vst v63  }
0x3f: {  	s11 =	rddreg [dreg:$0x5]  }
0x40: {  	[tilespmem:s23], [sflag:$0x1] =	stream.linear.gather [hbm4b:s11+s4], $0x280, $0x38;
	[tilespmem:$0x1E100] =	vst v63  }
0x41: {  	_ =	swait.ge [sflag:s24], $0x280  }
0x42: {  	[sflag:s24] =	ssyncset.done $0x0  }
0x43: {  	[sflag:s24] =	ssyncadd.s32 $0xFFFFFD80  }
0x44: {  	_ =	swait.ge [sflag:s24], $0x280  }
0x45: {  	[sflag:s24] =	ssyncset.done $0x0  }
0x46: {  	[sflag:s24] =	ssyncadd.s32 $0xFFFFFD80  }
0x47: {  	[tilespmem:s26], [sflag:$0x2] =	stream.indirect.gather [hbm4b:s1+s25], $0x10, s4, s25, $0xb8;
	[tilespmem:$0x1E100] =	vst v63  }
0x48: {  	_ =	swait.ge [sflag:s28], $0x2800  }
0x49: {  	[sflag:s28] =	ssyncset.done $0x0  }
0x4a: {  	[sflag:s28] =	ssyncadd.s32 $0xFFFFD800  }
0x4b: {  	[tilespmem:s25], [sflag:$0x1] =	stream.linear.gather [hbm4b:s13+s4], $0x280, $0x38;
	[tilespmem:$0x1E100] =	vst v63  }
0x4c: {  	_ = 	snop  }
0x4d: {  	[tilespmem:s29], [sflag:$0x1] =	stream.linear.gather [hbm4b:s14+s4], $0x280, $0x38;
	[tilespmem:$0x1E100] =	vst v63  }
0x4e: {  	_ = 	snop  }
0x4f: {  	[spmem:s3] =	stream.indirect.scatter.add.f32 [tilespmem:s26], [sflag:$0x4], $0x10, s23, s25, $0xb8;
	[tilespmem:$0x1E100] =	vst v63  }
0x50: {  	_ =	swait.ge [sflag:s24], $0x280  }
0x51: {  	[sflag:s24] =	ssyncset.done $0x0  }
0x52: {  	[sflag:s24] =	ssyncadd.s32 $0xFFFFFD80  }
0x53: {  	_ =	swait.ge [sflag:s24], $0x280  }
0x54: {  	[sflag:s24] =	ssyncset.done $0x0  }
0x55: {  	[sflag:s24] =	ssyncadd.s32 $0xFFFFFD80  }
0x56: {  	[tilespmem:s30], [sflag:$0x3] =	stream.indirect.gather [hbm4b:s1+s25], $0x10, s25, s25, $0xb8;
	[tilespmem:$0x1E100] =	vst v63  }
0x57: {  	_ =	swait.ge [sflag:s31], $0x2800  }
0x58: {  	[sflag:s31] =	ssyncset.done $0x0  }
0x59: {  	[sflag:s31] =	ssyncadd.s32 $0xFFFFD800  }
0x5a: {  	_ =	swait.ge [sflag:s0], $0x2800  }
0x5b: {  	[sflag:s0] =	ssyncset.done $0x0  }
0x5c: {  	[sflag:s0] =	ssyncadd.s32 $0xFFFFD800  }
0x5d: {  	[spmem:s3] =	stream.indirect.scatter.add.f32 [tilespmem:s30], [sflag:$0x5], $0x10, s29, s25, $0xb8;
	[tilespmem:$0x1E100] =	vst v63  }
0x5e: {  	_ = 	snop  }
0x5f: {  	[tilespmem:s4], [sflag:$0x1] =	stream.linear.gather [hbm4b:s15+s4], $0x280, $0x38;
	[tilespmem:$0x1E100] =	vst v63  }
0x60: {  	_ = 	snop  }
0x61: {  	[tilespmem:s23], [sflag:$0x1] =	stream.linear.gather [hbm4b:s16+s4], $0x280, $0x38;
	[tilespmem:$0x1E100] =	vst v63  }
0x62: {  	_ =	swait.ge [sflag:s24], $0x280  }
0x63: {  	[sflag:s24] =	ssyncset.done $0x0  }
0x64: {  	[sflag:s24] =	ssyncadd.s32 $0xFFFFFD80  }
0x65: {  	_ =	swait.ge [sflag:s24], $0x280  }
0x66: {  	[sflag:s24] =	ssyncset.done $0x0  }
0x67: {  	s8 =	simm.s32 $0x0;
	[sflag:s24] =	ssyncadd.s32 $0xFFFFFD80  }
0x68: {  	[tilespmem:s26], [sflag:$0x2] =	stream.indirect.gather [hbm4b:s1+s25], $0x10, s4, s25, $0xb8;
	[tilespmem:$0x1E100] =	vst v63  }
.LBB2_2:
0x69: {  	_ =	swait.ge [sflag:s28], $0x2800  }
0x6a: {  	[sflag:s28] =	ssyncset.done $0x0  }
0x6b: {  	[sflag:s28] =	ssyncadd.s32 $0xFFFFD800  }
0x6c: {  	_ =	swait.ge [sflag:s2], $0x2800  }
0x6d: {  	[sflag:s2] =	ssyncset.done $0x0  }
0x6e: {  	s9 =	sadd.s32 s8, s20;
	[sflag:s2] =	ssyncadd.s32 $0xFFFFD800  }
0x6f: {  	[tilespmem:s25], [sflag:$0x1] =	stream.linear.gather [hbm4b:s9+s4], $0x280, $0x38;
	[tilespmem:$0x1E100] =	vst v63  }
0x70: {  	s11 =	sadd.s32 s8, s19  }
0x71: {  	[tilespmem:s29], [sflag:$0x1] =	stream.linear.gather [hbm4b:s11+s4], $0x280, $0x38;
	[tilespmem:$0x1E100] =	vst v63  }
0x72: {  	_ = 	snop  }
0x73: {  	[spmem:s3] =	stream.indirect.scatter.add.f32 [tilespmem:s26], [sflag:$0x4], $0x10, s23, s25, $0xb8;
	[tilespmem:$0x1E100] =	vst v63  }
0x74: {  	_ =	swait.ge [sflag:s24], $0x280  }
0x75: {  	[sflag:s24] =	ssyncset.done $0x0  }
0x76: {  	[sflag:s24] =	ssyncadd.s32 $0xFFFFFD80  }
0x77: {  	_ =	swait.ge [sflag:s24], $0x280  }
0x78: {  	[sflag:s24] =	ssyncset.done $0x0  }
0x79: {  	[sflag:s24] =	ssyncadd.s32 $0xFFFFFD80  }
0x7a: {  	[tilespmem:s30], [sflag:$0x3] =	stream.indirect.gather [hbm4b:s1+s25], $0x10, s25, s25, $0xb8;
	[tilespmem:$0x1E100] =	vst v63  }
0x7b: {  	_ =	swait.ge [sflag:s31], $0x2800  }
0x7c: {  	p1 =	seq.s32 s8, $0x2F80;
	[sflag:s31] =	ssyncset.done $0x0  }
.Ltmp2:
0x7d: {  	[sflag:s31] =	ssyncadd.s32 $0xFFFFD800;
	(pc) =	sbr.rel @p1 .LBB2_4-.Ltmp2, $4  }
0x7e: {  	_ =	swait.ge [sflag:s0], $0x2800  }
0x7f: {  	[sflag:s0] =	ssyncset.done $0x0  }
0x80: {  	[sflag:s0] =	ssyncadd.s32 $0xFFFFD800  }
0x81: {  	[spmem:s3] =	stream.indirect.scatter.add.f32 [tilespmem:s30], [sflag:$0x5], $0x10, s29, s25, $0xb8;
	[tilespmem:$0x1E100] =	vst v63  }
0x82: {  	s9 =	sadd.s32 s8, s17  }
0x83: {  	[tilespmem:s4], [sflag:$0x1] =	stream.linear.gather [hbm4b:s9+s4], $0x280, $0x38;
	[tilespmem:$0x1E100] =	vst v63  }
0x84: {  	s11 =	sadd.s32 s8, s18  }
0x85: {  	[tilespmem:s23], [sflag:$0x1] =	stream.linear.gather [hbm4b:s11+s4], $0x280, $0x38;
	[tilespmem:$0x1E100] =	vst v63  }
0x86: {  	_ =	swait.ge [sflag:s24], $0x280  }
0x87: {  	[sflag:s24] =	ssyncset.done $0x0  }
.Ltmp3:
0x88: {  	[sflag:s24] =	ssyncadd.s32 $0xFFFFFD80;
	(pc) =	sbr.rel .LBB2_2-.Ltmp3, $4  }
0x89: {  	_ =	swait.ge [sflag:s24], $0x280  }
0x8a: {  	[sflag:s24] =	ssyncset.done $0x0  }
0x8b: {  	s8 =	sadd.s32 $0xA0, s8;
	[sflag:s24] =	ssyncadd.s32 $0xFFFFFD80  }
0x8c: {  	[tilespmem:s26], [sflag:$0x2] =	stream.indirect.gather [hbm4b:s1+s25], $0x10, s4, s25, $0xb8;
	[tilespmem:$0x1E100] =	vst v63  }
.LBB2_5:
0x8d: {  	_ =	sfence.sel $0x180000  }
0x8e: {  	[bflag:$0x0] =	sbarrier.arrive $0xFFFF  }
0x8f: {  	_ =	strace $0x90000047  }
0x90: {  	s0 =	stileid.u32;
	[bflag:$0x2] =	sbarrier.arrive $0xFFFF  }
0x91: {  	p0 =	sne.s32 s0, $0x0;
	s0 =	rddreg [dreg:$0x3]  }
0x92: {  	s0 =	sadd.s32 @!p0 $0x100000, s0  }
0x93: {  	[sflag:s0] =	ssyncadd.tile.s32 @!p0 $0x1;
	_ =	shalt  }
.Lfunc_end2:
_tile_overlayer_lowered:
.L_overlay_start_2:
0x94: {  	(tag) =	ssettag $0x2  }
0x95: {  	s0 =	rddreg [dreg:$0x0];
	s2 =	stileid.u32  }
0x96: {  	s1 =	rddreg [dreg:$0x1];
	p0 =	sne.s32 s2, $0x0  }
0x97: {  	s3 =	rddreg [dreg:$0x2];
	[bflag:$0x3] =	sbarrier.arrive $0xFFFF;
	s2 =	simm.s32 @!p0 $0x1C06  }
0x98: {  	[timem:s3], [sflag:s2] =	dma.local @!p0 [hbm:s0], s1  }
0x99: {  	s0 =	simm.s32 @!p0 $0x6  }
0x9a: {  	_ =	swait.ge @!p0 [sflag:s0], s1  }
0x9b: {  	s1 =	ssub.s32 @!p0 $0x0, s1;
	[sflag:s0] =	ssyncset.done @!p0 $0x0  }
0x9c: {  	[sflag:s0] =	ssyncadd.s32 @!p0 s1  }
0x9d: {  	[bflag:$0x3] =	sbarrier.arrive $0xFFFF  }
0x9e: {  	_ =	shalt  }

// kernel: kernel.9.cloned.1.call-start
scs
__scs_entry_jumppad:
0x0: {  	(pc) =	sbr.rel $0x88, $3  }
0x1: {  	(tag) =	ssettag $0x0;
	lr =	simm.s32 $0x1  }
0x2: {  	[smem:$0x3F9B] =	sst lr;
	_ =	strace $0xD0000000  }
0x3: {  	_ = 	snop  }
0x4: {  	_ = 	snop  }
0x5: {  	_ = 	snop  }
0x6: {  	_ = 	snop  }
0x7: {  	_ = 	snop  }
__scs_overlays_trampoline_lowered:
0x8: {  	[smem:$0x3FAA] =	sst s0  }
0x9: {  	[smem:$0x3FAB] =	sst s1  }
0xa: {  	[smem:$0x3FAC] =	sst s2  }
0xb: {  	[smem:$0x3FAD] =	sst s3  }
0xc: {  	[smem:$0x3FAE] =	sst s4  }
0xd: {  	[smem:$0x3FAF] =	sst s5  }
0xe: {  	[smem:$0x3FB0] =	sst s6  }
0xf: {  	[smem:$0x3FB1] =	sst s7  }
0x10: {  	[smem:$0x3FB2] =	sst s8  }
0x11: {  	[smem:$0x3FB3] =	sst s9;
	s0 =	simm.s32 @!p0 $0x0  }
0x12: {  	s1 =	sld [smem:$0x3F99];
	s0 =	simm.s32 @p0 $0x1  }
0x13: {  	[smem:$0x3FB4] =	sst s0;
	s0 =	simm.s32 @!p1 $0x0  }
0x14: {  	s2 =	sld [smem:$0x3F98];
	s0 =	simm.s32 @p1 $0x1  }
0x15: {  	[smem:$0x3FB5] =	sst s0;
	s0 =	simm.s32 @!p2 $0x0  }
0x16: {  	s3 =	sld [smem:$0x3FDB];
	s0 =	simm.s32 @p2 $0x1  }
0x17: {  	s4 =	simm.s32 $0x1BF5;
	[smem:$0x3FB7] =	sst s0  }
0x18: {  	s0 =	sld [smem:$0x3F9A];
	_ =	swait.ge [sflag:s4], $0x0  }
0x19: {  	s7 =	sld [smem:$0x3F9B]  }
0x1a: {  	s8 =	sadd.s32 $0xFFFFE003, lr  }
0x1b: {  	s9 =	sadd.s32 $0xFFFFFEF7, lr;
	s5 =	simm.s32 $0xFFFFFFFF;
	p2 =	slt.u32 s8, $0xFFFFF086  }
0x1c: {  	p1 =	slt.u32 s9, $0xF7A;
	s5 =	simm.s32 @!p2 $0x0  }
0x1d: {  	s5 =	simm.s32 @p1 $0x1;
	p0 =	seq.s32 s7, s2  }
0x1e: {  	s7 =	smul.u32 @!p0 $0xF7A, s2;
	p2 =	seq.s32 @!p0 s5, $0x0  }
0x1f: {  	s9 =	smul.u32 $0xF7A, s1;
	s8 =	simm.s32 @!p0 $0x1BF5;
	p2 =	por !p2, p0  }
0x20: {  	[sflag:s8] =	ssyncset.s32 @!p0 $0xFFFFF086;
	s6 =	sadd.s32 @!p0 s3, s7;
	s7 =	simm.s32 @!p0 $0x108  }
0x21: {  	s3 =	sadd.s32 s3, s9;
	s6 =	sadd.s32 @!p0 $0x88, s6;
	s7 =	simm.s32 @p2 $0x1082  }
0x22: {  	[simem:s7], [sflag:s8] =	dma.local @!p0 [hbm:s6], $0xF7A  }
0x23: {  	s9 =	sor.u32 $0xD0000000, s2;
	s6 =	simm.s32 $0x108;
	_ =	swait.ge @!p0 [sflag:s8], $0x0  }
0x24: {  	s3 =	sadd.s32 $0x88, s3;
	s6 =	simm.s32 @!p1 $0x1082;
	[sflag:s4] =	ssyncset.s32 $0xFFFFF086  }
0x25: {  	[simem:s6], [sflag:s4] =	dma.local [hbm:s3], $0xF7A  }
0x26: {  	[smem:$0x3F9B] =	sst s1;
	(tag) =	ssettag s2;
	_ =	strace s9  }
0x27: {  	s1 =	sld [smem:$0x3FAB]  }
0x28: {  	s2 =	sld [smem:$0x3FAC]  }
0x29: {  	s4 =	sld [smem:$0x3FAE]  }
0x2a: {  	p0 =	seq.s32 s5, $0x0;
	s5 =	sld [smem:$0x3FAF]  }
0x2b: {  	s6 =	sld [smem:$0x3FB0]  }
0x2c: {  	s7 =	sld [smem:$0x3FB1]  }
0x2d: {  	s3 =	simm.s32 $0x108;
	s8 =	sld [smem:$0x3FB2]  }
0x2e: {  	s3 =	simm.s32 @!p0 $0x1082;
	s9 =	sld [smem:$0x3FB3]  }
0x2f: {  	lr =	sadd.s32 s0, s3;
	s0 =	sld [smem:$0x3FAA]  }
0x30: {  	s3 =	sld [smem:$0x3FAD]  }
0x31: {  	[smem:$0x3FB6] =	sst s10  }
0x32: {  	s10 =	sld [smem:$0x3FB4];
	_ =	sdelay $0x3  }
0x33: {  	p0 =	seq.s32 s10, $0x1;
	s10 =	sld [smem:$0x3FB6];
	_ =	sdelay $0x3  }
0x34: {  	[smem:$0x3FB6] =	sst s10  }
0x35: {  	s10 =	sld [smem:$0x3FB5];
	_ =	sdelay $0x3  }
0x36: {  	p1 =	seq.s32 s10, $0x1;
	s10 =	sld [smem:$0x3FB6];
	_ =	sdelay $0x3  }
0x37: {  	[smem:$0x3FB6] =	sst s10  }
0x38: {  	s10 =	sld [smem:$0x3FB7]  }
0x39: {  	_ = 	snop;
	(pc) =	sbr.ind lr, $3  }
0x3a: {  	_ = 	snop  }
0x3b: {  	_ = 	snop  }
0x3c: {  	p2 =	seq.s32 s10, $0x1;
	s10 =	sld [smem:$0x3FB6]  }
0x3d: {  	_ =	shalt  }
0x3e: {  	_ =	shalt  }
0x3f: {  	_ =	shalt  }
0x40: {  	_ =	shalt  }
0x41: {  	_ =	shalt  }
0x42: {  	_ =	shalt  }
0x43: {  	_ =	shalt  }
0x44: {  	_ =	shalt  }
0x45: {  	_ =	shalt  }
0x46: {  	_ =	shalt  }
0x47: {  	_ =	shalt  }
0x48: {  	_ =	shalt  }
0x49: {  	_ =	shalt  }
0x4a: {  	_ =	shalt  }
0x4b: {  	_ =	shalt  }
0x4c: {  	_ =	shalt  }
0x4d: {  	_ =	shalt  }
0x4e: {  	_ =	shalt  }
0x4f: {  	_ =	shalt  }
0x50: {  	_ =	shalt  }
0x51: {  	_ =	shalt  }
0x52: {  	_ =	shalt  }
0x53: {  	_ =	shalt  }
0x54: {  	_ =	shalt  }
0x55: {  	_ =	shalt  }
0x56: {  	_ =	shalt  }
0x57: {  	_ =	shalt  }
0x58: {  	_ =	shalt  }
0x59: {  	_ =	shalt  }
0x5a: {  	_ =	shalt  }
0x5b: {  	_ =	shalt  }
0x5c: {  	_ =	shalt  }
0x5d: {  	_ =	shalt  }
0x5e: {  	_ =	shalt  }
0x5f: {  	_ =	shalt  }
0x60: {  	_ =	shalt  }
0x61: {  	_ =	shalt  }
0x62: {  	_ =	shalt  }
0x63: {  	_ =	shalt  }
0x64: {  	_ =	shalt  }
0x65: {  	_ =	shalt  }
0x66: {  	_ =	shalt  }
0x67: {  	_ =	shalt  }
0x68: {  	_ =	shalt  }
0x69: {  	_ =	shalt  }
0x6a: {  	_ =	shalt  }
0x6b: {  	_ =	shalt  }
0x6c: {  	_ =	shalt  }
0x6d: {  	_ =	shalt  }
0x6e: {  	_ =	shalt  }
0x6f: {  	_ =	shalt  }
0x70: {  	_ =	shalt  }
0x71: {  	_ =	shalt  }
0x72: {  	_ =	shalt  }
0x73: {  	_ =	shalt  }
0x74: {  	_ =	shalt  }
0x75: {  	_ =	shalt  }
0x76: {  	_ =	shalt  }
0x77: {  	_ =	shalt  }
0x78: {  	_ =	shalt  }
0x79: {  	_ =	shalt  }
0x7a: {  	_ =	shalt  }
0x7b: {  	_ =	shalt  }
0x7c: {  	_ =	shalt  }
0x7d: {  	_ =	shalt  }
0x7e: {  	_ =	shalt  }
0x7f: {  	_ =	shalt  }
0x80: {  	_ =	shalt  }
0x81: {  	_ =	shalt  }
0x82: {  	_ =	shalt  }
0x83: {  	_ =	shalt  }
0x84: {  	_ =	shalt  }
0x85: {  	_ =	shalt  }
0x86: {  	_ =	shalt  }
0x87: {  	_ =	shalt  }
.Lfunc_end0:
.L_simem_size_0:
called_computation.1_lowered:
.L_overlay_start_0:
0x88: {  	s2 =	sld [smem:$0x3FD9]  }
0x89: {  	s3 =	sld [smem:$0x3FFE];
	_ =	sdelay $0x1  }
0x8a: {  	s1 =	srdreg.scid  }
0x8b: {  	s0 =	sand.u32 $0x1, s1  }
0x8c: {  	s17 =	sshll.u32 s0, $0xA;
	s2 =	sadd.s32 s3, s2  }
0x8d: {  	s2 =	sadd.s32 s2, s17  }
0x8e: {  	[smem:$0x3FC2] =	sst s2  }
0x8f: {  	_ = 	snop  }
0x90: {  	s2 =	sld [smem:$0x3FC6]  }
0x91: {  	s18 =	sld [smem:$0x3FD0];
	(tm) =	ssettm $0x1  }
0x92: {  	s4 =	sld [smem:$0x3FFB];
	_ =	sdelay $0x3  }
0x93: {  	_ =	strace s4  }
0x94: {  	s4 =	sld [smem:$0x3FFC];
	_ =	sdelay $0x3  }
0x95: {  	_ =	strace s4  }
0x96: {  	s4 =	sld [smem:$0x3FFD];
	_ =	sdelay $0x3  }
0x97: {  	_ =	strace s4  }
0x98: {  	_ =	strace $0x8FFFFFFF  }
0x99: {  	s19 =	sld [smem:$0x3FDB];
	_ =	sdelay $0x1  }
0x9a: {  	s5 =	simm.s32 $_scs_section_size  }
0x9b: {  	s6 =	simm.s32 $_size__tile_overlayer_lowered;
	s7 =	simm.s32 $_tile_overlayer_lowered  }
0x9c: {  	s22 =	simm.s32 $0x1BFF;
	s21 =	sshll.u32 s7, $0x1;
	s4 =	sadd.s32 s5, s19  }
0x9d: {  	s8 =	simm.s32 $0x0;
	s20 =	sshll.u32 s6, $0x1;
	s6 =	sadd.s32 s21, s4  }
0x9e: {  	[timem:s8], [sflag:s22] =	dma.local [hbm:s6], s20  }
0x9f: {  	_ =	swait.ge [sflag:s22], s20  }
0xa0: {  	s5 =	ssub.s32 $0x0, s20;
	[sflag:s22] =	ssyncset.done $0x0  }
0xa1: {  	[sflag:s22] =	ssyncadd.s32 s5;
	_ =	sdelay $0x1  }
0xa2: {  	s23 =	simm.s32 $0x1B8B  }
0xa3: {  	_ =	swait.ge [sflag:s23], $0x1  }
0xa4: {  	[sflag:s23] =	ssyncset.done $0x0  }
0xa5: {  	s25 =	simm.s32 $0x1B8E;
	s24 =	sld [smem:$0x3FFE];
	[sflag:s23] =	ssyncadd.s32 $0xFFFFFFFF  }
0xa6: {  	s26 =	simm.s32 $execute0_lowered;
	[smem:$0x3FD2] =	sst s25  }
0xa7: {  	s6 =	sshll.u32 s26, $0x1;
	_ =	strace $0x80000049;
	[dreg:$0x1] =	wrdreg $0xFFFFFFFF  }
0xa8: {  	s28 =	simm.s32 $_size_execute0_lowered;
	s4 =	sadd.s32 s4, s6;
	[dreg:$0x0] =	wrdreg $0x0  }
0xa9: {  	s6 =	sshll.u32 s28, $0x1;
	[dreg:$0x2] =	wrdreg s4  }
0xaa: {  	[dreg:$0x3] =	wrdreg s6  }
0xab: {  	[dreg:$0x4] =	wrdreg $0xC0  }
0xac: {  	_ =	task [dreg:s8], $0x5FFFF  }
0xad: {  	[dreg:$0x1] =	wrdreg $0xFFFFFFFF  }
0xae: {  	[dreg:$0x0] =	wrdreg $0x60  }
0xaf: {  	[dreg:$0x2] =	wrdreg s24  }
0xb0: {  	[dreg:$0x3] =	wrdreg s2  }
0xb1: {  	[dreg:$0x4] =	wrdreg s18  }
0xb2: {  	[dreg:$0x5] =	wrdreg $0x9  }
0xb3: {  	_ =	task.clear_ibuf [dreg:s8], $0x6FFFF;
	_ =	strace $0x90000049  }
0xb4: {  	s29 =	simm.s32 $0x9;
	_ =	strace $0x8000004B  }
0xb5: {  	_ =	swait.ge [sflag:s29], $0x1  }
0xb6: {  	[sflag:s29] =	ssyncadd.s32 $0xFFFFFFFF  }
0xb7: {  	_ =	strace $0x9000004B  }
0xb8: {  	_ =	sfence  }
0xb9: {  	s30 =	sld [smem:$0x0];
	_ =	sdelay $0x2  }
0xba: {  	s31 =	sshll.u32 s1, $0xD;
	s1 =	sshrl.u32 s1, $0x2  }
0xbb: {  	s3 =	sand.u32 $0x4000, s31;
	s1 =	sadd.s32 s1, s30  }
0xbc: {  	s0 =	sor.u32 s3, s0;
	s1 =	sshll.u32 s1, $0x11  }
0xbd: {  	s0 =	sor.u32 s1, s0  }
0xbe: {  	s0 =	sadd.s32 $0x8F2B, s0  }
0xbf: {  	[sflag:s0] =	ssyncadd.remote.s32 $0x1  }
0xc0: {  	_ =	sfence.sel $0xFFFF  }
0xc1: {  	[dreg:$0x0] =	wrdreg $0xFFFFFFFF;
	(pc) =	sbr.abs _section_cstart, $3  }
0xc2: {  	[dreg:$0x1] =	wrdreg $0xFFFFFFFF  }
0xc3: {  	_ =	task.clear_ibuf [dreg:s8], $0x2FFFF;
	_ =	strace $0x9FFFFFFF  }
0xc4: {  	(tm) =	ssettm $0x7FFFFFFF  }
0xc5: {  	_ =	shalt  }
tec
execute0_lowered:
.L_overlay_start_1:
0x0: {  	(tag) =	ssettag $0x1  }
0x1: {  	s8 =	rddreg [dreg:$0x0]  }
0x2: {  	s1 =	rddreg [dreg:$0x1]  }
0x3: {  	s2 =	rddreg [dreg:$0x2]  }
0x4: {  	s0 =	rddreg [dreg:$0x3];
	s3 =	simm.s32 $0x0;
	s4 =	srdreg.scid  }
0x5: {  	s11 =	simm.s32 $0x1;
	s12 =	simm.s32 $0x93A0;
	s13 =	simm.s32 $0x3  }
0x6: {  	s14 =	simm.s32 $0x30E0;
	s16 =	simm.s32 $0x2;
	s17 =	simm.s32 $0x0  }
0x7: {  	v0 =	vimm.s32 $0x0;
	[smem:$0x7FF] =	sst s3;
	s6 =	sand.u32 $0x1, s4;
	s5 =	sadd.s32 $0xC9800, s8  }
.Ltmp0:
0x8: {  	v1 =	vimm.s32 $0x1;
	v2 =	vimm.s32 $0x2;
	v3 =	vimm.s32 $0x3;
	s4 =	stileid.u32;
	_ =	strace $0x8000004A;
	(pc) =	sbr.rel .LBB2_1-.Ltmp0, $4  }
0x9: {  	v4 =	vimm.s32 $0x4;
	v5 =	vimm.s32 $0x5;
	v6 =	vimm.s32 $0x6;
	s7 =	ssub.s32 $0x2, s6;
	s10 =	sshll.u32 s6, $0x4;
	s6 =	sadd.s32 $0x12B400, s8  }
0xa: {  	v7 =	vimm.s32 $0x7;
	v8 =	vimm.s32 $0x8;
	v9 =	vimm.s32 $0x9;
	s8 =	sadd.s32 $0xFA600, s8;
	s9 =	sshrl.u32 s7, $0x1;
	s15 =	sor.u32 s4, s10  }
0xb: {  	v10 =	vimm.s32 $0xA;
	v11 =	vimm.s32 $0xB;
	v12 =	vimm.s32 $0xC;
	s10 =	simm.s32 $0x92A0;
	s9 =	ssub.s32 s7, s9;
	s7 =	smul.u32 $0xC38, s15  }
0xc: {  	v13 =	vimm.s32 $0xD;
	v14 =	vimm.s32 $0xE;
	v15 =	vimm.s32 $0xF;
	p0 =	sne.s32 s15, $0x1F;
	s15 =	simm.s32 $0x61C0;
	s9 =	smax.u32 s9, $0x1  }
.LBB2_5:
0xd: {  	[hbm4b:s19+s3] =	stream.linear.scatter [tilespmem:s15], [sflag:$0x1], $0x2AE0, $0x38;
	[tilespmem:$0x93B0] =	vst v63  }
0xe: {  	_ =	swait.ge [sflag:s11], $0x2AE0  }
0xf: {  	[sflag:s11] =	ssyncset.done $0x0  }
0x10: {  	[sflag:s11] =	ssyncadd.s32 $0xFFFFD520  }
.LBB2_7:
0x11: {  	s17 =	sadd.s32 $0x1, s17  }
0x12: {  	p1 =	sne.s32 s17, s9  }
.Ltmp1:
0x13: {  	_ = 	snop;
	(pc) =	sbr.rel @!p1 .LBB2_8-.Ltmp1, $1  }
0x14: {  	_ =	sdelay $0x3  }
.LBB2_1:
0x15: {  	[tilespmem:s10], [sflag:$0x1] =	stream.linear.gather [hbm4b:s6+s3], $0x100, $0x38;
	[tilespmem:$0x93B0] =	vst v63  }
0x16: {  	_ =	swait.ge [sflag:s11], $0x100  }
0x17: {  	[sflag:s11] =	ssyncset.done $0x0  }
0x18: {  	[sflag:s11] =	ssyncadd.s32 $0xFFFFFF00  }
0x19: {  	[tilespmem:s12], [sflag:$0x1] =	stream.linear.gather [hbm4b:s1+s3], $0x10, $0x38;
	[tilespmem:$0x93B0] =	vst v63  }
0x1a: {  	_ =	swait.ge [sflag:s11], $0x10  }
0x1b: {  	[sflag:s11] =	ssyncset.done $0x0  }
0x1c: {  	[sflag:s11] =	ssyncadd.s32 $0xFFFFFFF0  }
0x1d: {  	v16 =	vld [tilespmem:$0x92A0]  }
0x1e: {  	v17 =	vld [tilespmem:$0x92B0]  }
0x1f: {  	v18 =	vld [tilespmem:$0x92C0]  }
0x20: {  	v19 =	vld [tilespmem:$0x92D0]  }
0x21: {  	v20 =	vld [tilespmem:$0x92E0]  }
0x22: {  	v21 =	vld [tilespmem:$0x92F0]  }
0x23: {  	v22 =	vld [tilespmem:$0x9300]  }
0x24: {  	v23 =	vld [tilespmem:$0x9310]  }
0x25: {  	v24 =	vld [tilespmem:$0x9320]  }
0x26: {  	v25 =	vld [tilespmem:$0x9330]  }
0x27: {  	v26 =	vld [tilespmem:$0x9340]  }
0x28: {  	v27 =	vld [tilespmem:$0x9350]  }
0x29: {  	v28 =	vld [tilespmem:$0x9360]  }
0x2a: {  	v29 =	vld [tilespmem:$0x9370]  }
0x2b: {  	v30 =	vld [tilespmem:$0x9380]  }
0x2c: {  	v31 =	vld [tilespmem:$0x9390]  }
0x2d: {  	s18 =	simm.s32 $0x0;
	v32 =	vld [tilespmem:$0x93A0]  }
.LBB2_2:
0x2e: {  	s19 =	smul.u32 $0x30E, s18;
	_ =	sdelay $0x1  }
0x2f: {  	s19 =	sadd.s32 s7, s19  }
0x30: {  	s19 =	sshll.u32 s19, $0x1  }
0x31: {  	s21 =	simm.s32 $0x0;
	s20 =	sadd.s32 s5, s19  }
0x32: {  	[tilespmem:s21], [sflag:$0x3] =	stream.linear.gather [hbm4b:s20+s21], $0x30E0, $0x38;
	[tilespmem:$0x93B0] =	vst v63  }
0x33: {  	_ =	swait.ge [sflag:s13], $0x30E0  }
0x34: {  	[sflag:s13] =	ssyncset.done $0x0  }
0x35: {  	s31 =	sadd.s32 s19, s8;
	[sflag:s13] =	ssyncadd.s32 $0xFFFFCF20  }
0x36: {  	[tilespmem:s14], [sflag:$0x3] =	stream.linear.gather [hbm4b:s31+s21], $0x30E0, $0x38;
	[tilespmem:$0x93B0] =	vst v63  }
0x37: {  	_ =	swait.ge [sflag:s13], $0x30E0  }
0x38: {  	[sflag:s13] =	ssyncset.done $0x0  }
0x39: {  	s20 =	simm.s32 $0x0;
	[sflag:s13] =	ssyncadd.s32 $0xFFFFCF20  }
0x3a: {  	v33 =	vld [tilespmem:s20+$0x0]  }
0x3b: {  	v34 =	vld [tilespmem:s20+$0x30E0];
	_ =	sdelay $0x4  }
0x3c: {  	v34 =	vadd.f32 v34, v33;
	_ =	sdelay $0x1  }
0x3d: {  	v33 =	vperm.xlane v34, v0;
	_ =	sdelay $0x1  }
0x3e: {  	v35 =	vperm.xlane v34, v1;
	v33 =	vmul.f32 v33, v16;
	_ =	sdelay $0x1  }
0x3f: {  	v36 =	vperm.xlane v34, v2;
	v35 =	vmul.f32 v35, v17;
	v33 =	vadd.f32 v33, v32;
	_ =	sdelay $0x1  }
0x40: {  	v46 =	vperm.xlane v34, v3;
	v45 =	vmul.f32 v36, v18;
	v33 =	vadd.f32 v35, v33;
	_ =	sdelay $0x1  }
0x41: {  	s21 =	simm.s32 $0x10;
	v48 =	vperm.xlane v34, v4;
	v47 =	vmul.f32 v46, v19;
	v33 =	vadd.f32 v45, v33  }
0x42: {  	v37 =	vld [tilespmem:s21+$0x0]  }
0x43: {  	v38 =	vld [tilespmem:s21+$0x30E0];
	v50 =	vperm.xlane v34, v5;
	v49 =	vmul.f32 v48, v20;
	v33 =	vadd.f32 v47, v33;
	_ =	sdelay $0x1  }
0x44: {  	v52 =	vperm.xlane v34, v6;
	v51 =	vmul.f32 v50, v21;
	v33 =	vadd.f32 v49, v33;
	_ =	sdelay $0x1  }
0x45: {  	v39 =	vperm.xlane v34, v7;
	v36 =	vmul.f32 v52, v22;
	v35 =	vadd.f32 v51, v33  }
0x46: {  	v33 =	vadd.f32 v38, v37  }
0x47: {  	v54 =	vperm.xlane v34, v8;
	v53 =	vmul.f32 v39, v23;
	v35 =	vadd.f32 v36, v35  }
0x48: {  	v38 =	vperm.xlane v33, v0  }
0x49: {  	v56 =	vperm.xlane v34, v9;
	v55 =	vmul.f32 v54, v24;
	v35 =	vadd.f32 v53, v35  }
0x4a: {  	v57 =	vperm.xlane v33, v1;
	v38 =	vmul.f32 v38, v16  }
0x4b: {  	v59 =	vperm.xlane v34, v10;
	v58 =	vmul.f32 v56, v25;
	v35 =	vadd.f32 v55, v35  }
0x4c: {  	v40 =	vperm.xlane v33, v2;
	v39 =	vmul.f32 v57, v17;
	v38 =	vadd.f32 v38, v32  }
0x4d: {  	v61 =	vperm.xlane v34, v11;
	v60 =	vmul.f32 v59, v26;
	v35 =	vadd.f32 v58, v35  }
0x4e: {  	v63 =	vperm.xlane v33, v3;
	v62 =	vmul.f32 v40, v18;
	v38 =	vadd.f32 v39, v38  }
0x4f: {  	v43 =	vperm.xlane v34, v12;
	v42 =	vmul.f32 v61, v27;
	v41 =	vadd.f32 v60, v35  }
0x50: {  	s22 =	simm.s32 $0x20;
	v37 =	vmul.f32 v63, v19;
	v36 =	vadd.f32 v62, v38;
	v38 =	vperm.xlane v33, v4  }
0x51: {  	s23 =	simm.s32 $0xC0;
	v40 =	vperm.xlane v34, v13;
	v35 =	vld [tilespmem:s22+$0x0];
	v39 =	vadd.f32 v42, v41;
	v41 =	vmul.f32 v43, v28  }
.LBB2_3:
0x52: {  	p1 =	sne.s32 s23, $0xC340;
	v42 =	vld [tilespmem:s22+$0x30E0];
	v36 =	vadd.f32 v37, v36;
	v37 =	vmul.f32 v38, v20;
	v38 =	vperm.xlane v33, v5  }
0x53: {  	v39 =	vadd.f32 v41, v39;
	v40 =	vmul.f32 v40, v29;
	v41 =	vperm.xlane v34, v14  }
0x54: {  	v36 =	vadd.f32 v37, v36;
	v37 =	vmul.f32 v38, v21;
	v38 =	vperm.xlane v33, v6  }
0x55: {  	v39 =	vadd.f32 v40, v39;
	v40 =	vmul.f32 v41, v30;
	v41 =	vperm.xlane v34, v15;
	v34 =	vmovc v33  }
0x56: {  	v36 =	vadd.f32 v37, v36;
	v37 =	vmul.f32 v38, v22;
	v38 =	vperm.xlane v34, v7  }
0x57: {  	v33 =	vadd.f32 v42, v35;
	v35 =	vadd.f32 v40, v39;
	v39 =	vmul.f32 v41, v31  }
0x58: {  	v36 =	vadd.f32 v37, v36;
	v37 =	vmul.f32 v38, v23;
	v38 =	vperm.xlane v34, v8  }
0x59: {  	v40 =	vperm.xlane v33, v0;
	v35 =	vadd.f32 v39, v35  }
0x5a: {  	v36 =	vadd.f32 v37, v36;
	v37 =	vmul.f32 v38, v24;
	v38 =	vperm.xlane v34, v9  }
0x5b: {  	v39 =	vmul.f32 v40, v16;
	v40 =	vperm.xlane v33, v1;
	v35 =	vmax.f32 v35, $0.0e+00  }
0x5c: {  	v36 =	vadd.f32 v37, v36;
	v37 =	vmul.f32 v38, v25;
	v38 =	vperm.xlane v34, v10;
	[tilespmem:s20+$0x61C0] =	vst v35;
	s20 =	smov.u32 s21;
	s21 =	smov.u32 s22  }
0x5d: {  	v35 =	vadd.f32 v39, v32;
	v39 =	vmul.f32 v40, v17;
	v40 =	vperm.xlane v33, v2  }
.Ltmp2:
0x5e: {  	v36 =	vadd.f32 v37, v36;
	v37 =	vmul.f32 v38, v26;
	v38 =	vperm.xlane v34, v11;
	(pc) =	sbr.rel @p1 .LBB2_3-.Ltmp2, $4  }
0x5f: {  	v35 =	vadd.f32 v39, v35;
	v39 =	vmul.f32 v40, v18;
	v40 =	vperm.xlane v33, v3  }
0x60: {  	v43 =	vperm.xlane v34, v12;
	v41 =	vadd.f32 v37, v36;
	v42 =	vmul.f32 v38, v27  }
0x61: {  	s22 =	sshra.s32 s23, $0x2;
	v38 =	vperm.xlane v33, v4;
	v36 =	vadd.f32 v39, v35;
	v37 =	vmul.f32 v40, v19  }
0x62: {  	s23 =	sadd.s32 $0x40, s23;
	v40 =	vperm.xlane v34, v13;
	v35 =	vld [tilespmem:s22+$0x0];
	v39 =	vadd.f32 v42, v41;
	v41 =	vmul.f32 v43, v28  }
0x63: {  	v42 =	vld [tilespmem:s22+$0x30E0];
	_ =	sdelay $0x4  }
0x64: {  	v35 =	vadd.f32 v42, v35;
	_ =	sdelay $0x1  }
0x65: {  	v42 =	vperm.xlane v35, v0  }
0x66: {  	v51 =	vmul.f32 v38, v20  }
0x67: {  	v43 =	vperm.xlane v35, v1;
	v42 =	vmul.f32 v42, v16  }
0x68: {  	v55 =	vperm.xlane v33, v5;
	v58 =	vperm.xlane v34, v14  }
0x69: {  	v54 =	vperm.xlane v35, v2;
	v53 =	vmul.f32 v43, v17;
	v52 =	vadd.f32 v42, v32  }
0x6a: {  	v61 =	vperm.xlane v33, v6;
	v45 =	vperm.xlane v34, v15  }
0x6b: {  	v57 =	vperm.xlane v35, v3;
	v56 =	vmul.f32 v54, v18;
	v38 =	vadd.f32 v53, v52  }
0x6c: {  	v36 =	vadd.f32 v37, v36;
	v48 =	vperm.xlane v33, v7;
	v40 =	vmul.f32 v40, v29  }
0x6d: {  	v60 =	vperm.xlane v35, v4;
	v59 =	vmul.f32 v57, v19;
	v38 =	vadd.f32 v56, v38  }
0x6e: {  	v39 =	vadd.f32 v41, v39;
	v41 =	vmul.f32 v55, v21;
	v37 =	vmul.f32 v58, v30  }
0x6f: {  	v63 =	vperm.xlane v35, v5;
	v62 =	vmul.f32 v60, v20;
	v38 =	vadd.f32 v59, v38  }
0x70: {  	v36 =	vadd.f32 v51, v36;
	v34 =	vmul.f32 v45, v31;
	v51 =	vperm.xlane v33, v8  }
0x71: {  	v47 =	vperm.xlane v35, v6;
	v46 =	vmul.f32 v63, v21;
	v38 =	vadd.f32 v62, v38  }
0x72: {  	v39 =	vadd.f32 v40, v39;
	v40 =	vmul.f32 v61, v22;
	v36 =	vadd.f32 v41, v36  }
0x73: {  	v50 =	vperm.xlane v35, v7;
	v49 =	vmul.f32 v47, v22;
	v38 =	vadd.f32 v46, v38  }
0x74: {  	v37 =	vadd.f32 v37, v39;
	v39 =	vmul.f32 v48, v23;
	v36 =	vadd.f32 v40, v36  }
0x75: {  	v52 =	vmul.f32 v50, v23;
	v53 =	vperm.xlane v35, v8;
	v38 =	vadd.f32 v49, v38  }
0x76: {  	v55 =	vperm.xlane v33, v9;
	v36 =	vadd.f32 v39, v36;
	v54 =	vmul.f32 v51, v24  }
0x77: {  	v57 =	vperm.xlane v35, v9;
	v56 =	vmul.f32 v53, v24;
	v38 =	vadd.f32 v52, v38  }
0x78: {  	v58 =	vmul.f32 v55, v25;
	v36 =	vadd.f32 v54, v36;
	v59 =	vperm.xlane v33, v10  }
0x79: {  	v61 =	vperm.xlane v35, v10;
	v60 =	vmul.f32 v57, v25;
	v38 =	vadd.f32 v56, v38  }
0x7a: {  	v63 =	vperm.xlane v33, v11;
	v36 =	vadd.f32 v58, v36;
	v62 =	vmul.f32 v59, v26  }
0x7b: {  	v45 =	vmul.f32 v61, v26;
	v46 =	vperm.xlane v35, v11;
	v38 =	vadd.f32 v60, v38  }
0x7c: {  	v48 =	vperm.xlane v33, v12;
	v47 =	vmul.f32 v63, v27;
	v36 =	vadd.f32 v62, v36  }
0x7d: {  	v50 =	vperm.xlane v35, v12;
	v49 =	vmul.f32 v46, v27;
	v38 =	vadd.f32 v45, v38  }
0x7e: {  	v51 =	vmul.f32 v48, v28;
	v36 =	vadd.f32 v47, v36;
	v52 =	vperm.xlane v33, v13  }
0x7f: {  	v54 =	vperm.xlane v35, v13;
	v53 =	vmul.f32 v50, v28;
	v38 =	vadd.f32 v49, v38  }
0x80: {  	v36 =	vadd.f32 v51, v36;
	v55 =	vmul.f32 v52, v29;
	v56 =	vperm.xlane v33, v14  }
0x81: {  	v57 =	vmul.f32 v54, v29;
	v58 =	vperm.xlane v35, v14;
	v38 =	vadd.f32 v53, v38  }
0x82: {  	v36 =	vadd.f32 v55, v36;
	v59 =	vmul.f32 v56, v30;
	v60 =	vperm.xlane v33, v15  }
0x83: {  	v61 =	vmul.f32 v58, v30;
	v35 =	vperm.xlane v35, v15;
	v38 =	vadd.f32 v57, v38  }
0x84: {  	p1 =	sne.s32 @!p0 s18, $0x3;
	v36 =	vadd.f32 v59, v36;
	v33 =	vmul.f32 v60, v31  }
0x85: {  	p1 =	por p0, p1;
	v34 =	vadd.f32 v34, v37;
	v35 =	vmul.f32 v35, v31;
	v62 =	vadd.f32 v61, v38  }
.Ltmp3:
0x86: {  	v33 =	vadd.f32 v33, v36;
	(pc) =	sbr.rel @!p1 .LBB2_5-.Ltmp3, $4  }
0x87: {  	v34 =	vmax.f32 v34, $0.0e+00;
	v35 =	vadd.f32 v35, v62  }
0x88: {  	[tilespmem:s20+$0x61C0] =	vst v34;
	v33 =	vmax.f32 v33, $0.0e+00  }
0x89: {  	[tilespmem:s21+$0x61C0] =	vst v33;
	v63 =	vmax.f32 v35, $0.0e+00  }
0x8a: {  	s19 =	sadd.s32 s2, s19;
	[tilespmem:s22+$0x61C0] =	vst v63  }
0x8b: {  	[hbm4b:s19+s3] =	stream.linear.scatter [tilespmem:s15], [sflag:$0x2], $0x30E0, $0x38;
	[tilespmem:$0x93B0] =	vst v63  }
0x8c: {  	s18 =	sadd.s32 $0x1, s18  }
0x8d: {  	p1 =	sne.s32 s18, $0x4  }
.Ltmp4:
0x8e: {  	_ = 	snop;
	(pc) =	sbr.rel @p1 .LBB2_2-.Ltmp4, $4  }
.Ltmp5:
0x8f: {  	_ = 	snop;
	(pc) =	sbr.rel @!p1 .LBB2_7-.Ltmp5, $4  }
0x90: {  	_ =	swait.ge [sflag:s16], $0x30E0  }
0x91: {  	[sflag:s16] =	ssyncset.done $0x0  }
0x92: {  	[sflag:s16] =	ssyncadd.s32 $0xFFFFCF20  }
0x93: {  	_ = 	snop  }
.LBB2_8:
0x94: {  	_ =	sfence.sel $0x180000  }
0x95: {  	[bflag:$0x0] =	sbarrier.arrive $0xFFFF  }
0x96: {  	p0 =	sne.s32 s4, $0x0;
	_ =	strace $0x9000004A  }
0x97: {  	s0 =	sadd.s32 @!p0 $0x100000, s0;
	[bflag:$0x2] =	sbarrier.arrive $0xFFFF  }
0x98: {  	[sflag:s0] =	ssyncadd.tile.s32 @!p0 $0x1;
	_ =	shalt  }
.Lfunc_end2:
_tile_overlayer_lowered:
.L_overlay_start_2:
0x99: {  	(tag) =	ssettag $0x2  }
0x9a: {  	s0 =	rddreg [dreg:$0x0];
	s2 =	stileid.u32  }
0x9b: {  	s1 =	rddreg [dreg:$0x1];
	p0 =	sne.s32 s2, $0x0  }
0x9c: {  	s3 =	rddreg [dreg:$0x2];
	[bflag:$0x3] =	sbarrier.arrive $0xFFFF;
	s2 =	simm.s32 @!p0 $0x1C01  }
0x9d: {  	[timem:s3], [sflag:s2] =	dma.local @!p0 [hbm:s0], s1  }
0x9e: {  	s0 =	simm.s32 @!p0 $0x1  }
0x9f: {  	_ =	swait.ge @!p0 [sflag:s0], s1  }
0xa0: {  	s1 =	ssub.s32 @!p0 $0x0, s1;
	[sflag:s0] =	ssyncset.done @!p0 $0x0  }
0xa1: {  	[sflag:s0] =	ssyncadd.s32 @!p0 s1  }
0xa2: {  	[bflag:$0x3] =	sbarrier.arrive $0xFFFF  }
0xa3: {  	_ =	shalt  }

</sc_bundles>
